<compile_context>
chip_gen: v7x
topology: tpu7x:2x2x1
jax: 0.10.2.dev20260603
libtpu: 0.0.44.dev20260713+nightly
codegen_flags: <defaults>
</compile_context>

<pallas_src>
import functools

import jax
import jax.numpy as jnp
import numpy as np
from jax import lax
from jax.experimental import pallas as pl
from jax.experimental.pallas import tpu as pltpu
from jax.experimental.pallas import tpu_sc as plsc

N_NODES = 100000
N_EDGES = 6400000
D_IN = 10
DP = 16

NC = 2
NS = 16
NW = NC * NS

S = 128
J = 5
CHUNK = J * S
NCHUNKS = N_EDGES // CHUNK
KFULL = 312
NREM = NCHUNKS - KFULL * NW

ZCHUNK = 1280
NZROUNDS = -(-N_NODES // (NS * ZCHUNK))
N_FULL_Z = N_NODES // ZCHUNK
Z_TAIL = N_NODES - N_FULL_Z * ZCHUNK

_MESH = plsc.VectorSubcoreMesh(core_axis_name="c", subcore_axis_name="s")

_PSEL = np.zeros((128, 128), np.float32)
for _i in range(128):
    _PSEL[16 * (_i // 16) + D_IN, _i] = 1.0


@functools.partial(
    pl.kernel,
    out_type=jax.ShapeDtypeStruct((NC * N_NODES, DP), jnp.float32),
    mesh=_MESH,
    scratch_types=[
        pltpu.VMEM((J, 2, S), jnp.int32),
        pltpu.VMEM((J, 2, S), jnp.int32),
        pltpu.VMEM((CHUNK, DP), jnp.float32),
        pltpu.VMEM((CHUNK, DP), jnp.float32),
        pltpu.VMEM_SHARED((N_NODES, DP), jnp.float32),
        pltpu.SemaphoreType.DMA,
        pltpu.SemaphoreType.DMA,
        pltpu.SemaphoreType.DMA,
    ],
    compiler_params=pltpu.CompilerParams(use_tc_tiling_on_sc=False),
)
def _edge_aggregate(xpad_hbm, ei_hbm, zeros_hbm, out_hbm,
                    sdv0, sdv1, rows0, rows1,
                    acc, gsem, ssem, isem):
    c = lax.axis_index("c")
    s = lax.axis_index("s")
    wid = c * NS + s

    sdv = (sdv0, sdv1)
    rows = (rows0, rows1)

    @pl.loop(0, NZROUNDS)
    def _zero(k):
        m = k * NS + s
        off = m * ZCHUNK

        @pl.when(off + ZCHUNK <= N_NODES)
        def _():
            pltpu.sync_copy(zeros_hbm, acc.at[pl.ds(off, ZCHUNK)])

        @pl.when(m == N_FULL_Z)
        def _():
            pltpu.sync_copy(zeros_hbm.at[pl.ds(0, Z_TAIL)],
                            acc.at[pl.ds(N_FULL_Z * ZCHUNK, Z_TAIL)])

    plsc.subcore_barrier()

    def fire_gathers(p):
        for j in range(J):
            pltpu.async_copy(xpad_hbm.at[sdv[p].at[j, 0]],
                             rows[p].at[pl.ds(j * S, S)], gsem)

    def drain_gathers(p):
        for j in range(J):
            pltpu.make_async_copy(xpad_hbm.at[sdv[p].at[j, 0]],
                                  rows[p].at[pl.ds(j * S, S)], gsem).wait()

    def fire_scatters(p):
        for j in range(J):
            pltpu.async_copy(rows[p].at[pl.ds(j * S, S)],
                             acc.at[sdv[p].at[j, 1]], ssem, add=True)

    def drain_scatters(p):
        for j in range(J):
            pltpu.make_async_copy(rows[p].at[pl.ds(j * S, S)],
                                  acc.at[sdv[p].at[j, 1]], ssem).wait()

    def fire_idx(cid, p):
        r0 = cid * J
        for j in range(J):
            pltpu.async_copy(ei_hbm.at[r0 + j], sdv[p].at[j], isem)

    def drain_idx(cid, p):
        r0 = cid * J
        for j in range(J):
            pltpu.make_async_copy(ei_hbm.at[r0 + j], sdv[p].at[j],
                                  isem).wait()

    fire_idx(wid, 0)
    drain_idx(wid, 0)
    fire_gathers(0)

    @pl.loop(0, KFULL // 2)
    def _pair(t):
        a = (2 * t) * NW + wid
        b = a + NW

        @pl.when(t >= 1)
        def _():
            drain_scatters(1)
        fire_idx(b, 1)
        drain_gathers(0)
        fire_scatters(0)
        drain_idx(b, 1)
        fire_gathers(1)

        drain_scatters(0)

        @pl.when(t < KFULL // 2 - 1)
        def _():
            fire_idx(b + NW, 0)
        drain_gathers(1)
        fire_scatters(1)

        @pl.when(t < KFULL // 2 - 1)
        def _():
            drain_idx(b + NW, 0)
            fire_gathers(0)

    drain_scatters(1)

    @pl.when(wid < NREM)
    def _():
        fire_idx(KFULL * NW + wid, 0)
        drain_idx(KFULL * NW + wid, 0)
        fire_gathers(0)
        drain_gathers(0)
        fire_scatters(0)
        drain_scatters(0)

    plsc.subcore_barrier()

    @pl.loop(0, NZROUNDS)
    def _drain(k):
        m = k * NS + s
        off = m * ZCHUNK

        @pl.when(off + ZCHUNK <= N_NODES)
        def _():
            pltpu.sync_copy(acc.at[pl.ds(off, ZCHUNK)],
                            out_hbm.at[pl.ds(c * N_NODES + off, ZCHUNK)])

        @pl.when(m == N_FULL_Z)
        def _():
            pltpu.sync_copy(
                acc.at[pl.ds(N_FULL_Z * ZCHUNK, Z_TAIL)],
                out_hbm.at[pl.ds(c * N_NODES + N_FULL_Z * ZCHUNK, Z_TAIL)])


PROWS = N_NODES * DP // 128
FB_ROWS = 512
FGRID = -(-PROWS // FB_ROWS)


def _finish_body(p_ref, psel_ref, mbd_ref, o_ref):
    sums = p_ref[0] + p_ref[1]
    cnt = jnp.dot(sums, psel_ref[...],
                  preferred_element_type=jnp.float32)
    agg = sums / cnt
    out = jnp.dot(agg, mbd_ref[...], preferred_element_type=jnp.float32)
    o_ref[...] = jnp.maximum(out, 0.0)


def kernel(x, edge_index, W, B):
    x16 = jnp.concatenate(
        [x, jnp.ones((N_NODES, 1), jnp.float32),
         jnp.zeros((N_NODES, DP - D_IN - 1), jnp.float32)], axis=1)

    zeros2 = jnp.zeros((ZCHUNK, DP), jnp.float32)
    ei3 = edge_index.reshape(2, N_EDGES // S, S).transpose(1, 0, 2)
    partials = _edge_aggregate(x16, ei3, zeros2)
    p128 = partials.reshape(2, PROWS, 128)

    mp = jnp.zeros((DP, DP), jnp.float32)
    mp = mp.at[:D_IN, :D_IN].set((W + B).T)
    mbd = jnp.kron(jnp.eye(8, dtype=jnp.float32), mp)
    psel = jnp.asarray(_PSEL)

    out128 = pl.pallas_call(
        _finish_body,
        grid=(FGRID,),
        in_specs=[
            pl.BlockSpec((2, FB_ROWS, 128), lambda g: (0, g, 0)),
            pl.BlockSpec((128, 128), lambda g: (0, 0)),
            pl.BlockSpec((128, 128), lambda g: (0, 0)),
        ],
        out_specs=pl.BlockSpec((FB_ROWS, 128), lambda g: (g, 0)),
        out_shape=jax.ShapeDtypeStruct((PROWS, 128), jnp.float32),
    )(p128, psel, mbd)
    return out128.reshape(N_NODES, DP)[:, :D_IN]

# --- scband reference (transcript-rebuilt; emitter-appended) ---
"""Pipeline reference for scband-message-passing-41480794145043 (READ-ONLY COPY).

The authoritative reference and input builder live on the scoring server;
editing this copy changes nothing except your own understanding.
"""

import jax, jax.numpy as jnp
import numpy as np

N = 100000
E = 6400000
D = 10  # MessagePassing.FEATURES_DIM


def setup_inputs(seed: int = 0) -> dict:
    key = jax.random.key(seed)
    k1, k2, k3, k4 = jax.random.split(key, 4)
    # node features (torch.rand -> uniform [0,1))
    x = jax.random.uniform(k1, (N, D), dtype=jnp.float32)
    # edge_list as [2, E] int tensor: row 0 = source (na), row 1 = destination (nb)
    edge_index = jax.random.randint(k2, (2, E), 0, N, dtype=jnp.int32)
    # learned linear weights (torch.nn.Linear(D, D, bias=False) -> y = x @ W.T)
    W = jax.random.normal(k3, (D, D), dtype=jnp.float32) * 0.3
    B = jax.random.normal(k4, (D, D), dtype=jnp.float32) * 0.3
    return {"x": x, "edge_index": edge_index, "W": W, "B": B}


def reference(x, edge_index, W, B):
    src = edge_index[0]
    dst = edge_index[1]
    # for na, nb in edge_list: neighbours_aggregated[nb] += node_features[na]; neighbour_count[nb] += 1
    gathered = jnp.take(x, src, axis=0)                                  # gather
    neighbours_aggregated = jax.ops.segment_sum(gathered, dst, num_segments=N)  # scatter-add
    neighbour_count = jax.ops.segment_sum(
        jnp.ones((edge_index.shape[1],), dtype=x.dtype), dst, num_segments=N
    )
    # aggregated = neighbours_aggregated[node] / neighbour_count[node]
    aggregated = neighbours_aggregated / neighbour_count[:, None]
    # node_features[node] = relu(W(aggregated) + B(aggregated))
    out = jnp.maximum(aggregated @ W.T + aggregated @ B.T, 0.0)
    return out

if __name__ == "__main__":
    import jax
    _d = setup_inputs()
    print(jax.jit(kernel)(*tuple(_d.values())))

</pallas_src>

<mosaic_0001>
#map = affine_map<(d0, d1) -> (0, 0)>
#map1 = affine_map<(d0, d1) -> (0, 0, 0)>
module attributes {stable_mosaic.version = 14 : i64} {
  func.func @_edge_aggregate(%arg0: i32, %arg1: i32, %arg2: memref<100000x16xf32, #tpu.memory_space<hbm>>, %arg3: memref<50000x2x128xi32, #tpu.memory_space<hbm>>, %arg4: memref<1280x16xf32, #tpu.memory_space<hbm>>, %arg5: memref<200000x16xf32, #tpu.memory_space<hbm>>, %arg6: memref<5x2x128xi32, #tpu.memory_space<vmem>>, %arg7: memref<5x2x128xi32, #tpu.memory_space<vmem>>, %arg8: memref<640x16xf32, #tpu.memory_space<vmem>>, %arg9: memref<640x16xf32, #tpu.memory_space<vmem>>, %arg10: memref<100000x16xf32, #tpu.memory_space<vmem_shared>>, %arg11: memref<!tpu.dma_semaphore, #tpu.memory_space<semaphore_mem>>, %arg12: memref<!tpu.dma_semaphore, #tpu.memory_space<semaphore_mem>>, %arg13: memref<!tpu.dma_semaphore, #tpu.memory_space<semaphore_mem>>) attributes {dimension_semantics = [#tpu.dimension_semantics<core_parallel>, #tpu.dimension_semantics<subcore_parallel>], iteration_bounds = array<i64: 2, 16>, scalar_prefetch = 0 : i64, scratch_operands = 8 : i64, tpu.core_type = #tpu.core_type<sc_vector_subcore>, window_params = [{transform_indices = #map}, {transform_indices = #map1}, {transform_indices = #map}, {transform_indices = #map}]} {
    %mul3A = arith.constant 16 : i32
    %mul3A_0 = arith.muli %arg0, %mul3A : i32
    %add3A = arith.addi %mul3A_0, %arg1 : i32
    %scan3A = arith.constant 0 : i32
    %scan3A_1 = arith.constant 5 : i32
    %scan3A_2 = arith.addi %scan3A, %scan3A_1 : i32
    %scan3A_3 = arith.constant 1 : i32
    scf.for %scan3A_320 = %scan3A to %scan3A_2 step %scan3A_3  : i32 {
      %mul3A_321 = arith.constant 1 : i32
      %mul3A_322 = arith.muli %scan3A_320, %mul3A_321 : i32
      %add3A_323 = arith.constant 0 : i32
      %add3A_324 = arith.addi %add3A_323, %mul3A_322 : i32
      %mul3A_325 = arith.constant 16 : i32
      %mul3A_326 = arith.muli %add3A_324, %mul3A_325 : i32
      %add3A_327 = arith.addi %mul3A_326, %arg1 : i32
      %mul3A_328 = arith.constant 1280 : i32
      %mul3A_329 = arith.muli %add3A_327, %mul3A_328 : i32
      %add3A_330 = arith.constant 1280 : i32
      %add3A_331 = arith.addi %mul3A_329, %add3A_330 : i32
      %le3A = arith.constant 100000 : i32
      %le3A_332 = arith.cmpi sle, %add3A_331, %le3A : i32
      %convert_element_type3A_333 = arith.extui %le3A_332 : i1 to i32
      %cond3A_334 = arith.constant 0 : i32
      %cond3A_335 = arith.cmpi ne, %convert_element_type3A_333, %cond3A_334 : i32
      scf.if %cond3A_335 {
        "tpu.region"() ({
          %run_scoped3A = tpu.sem_alloc : memref<!tpu.dma_semaphore, #tpu.memory_space<semaphore_mem>>
          %dma_start3A_340 = arith.constant 0 : i32
          %dma_start3A_341 = tpu.memref_slice %arg10[%mul3A_329, %dma_start3A_340] : memref<100000x16xf32, #tpu.memory_space<vmem_shared>> -> memref<1280x16xf32, #tpu.memory_space<vmem_shared>>
          tpu.enqueue_dma source(%arg4 : memref<1280x16xf32, #tpu.memory_space<hbm>>) target(%dma_start3A_341 : memref<1280x16xf32, #tpu.memory_space<vmem_shared>>) target_semaphore(%run_scoped3A : memref<!tpu.dma_semaphore, #tpu.memory_space<semaphore_mem>>)
          %dma_wait3A_342 = arith.constant 0 : i32
          %dma_wait3A_343 = tpu.memref_slice %arg10[%mul3A_329, %dma_wait3A_342] : memref<100000x16xf32, #tpu.memory_space<vmem_shared>> -> memref<1280x16xf32, #tpu.memory_space<vmem_shared>>
          tpu.wait_dma2 semaphore(%run_scoped3A : memref<!tpu.dma_semaphore, #tpu.memory_space<semaphore_mem>>) src(%arg4 : memref<1280x16xf32, #tpu.memory_space<hbm>>) dst(%dma_wait3A_343 : memref<1280x16xf32, #tpu.memory_space<vmem_shared>>)
          tpu.yield
        }) : () -> ()
      } else {
      }
      %eq3A = arith.constant 78 : i32
      %eq3A_336 = arith.cmpi eq, %add3A_327, %eq3A : i32
      %convert_element_type3A_337 = arith.extui %eq3A_336 : i1 to i32
      %cond3A_338 = arith.constant 0 : i32
      %cond3A_339 = arith.cmpi ne, %convert_element_type3A_337, %cond3A_338 : i32
      scf.if %cond3A_339 {
        "tpu.region"() ({
          %run_scoped3A = tpu.sem_alloc : memref<!tpu.dma_semaphore, #tpu.memory_space<semaphore_mem>>
          %dma_start3A_340 = arith.constant 99840 : i32
          %dma_start3A_341 = arith.constant 0 : i32
          %dma_start3A_342 = tpu.memref_slice %arg10[%dma_start3A_340, %dma_start3A_341] : memref<100000x16xf32, #tpu.memory_space<vmem_shared>> -> memref<160x16xf32, #tpu.memory_space<vmem_shared>>
          %dma_start3A_343 = arith.constant 0 : i32
          %dma_start3A_344 = arith.constant 0 : i32
          %dma_start3A_345 = tpu.memref_slice %arg4[%dma_start3A_343, %dma_start3A_344] : memref<1280x16xf32, #tpu.memory_space<hbm>> -> memref<160x16xf32, #tpu.memory_space<hbm>>
          tpu.enqueue_dma source(%dma_start3A_345 : memref<160x16xf32, #tpu.memory_space<hbm>>) target(%dma_start3A_342 : memref<160x16xf32, #tpu.memory_space<vmem_shared>>) target_semaphore(%run_scoped3A : memref<!tpu.dma_semaphore, #tpu.memory_space<semaphore_mem>>)
          %dma_wait3A_346 = arith.constant 99840 : i32
          %dma_wait3A_347 = arith.constant 0 : i32
          %dma_wait3A_348 = tpu.memref_slice %arg10[%dma_wait3A_346, %dma_wait3A_347] : memref<100000x16xf32, #tpu.memory_space<vmem_shared>> -> memref<160x16xf32, #tpu.memory_space<vmem_shared>>
          %dma_wait3A_349 = arith.constant 0 : i32
          %dma_wait3A_350 = arith.constant 0 : i32
          %dma_wait3A_351 = tpu.memref_slice %arg4[%dma_wait3A_349, %dma_wait3A_350] : memref<1280x16xf32, #tpu.memory_space<hbm>> -> memref<160x16xf32, #tpu.memory_space<hbm>>
          tpu.wait_dma2 semaphore(%run_scoped3A : memref<!tpu.dma_semaphore, #tpu.memory_space<semaphore_mem>>) src(%dma_wait3A_351 : memref<160x16xf32, #tpu.memory_space<hbm>>) dst(%dma_wait3A_348 : memref<160x16xf32, #tpu.memory_space<vmem_shared>>)
          tpu.yield
        }) : () -> ()
      } else {
      }
    }
    %scan3A_4 = arith.constant 5 : i32
    %barrier3A = arith.constant 0 : index
    tpu.barrier barrier_id(%barrier3A)
    %mul3A_5 = arith.constant 5 : i32
    %mul3A_6 = arith.muli %add3A, %mul3A_5 : i32
    %add3A_7 = arith.constant 0 : i32
    %add3A_8 = arith.addi %mul3A_6, %add3A_7 : i32
    %dma_start3A = arith.constant 0 : i32
    %dma_start3A_9 = arith.constant 0 : i32
    %dma_start3A_10 = arith.constant 0 : i32
    %dma_start3A_11 = tpu.memref_slice %arg6[%dma_start3A, %dma_start3A_9, %dma_start3A_10] : memref<5x2x128xi32, #tpu.memory_space<vmem>> -> memref<1x2x128xi32, #tpu.memory_space<vmem>>
    %dma_start3A_12 = tpu.memref_squeeze %dma_start3A_11 : memref<1x2x128xi32, #tpu.memory_space<vmem>> -> memref<2x128xi32, #tpu.memory_space<vmem>>
    %dma_start3A_13 = arith.constant 0 : i32
    %dma_start3A_14 = arith.constant 0 : i32
    %dma_start3A_15 = tpu.memref_slice %arg3[%add3A_8, %dma_start3A_13, %dma_start3A_14] : memref<50000x2x128xi32, #tpu.memory_space<hbm>> -> memref<1x2x128xi32, #tpu.memory_space<hbm>>
    %dma_start3A_16 = tpu.memref_squeeze %dma_start3A_15 : memref<1x2x128xi32, #tpu.memory_space<hbm>> -> memref<2x128xi32, #tpu.memory_space<hbm>>
    %dma_start3A_17 = arith.constant 0 : i32
    %dma_start3A_18 = arith.constant 0 : i32
    %dma_start3A_19 = tpu.memref_slice %arg6[%dma_start3A, %dma_start3A_17, %dma_start3A_18] : memref<5x2x128xi32, #tpu.memory_space<vmem>> -> memref<1x2x128xi32, #tpu.memory_space<vmem>>
    %dma_start3A_20 = tpu.memref_squeeze %dma_start3A_19 : memref<1x2x128xi32, #tpu.memory_space<vmem>> -> memref<2x128xi32, #tpu.memory_space<vmem>>
    %dma_start3A_21 = arith.constant 0 : i32
    %dma_start3A_22 = arith.constant 0 : i32
    %dma_start3A_23 = tpu.memref_slice %arg3[%add3A_8, %dma_start3A_21, %dma_start3A_22] : memref<50000x2x128xi32, #tpu.memory_space<hbm>> -> memref<1x2x128xi32, #tpu.memory_space<hbm>>
    %dma_start3A_24 = tpu.memref_squeeze %dma_start3A_23 : memref<1x2x128xi32, #tpu.memory_space<hbm>> -> memref<2x128xi32, #tpu.memory_space<hbm>>
    tpu.enqueue_dma source(%dma_start3A_24 : memref<2x128xi32, #tpu.memory_space<hbm>>) target(%dma_start3A_20 : memref<2x128xi32, #tpu.memory_space<vmem>>) target_semaphore(%arg13 : memref<!tpu.dma_semaphore, #tpu.memory_space<semaphore_mem>>)
    %add3A_25 = arith.constant 1 : i32
    %add3A_26 = arith.addi %mul3A_6, %add3A_25 : i32
    %dma_start3A_27 = arith.constant 1 : i32
    %dma_start3A_28 = arith.constant 0 : i32
    %dma_start3A_29 = arith.constant 0 : i32
    %dma_start3A_30 = tpu.memref_slice %arg6[%dma_start3A_27, %dma_start3A_28, %dma_start3A_29] : memref<5x2x128xi32, #tpu.memory_space<vmem>> -> memref<1x2x128xi32, #tpu.memory_space<vmem>>
    %dma_start3A_31 = tpu.memref_squeeze %dma_start3A_30 : memref<1x2x128xi32, #tpu.memory_space<vmem>> -> memref<2x128xi32, #tpu.memory_space<vmem>>
    %dma_start3A_32 = arith.constant 0 : i32
    %dma_start3A_33 = arith.constant 0 : i32
    %dma_start3A_34 = tpu.memref_slice %arg3[%add3A_26, %dma_start3A_32, %dma_start3A_33] : memref<50000x2x128xi32, #tpu.memory_space<hbm>> -> memref<1x2x128xi32, #tpu.memory_space<hbm>>
    %dma_start3A_35 = tpu.memref_squeeze %dma_start3A_34 : memref<1x2x128xi32, #tpu.memory_space<hbm>> -> memref<2x128xi32, #tpu.memory_space<hbm>>
    %dma_start3A_36 = arith.constant 0 : i32
    %dma_start3A_37 = arith.constant 0 : i32
    %dma_start3A_38 = tpu.memref_slice %arg6[%dma_start3A_27, %dma_start3A_36, %dma_start3A_37] : memref<5x2x128xi32, #tpu.memory_space<vmem>> -> memref<1x2x128xi32, #tpu.memory_space<vmem>>
    %dma_start3A_39 = tpu.memref_squeeze %dma_start3A_38 : memref<1x2x128xi32, #tpu.memory_space<vmem>> -> memref<2x128xi32, #tpu.memory_space<vmem>>
    %dma_start3A_40 = arith.constant 0 : i32
    %dma_start3A_41 = arith.constant 0 : i32
    %dma_start3A_42 = tpu.memref_slice %arg3[%add3A_26, %dma_start3A_40, %dma_start3A_41] : memref<50000x2x128xi32, #tpu.memory_space<hbm>> -> memref<1x2x128xi32, #tpu.memory_space<hbm>>
    %dma_start3A_43 = tpu.memref_squeeze %dma_start3A_42 : memref<1x2x128xi32, #tpu.memory_space<hbm>> -> memref<2x128xi32, #tpu.memory_space<hbm>>
    tpu.enqueue_dma source(%dma_start3A_43 : memref<2x128xi32, #tpu.memory_space<hbm>>) target(%dma_start3A_39 : memref<2x128xi32, #tpu.memory_space<vmem>>) target_semaphore(%arg13 : memref<!tpu.dma_semaphore, #tpu.memory_space<semaphore_mem>>)
    %add3A_44 = arith.constant 2 : i32
    %add3A_45 = arith.addi %mul3A_6, %add3A_44 : i32
    %dma_start3A_46 = arith.constant 2 : i32
    %dma_start3A_47 = arith.constant 0 : i32
    %dma_start3A_48 = arith.constant 0 : i32
    %dma_start3A_49 = tpu.memref_slice %arg6[%dma_start3A_46, %dma_start3A_47, %dma_start3A_48] : memref<5x2x128xi32, #tpu.memory_space<vmem>> -> memref<1x2x128xi32, #tpu.memory_space<vmem>>
    %dma_start3A_50 = tpu.memref_squeeze %dma_start3A_49 : memref<1x2x128xi32, #tpu.memory_space<vmem>> -> memref<2x128xi32, #tpu.memory_space<vmem>>
    %dma_start3A_51 = arith.constant 0 : i32
    %dma_start3A_52 = arith.constant 0 : i32
    %dma_start3A_53 = tpu.memref_slice %arg3[%add3A_45, %dma_start3A_51, %dma_start3A_52] : memref<50000x2x128xi32, #tpu.memory_space<hbm>> -> memref<1x2x128xi32, #tpu.memory_space<hbm>>
    %dma_start3A_54 = tpu.memref_squeeze %dma_start3A_53 : memref<1x2x128xi32, #tpu.memory_space<hbm>> -> memref<2x128xi32, #tpu.memory_space<hbm>>
    %dma_start3A_55 = arith.constant 0 : i32
    %dma_start3A_56 = arith.constant 0 : i32
    %dma_start3A_57 = tpu.memref_slice %arg6[%dma_start3A_46, %dma_start3A_55, %dma_start3A_56] : memref<5x2x128xi32, #tpu.memory_space<vmem>> -> memref<1x2x128xi32, #tpu.memory_space<vmem>>
    %dma_start3A_58 = tpu.memref_squeeze %dma_start3A_57 : memref<1x2x128xi32, #tpu.memory_space<vmem>> -> memref<2x128xi32, #tpu.memory_space<vmem>>
    %dma_start3A_59 = arith.constant 0 : i32
    %dma_start3A_60 = arith.constant 0 : i32
    %dma_start3A_61 = tpu.memref_slice %arg3[%add3A_45, %dma_start3A_59, %dma_start3A_60] : memref<50000x2x128xi32, #tpu.memory_space<hbm>> -> memref<1x2x128xi32, #tpu.memory_space<hbm>>
    %dma_start3A_62 = tpu.memref_squeeze %dma_start3A_61 : memref<1x2x128xi32, #tpu.memory_space<hbm>> -> memref<2x128xi32, #tpu.memory_space<hbm>>
    tpu.enqueue_dma source(%dma_start3A_62 : memref<2x128xi32, #tpu.memory_space<hbm>>) target(%dma_start3A_58 : memref<2x128xi32, #tpu.memory_space<vmem>>) target_semaphore(%arg13 : memref<!tpu.dma_semaphore, #tpu.memory_space<semaphore_mem>>)
    %add3A_63 = arith.constant 3 : i32
    %add3A_64 = arith.addi %mul3A_6, %add3A_63 : i32
    %dma_start3A_65 = arith.constant 3 : i32
    %dma_start3A_66 = arith.constant 0 : i32
    %dma_start3A_67 = arith.constant 0 : i32
    %dma_start3A_68 = tpu.memref_slice %arg6[%dma_start3A_65, %dma_start3A_66, %dma_start3A_67] : memref<5x2x128xi32, #tpu.memory_space<vmem>> -> memref<1x2x128xi32, #tpu.memory_space<vmem>>
    %dma_start3A_69 = tpu.memref_squeeze %dma_start3A_68 : memref<1x2x128xi32, #tpu.memory_space<vmem>> -> memref<2x128xi32, #tpu.memory_space<vmem>>
    %dma_start3A_70 = arith.constant 0 : i32
    %dma_start3A_71 = arith.constant 0 : i32
    %dma_start3A_72 = tpu.memref_slice %arg3[%add3A_64, %dma_start3A_70, %dma_start3A_71] : memref<50000x2x128xi32, #tpu.memory_space<hbm>> -> memref<1x2x128xi32, #tpu.memory_space<hbm>>
    %dma_start3A_73 = tpu.memref_squeeze %dma_start3A_72 : memref<1x2x128xi32, #tpu.memory_space<hbm>> -> memref<2x128xi32, #tpu.memory_space<hbm>>
    %dma_start3A_74 = arith.constant 0 : i32
    %dma_start3A_75 = arith.constant 0 : i32
    %dma_start3A_76 = tpu.memref_slice %arg6[%dma_start3A_65, %dma_start3A_74, %dma_start3A_75] : memref<5x2x128xi32, #tpu.memory_space<vmem>> -> memref<1x2x128xi32, #tpu.memory_space<vmem>>
    %dma_start3A_77 = tpu.memref_squeeze %dma_start3A_76 : memref<1x2x128xi32, #tpu.memory_space<vmem>> -> memref<2x128xi32, #tpu.memory_space<vmem>>
    %dma_start3A_78 = arith.constant 0 : i32
    %dma_start3A_79 = arith.constant 0 : i32
    %dma_start3A_80 = tpu.memref_slice %arg3[%add3A_64, %dma_start3A_78, %dma_start3A_79] : memref<50000x2x128xi32, #tpu.memory_space<hbm>> -> memref<1x2x128xi32, #tpu.memory_space<hbm>>
    %dma_start3A_81 = tpu.memref_squeeze %dma_start3A_80 : memref<1x2x128xi32, #tpu.memory_space<hbm>> -> memref<2x128xi32, #tpu.memory_space<hbm>>
    tpu.enqueue_dma source(%dma_start3A_81 : memref<2x128xi32, #tpu.memory_space<hbm>>) target(%dma_start3A_77 : memref<2x128xi32, #tpu.memory_space<vmem>>) target_semaphore(%arg13 : memref<!tpu.dma_semaphore, #tpu.memory_space<semaphore_mem>>)
    %add3A_82 = arith.constant 4 : i32
    %add3A_83 = arith.addi %mul3A_6, %add3A_82 : i32
    %dma_start3A_84 = arith.constant 4 : i32
    %dma_start3A_85 = arith.constant 0 : i32
    %dma_start3A_86 = arith.constant 0 : i32
    %dma_start3A_87 = tpu.memref_slice %arg6[%dma_start3A_84, %dma_start3A_85, %dma_start3A_86] : memref<5x2x128xi32, #tpu.memory_space<vmem>> -> memref<1x2x128xi32, #tpu.memory_space<vmem>>
    %dma_start3A_88 = tpu.memref_squeeze %dma_start3A_87 : memref<1x2x128xi32, #tpu.memory_space<vmem>> -> memref<2x128xi32, #tpu.memory_space<vmem>>
    %dma_start3A_89 = arith.constant 0 : i32
    %dma_start3A_90 = arith.constant 0 : i32
    %dma_start3A_91 = tpu.memref_slice %arg3[%add3A_83, %dma_start3A_89, %dma_start3A_90] : memref<50000x2x128xi32, #tpu.memory_space<hbm>> -> memref<1x2x128xi32, #tpu.memory_space<hbm>>
    %dma_start3A_92 = tpu.memref_squeeze %dma_start3A_91 : memref<1x2x128xi32, #tpu.memory_space<hbm>> -> memref<2x128xi32, #tpu.memory_space<hbm>>
    %dma_start3A_93 = arith.constant 0 : i32
    %dma_start3A_94 = arith.constant 0 : i32
    %dma_start3A_95 = tpu.memref_slice %arg6[%dma_start3A_84, %dma_start3A_93, %dma_start3A_94] : memref<5x2x128xi32, #tpu.memory_space<vmem>> -> memref<1x2x128xi32, #tpu.memory_space<vmem>>
    %dma_start3A_96 = tpu.memref_squeeze %dma_start3A_95 : memref<1x2x128xi32, #tpu.memory_space<vmem>> -> memref<2x128xi32, #tpu.memory_space<vmem>>
    %dma_start3A_97 = arith.constant 0 : i32
    %dma_start3A_98 = arith.constant 0 : i32
    %dma_start3A_99 = tpu.memref_slice %arg3[%add3A_83, %dma_start3A_97, %dma_start3A_98] : memref<50000x2x128xi32, #tpu.memory_space<hbm>> -> memref<1x2x128xi32, #tpu.memory_space<hbm>>
    %dma_start3A_100 = tpu.memref_squeeze %dma_start3A_99 : memref<1x2x128xi32, #tpu.memory_space<hbm>> -> memref<2x128xi32, #tpu.memory_space<hbm>>
    tpu.enqueue_dma source(%dma_start3A_100 : memref<2x128xi32, #tpu.memory_space<hbm>>) target(%dma_start3A_96 : memref<2x128xi32, #tpu.memory_space<vmem>>) target_semaphore(%arg13 : memref<!tpu.dma_semaphore, #tpu.memory_space<semaphore_mem>>)
    %mul3A_101 = arith.constant 5 : i32
    %mul3A_102 = arith.muli %add3A, %mul3A_101 : i32
    %add3A_103 = arith.constant 0 : i32
    %add3A_104 = arith.addi %mul3A_102, %add3A_103 : i32
    %dma_wait3A = arith.constant 0 : i32
    %dma_wait3A_105 = arith.constant 0 : i32
    %dma_wait3A_106 = arith.constant 0 : i32
    %dma_wait3A_107 = tpu.memref_slice %arg6[%dma_wait3A, %dma_wait3A_105, %dma_wait3A_106] : memref<5x2x128xi32, #tpu.memory_space<vmem>> -> memref<1x2x128xi32, #tpu.memory_space<vmem>>
    %dma_wait3A_108 = tpu.memref_squeeze %dma_wait3A_107 : memref<1x2x128xi32, #tpu.memory_space<vmem>> -> memref<2x128xi32, #tpu.memory_space<vmem>>
    %dma_wait3A_109 = arith.constant 0 : i32
    %dma_wait3A_110 = arith.constant 0 : i32
    %dma_wait3A_111 = tpu.memref_slice %arg3[%add3A_104, %dma_wait3A_109, %dma_wait3A_110] : memref<50000x2x128xi32, #tpu.memory_space<hbm>> -> memref<1x2x128xi32, #tpu.memory_space<hbm>>
    %dma_wait3A_112 = tpu.memref_squeeze %dma_wait3A_111 : memref<1x2x128xi32, #tpu.memory_space<hbm>> -> memref<2x128xi32, #tpu.memory_space<hbm>>
    %dma_wait3A_113 = arith.constant 0 : i32
    %dma_wait3A_114 = arith.constant 0 : i32
    %dma_wait3A_115 = tpu.memref_slice %arg6[%dma_wait3A, %dma_wait3A_113, %dma_wait3A_114] : memref<5x2x128xi32, #tpu.memory_space<vmem>> -> memref<1x2x128xi32, #tpu.memory_space<vmem>>
    %dma_wait3A_116 = tpu.memref_squeeze %dma_wait3A_115 : memref<1x2x128xi32, #tpu.memory_space<vmem>> -> memref<2x128xi32, #tpu.memory_space<vmem>>
    %dma_wait3A_117 = arith.constant 0 : i32
    %dma_wait3A_118 = arith.constant 0 : i32
    %dma_wait3A_119 = tpu.memref_slice %arg3[%add3A_104, %dma_wait3A_117, %dma_wait3A_118] : memref<50000x2x128xi32, #tpu.memory_space<hbm>> -> memref<1x2x128xi32, #tpu.memory_space<hbm>>
    %dma_wait3A_120 = tpu.memref_squeeze %dma_wait3A_119 : memref<1x2x128xi32, #tpu.memory_space<hbm>> -> memref<2x128xi32, #tpu.memory_space<hbm>>
    tpu.wait_dma2 semaphore(%arg13 : memref<!tpu.dma_semaphore, #tpu.memory_space<semaphore_mem>>) src(%dma_wait3A_120 : memref<2x128xi32, #tpu.memory_space<hbm>>) dst(%dma_wait3A_116 : memref<2x128xi32, #tpu.memory_space<vmem>>)
    %add3A_121 = arith.constant 1 : i32
    %add3A_122 = arith.addi %mul3A_102, %add3A_121 : i32
    %dma_wait3A_123 = arith.constant 1 : i32
    %dma_wait3A_124 = arith.constant 0 : i32
    %dma_wait3A_125 = arith.constant 0 : i32
    %dma_wait3A_126 = tpu.memref_slice %arg6[%dma_wait3A_123, %dma_wait3A_124, %dma_wait3A_125] : memref<5x2x128xi32, #tpu.memory_space<vmem>> -> memref<1x2x128xi32, #tpu.memory_space<vmem>>
    %dma_wait3A_127 = tpu.memref_squeeze %dma_wait3A_126 : memref<1x2x128xi32, #tpu.memory_space<vmem>> -> memref<2x128xi32, #tpu.memory_space<vmem>>
    %dma_wait3A_128 = arith.constant 0 : i32
    %dma_wait3A_129 = arith.constant 0 : i32
    %dma_wait3A_130 = tpu.memref_slice %arg3[%add3A_122, %dma_wait3A_128, %dma_wait3A_129] : memref<50000x2x128xi32, #tpu.memory_space<hbm>> -> memref<1x2x128xi32, #tpu.memory_space<hbm>>
    %dma_wait3A_131 = tpu.memref_squeeze %dma_wait3A_130 : memref<1x2x128xi32, #tpu.memory_space<hbm>> -> memref<2x128xi32, #tpu.memory_space<hbm>>
    %dma_wait3A_132 = arith.constant 0 : i32
    %dma_wait3A_133 = arith.constant 0 : i32
    %dma_wait3A_134 = tpu.memref_slice %arg6[%dma_wait3A_123, %dma_wait3A_132, %dma_wait3A_133] : memref<5x2x128xi32, #tpu.memory_space<vmem>> -> memref<1x2x128xi32, #tpu.memory_space<vmem>>
    %dma_wait3A_135 = tpu.memref_squeeze %dma_wait3A_134 : memref<1x2x128xi32, #tpu.memory_space<vmem>> -> memref<2x128xi32, #tpu.memory_space<vmem>>
    %dma_wait3A_136 = arith.constant 0 : i32
    %dma_wait3A_137 = arith.constant 0 : i32
    %dma_wait3A_138 = tpu.memref_slice %arg3[%add3A_122, %dma_wait3A_136, %dma_wait3A_137] : memref<50000x2x128xi32, #tpu.memory_space<hbm>> -> memref<1x2x128xi32, #tpu.memory_space<hbm>>
    %dma_wait3A_139 = tpu.memref_squeeze %dma_wait3A_138 : memref<1x2x128xi32, #tpu.memory_space<hbm>> -> memref<2x128xi32, #tpu.memory_space<hbm>>
    tpu.wait_dma2 semaphore(%arg13 : memref<!tpu.dma_semaphore, #tpu.memory_space<semaphore_mem>>) src(%dma_wait3A_139 : memref<2x128xi32, #tpu.memory_space<hbm>>) dst(%dma_wait3A_135 : memref<2x128xi32, #tpu.memory_space<vmem>>)
    %add3A_140 = arith.constant 2 : i32
    %add3A_141 = arith.addi %mul3A_102, %add3A_140 : i32
    %dma_wait3A_142 = arith.constant 2 : i32
    %dma_wait3A_143 = arith.constant 0 : i32
    %dma_wait3A_144 = arith.constant 0 : i32
    %dma_wait3A_145 = tpu.memref_slice %arg6[%dma_wait3A_142, %dma_wait3A_143, %dma_wait3A_144] : memref<5x2x128xi32, #tpu.memory_space<vmem>> -> memref<1x2x128xi32, #tpu.memory_space<vmem>>
    %dma_wait3A_146 = tpu.memref_squeeze %dma_wait3A_145 : memref<1x2x128xi32, #tpu.memory_space<vmem>> -> memref<2x128xi32, #tpu.memory_space<vmem>>
    %dma_wait3A_147 = arith.constant 0 : i32
    %dma_wait3A_148 = arith.constant 0 : i32
    %dma_wait3A_149 = tpu.memref_slice %arg3[%add3A_141, %dma_wait3A_147, %dma_wait3A_148] : memref<50000x2x128xi32, #tpu.memory_space<hbm>> -> memref<1x2x128xi32, #tpu.memory_space<hbm>>
    %dma_wait3A_150 = tpu.memref_squeeze %dma_wait3A_149 : memref<1x2x128xi32, #tpu.memory_space<hbm>> -> memref<2x128xi32, #tpu.memory_space<hbm>>
    %dma_wait3A_151 = arith.constant 0 : i32
    %dma_wait3A_152 = arith.constant 0 : i32
    %dma_wait3A_153 = tpu.memref_slice %arg6[%dma_wait3A_142, %dma_wait3A_151, %dma_wait3A_152] : memref<5x2x128xi32, #tpu.memory_space<vmem>> -> memref<1x2x128xi32, #tpu.memory_space<vmem>>
    %dma_wait3A_154 = tpu.memref_squeeze %dma_wait3A_153 : memref<1x2x128xi32, #tpu.memory_space<vmem>> -> memref<2x128xi32, #tpu.memory_space<vmem>>
    %dma_wait3A_155 = arith.constant 0 : i32
    %dma_wait3A_156 = arith.constant 0 : i32
    %dma_wait3A_157 = tpu.memref_slice %arg3[%add3A_141, %dma_wait3A_155, %dma_wait3A_156] : memref<50000x2x128xi32, #tpu.memory_space<hbm>> -> memref<1x2x128xi32, #tpu.memory_space<hbm>>
    %dma_wait3A_158 = tpu.memref_squeeze %dma_wait3A_157 : memref<1x2x128xi32, #tpu.memory_space<hbm>> -> memref<2x128xi32, #tpu.memory_space<hbm>>
    tpu.wait_dma2 semaphore(%arg13 : memref<!tpu.dma_semaphore, #tpu.memory_space<semaphore_mem>>) src(%dma_wait3A_158 : memref<2x128xi32, #tpu.memory_space<hbm>>) dst(%dma_wait3A_154 : memref<2x128xi32, #tpu.memory_space<vmem>>)
    %add3A_159 = arith.constant 3 : i32
    %add3A_160 = arith.addi %mul3A_102, %add3A_159 : i32
    %dma_wait3A_161 = arith.constant 3 : i32
    %dma_wait3A_162 = arith.constant 0 : i32
    %dma_wait3A_163 = arith.constant 0 : i32
    %dma_wait3A_164 = tpu.memref_slice %arg6[%dma_wait3A_161, %dma_wait3A_162, %dma_wait3A_163] : memref<5x2x128xi32, #tpu.memory_space<vmem>> -> memref<1x2x128xi32, #tpu.memory_space<vmem>>
    %dma_wait3A_165 = tpu.memref_squeeze %dma_wait3A_164 : memref<1x2x128xi32, #tpu.memory_space<vmem>> -> memref<2x128xi32, #tpu.memory_space<vmem>>
    %dma_wait3A_166 = arith.constant 0 : i32
    %dma_wait3A_167 = arith.constant 0 : i32
    %dma_wait3A_168 = tpu.memref_slice %arg3[%add3A_160, %dma_wait3A_166, %dma_wait3A_167] : memref<50000x2x128xi32, #tpu.memory_space<hbm>> -> memref<1x2x128xi32, #tpu.memory_space<hbm>>
    %dma_wait3A_169 = tpu.memref_squeeze %dma_wait3A_168 : memref<1x2x128xi32, #tpu.memory_space<hbm>> -> memref<2x128xi32, #tpu.memory_space<hbm>>
    %dma_wait3A_170 = arith.constant 0 : i32
    %dma_wait3A_171 = arith.constant 0 : i32
    %dma_wait3A_172 = tpu.memref_slice %arg6[%dma_wait3A_161, %dma_wait3A_170, %dma_wait3A_171] : memref<5x2x128xi32, #tpu.memory_space<vmem>> -> memref<1x2x128xi32, #tpu.memory_space<vmem>>
    %dma_wait3A_173 = tpu.memref_squeeze %dma_wait3A_172 : memref<1x2x128xi32, #tpu.memory_space<vmem>> -> memref<2x128xi32, #tpu.memory_space<vmem>>
    %dma_wait3A_174 = arith.constant 0 : i32
    %dma_wait3A_175 = arith.constant 0 : i32
    %dma_wait3A_176 = tpu.memref_slice %arg3[%add3A_160, %dma_wait3A_174, %dma_wait3A_175] : memref<50000x2x128xi32, #tpu.memory_space<hbm>> -> memref<1x2x128xi32, #tpu.memory_space<hbm>>
    %dma_wait3A_177 = tpu.memref_squeeze %dma_wait3A_176 : memref<1x2x128xi32, #tpu.memory_space<hbm>> -> memref<2x128xi32, #tpu.memory_space<hbm>>
    tpu.wait_dma2 semaphore(%arg13 : memref<!tpu.dma_semaphore, #tpu.memory_space<semaphore_mem>>) src(%dma_wait3A_177 : memref<2x128xi32, #tpu.memory_space<hbm>>) dst(%dma_wait3A_173 : memref<2x128xi32, #tpu.memory_space<vmem>>)
    %add3A_178 = arith.constant 4 : i32
    %add3A_179 = arith.addi %mul3A_102, %add3A_178 : i32
    %dma_wait3A_180 = arith.constant 4 : i32
    %dma_wait3A_181 = arith.constant 0 : i32
    %dma_wait3A_182 = arith.constant 0 : i32
    %dma_wait3A_183 = tpu.memref_slice %arg6[%dma_wait3A_180, %dma_wait3A_181, %dma_wait3A_182] : memref<5x2x128xi32, #tpu.memory_space<vmem>> -> memref<1x2x128xi32, #tpu.memory_space<vmem>>
    %dma_wait3A_184 = tpu.memref_squeeze %dma_wait3A_183 : memref<1x2x128xi32, #tpu.memory_space<vmem>> -> memref<2x128xi32, #tpu.memory_space<vmem>>
    %dma_wait3A_185 = arith.constant 0 : i32
    %dma_wait3A_186 = arith.constant 0 : i32
    %dma_wait3A_187 = tpu.memref_slice %arg3[%add3A_179, %dma_wait3A_185, %dma_wait3A_186] : memref<50000x2x128xi32, #tpu.memory_space<hbm>> -> memref<1x2x128xi32, #tpu.memory_space<hbm>>
    %dma_wait3A_188 = tpu.memref_squeeze %dma_wait3A_187 : memref<1x2x128xi32, #tpu.memory_space<hbm>> -> memref<2x128xi32, #tpu.memory_space<hbm>>
    %dma_wait3A_189 = arith.constant 0 : i32
    %dma_wait3A_190 = arith.constant 0 : i32
    %dma_wait3A_191 = tpu.memref_slice %arg6[%dma_wait3A_180, %dma_wait3A_189, %dma_wait3A_190] : memref<5x2x128xi32, #tpu.memory_space<vmem>> -> memref<1x2x128xi32, #tpu.memory_space<vmem>>
    %dma_wait3A_192 = tpu.memref_squeeze %dma_wait3A_191 : memref<1x2x128xi32, #tpu.memory_space<vmem>> -> memref<2x128xi32, #tpu.memory_space<vmem>>
    %dma_wait3A_193 = arith.constant 0 : i32
    %dma_wait3A_194 = arith.constant 0 : i32
    %dma_wait3A_195 = tpu.memref_slice %arg3[%add3A_179, %dma_wait3A_193, %dma_wait3A_194] : memref<50000x2x128xi32, #tpu.memory_space<hbm>> -> memref<1x2x128xi32, #tpu.memory_space<hbm>>
    %dma_wait3A_196 = tpu.memref_squeeze %dma_wait3A_195 : memref<1x2x128xi32, #tpu.memory_space<hbm>> -> memref<2x128xi32, #tpu.memory_space<hbm>>
    tpu.wait_dma2 semaphore(%arg13 : memref<!tpu.dma_semaphore, #tpu.memory_space<semaphore_mem>>) src(%dma_wait3A_196 : memref<2x128xi32, #tpu.memory_space<hbm>>) dst(%dma_wait3A_192 : memref<2x128xi32, #tpu.memory_space<vmem>>)
    %dma_start3A_197 = arith.constant 0 : i32
    %dma_start3A_198 = arith.constant 0 : i32
    %dma_start3A_199 = arith.constant 0 : i32
    %dma_start3A_200 = arith.constant 0 : i32
    %dma_start3A_201 = tpu.memref_slice %arg8[%dma_start3A_199, %dma_start3A_200] : memref<640x16xf32, #tpu.memory_space<vmem>> -> memref<128x16xf32, #tpu.memory_space<vmem>>
    %dma_start3A_202 = arith.constant 0 : i32
    %dma_start3A_203 = tpu.memref_slice %arg6[%dma_start3A_197, %dma_start3A_198, %dma_start3A_202] : memref<5x2x128xi32, #tpu.memory_space<vmem>> -> memref<1x1x128xi32, #tpu.memory_space<vmem>>
    %dma_start3A_204 = tpu.memref_squeeze %dma_start3A_203 : memref<1x1x128xi32, #tpu.memory_space<vmem>> -> memref<128xi32, #tpu.memory_space<vmem>>
    %dma_start3A_205 = arith.constant 0 : i32
    %dma_start3A_206 = arith.constant 0 : i32
    %dma_start3A_207 = tpu.memref_slice %arg2[%dma_start3A_205, %dma_start3A_206] : memref<100000x16xf32, #tpu.memory_space<hbm>> -> memref<100000x16xf32, #tpu.memory_space<hbm>>
    tpu.enqueue_indirect_dma source(%dma_start3A_207 : memref<100000x16xf32, #tpu.memory_space<hbm>>) target(%dma_start3A_201 : memref<128x16xf32, #tpu.memory_space<vmem>>) offsets(%dma_start3A_204 : memref<128xi32, #tpu.memory_space<vmem>>) semaphore(%arg11 : memref<!tpu.dma_semaphore, #tpu.memory_space<semaphore_mem>>)
    %dma_start3A_208 = arith.constant 1 : i32
    %dma_start3A_209 = arith.constant 0 : i32
    %dma_start3A_210 = arith.constant 128 : i32
    %dma_start3A_211 = arith.constant 0 : i32
    %dma_start3A_212 = tpu.memref_slice %arg8[%dma_start3A_210, %dma_start3A_211] : memref<640x16xf32, #tpu.memory_space<vmem>> -> memref<128x16xf32, #tpu.memory_space<vmem>>
    %dma_start3A_213 = arith.constant 0 : i32
    %dma_start3A_214 = tpu.memref_slice %arg6[%dma_start3A_208, %dma_start3A_209, %dma_start3A_213] : memref<5x2x128xi32, #tpu.memory_space<vmem>> -> memref<1x1x128xi32, #tpu.memory_space<vmem>>
    %dma_start3A_215 = tpu.memref_squeeze %dma_start3A_214 : memref<1x1x128xi32, #tpu.memory_space<vmem>> -> memref<128xi32, #tpu.memory_space<vmem>>
    %dma_start3A_216 = arith.constant 0 : i32
    %dma_start3A_217 = arith.constant 0 : i32
    %dma_start3A_218 = tpu.memref_slice %arg2[%dma_start3A_216, %dma_start3A_217] : memref<100000x16xf32, #tpu.memory_space<hbm>> -> memref<100000x16xf32, #tpu.memory_space<hbm>>
    tpu.enqueue_indirect_dma source(%dma_start3A_218 : memref<100000x16xf32, #tpu.memory_space<hbm>>) target(%dma_start3A_212 : memref<128x16xf32, #tpu.memory_space<vmem>>) offsets(%dma_start3A_215 : memref<128xi32, #tpu.memory_space<vmem>>) semaphore(%arg11 : memref<!tpu.dma_semaphore, #tpu.memory_space<semaphore_mem>>)
    %dma_start3A_219 = arith.constant 2 : i32
    %dma_start3A_220 = arith.constant 0 : i32
    %dma_start3A_221 = arith.constant 256 : i32
    %dma_start3A_222 = arith.constant 0 : i32
    %dma_start3A_223 = tpu.memref_slice %arg8[%dma_start3A_221, %dma_start3A_222] : memref<640x16xf32, #tpu.memory_space<vmem>> -> memref<128x16xf32, #tpu.memory_space<vmem>>
    %dma_start3A_224 = arith.constant 0 : i32
    %dma_start3A_225 = tpu.memref_slice %arg6[%dma_start3A_219, %dma_start3A_220, %dma_start3A_224] : memref<5x2x128xi32, #tpu.memory_space<vmem>> -> memref<1x1x128xi32, #tpu.memory_space<vmem>>
    %dma_start3A_226 = tpu.memref_squeeze %dma_start3A_225 : memref<1x1x128xi32, #tpu.memory_space<vmem>> -> memref<128xi32, #tpu.memory_space<vmem>>
    %dma_start3A_227 = arith.constant 0 : i32
    %dma_start3A_228 = arith.constant 0 : i32
    %dma_start3A_229 = tpu.memref_slice %arg2[%dma_start3A_227, %dma_start3A_228] : memref<100000x16xf32, #tpu.memory_space<hbm>> -> memref<100000x16xf32, #tpu.memory_space<hbm>>
    tpu.enqueue_indirect_dma source(%dma_start3A_229 : memref<100000x16xf32, #tpu.memory_space<hbm>>) target(%dma_start3A_223 : memref<128x16xf32, #tpu.memory_space<vmem>>) offsets(%dma_start3A_226 : memref<128xi32, #tpu.memory_space<vmem>>) semaphore(%arg11 : memref<!tpu.dma_semaphore, #tpu.memory_space<semaphore_mem>>)
    %dma_start3A_230 = arith.constant 3 : i32
    %dma_start3A_231 = arith.constant 0 : i32
    %dma_start3A_232 = arith.constant 384 : i32
    %dma_start3A_233 = arith.constant 0 : i32
    %dma_start3A_234 = tpu.memref_slice %arg8[%dma_start3A_232, %dma_start3A_233] : memref<640x16xf32, #tpu.memory_space<vmem>> -> memref<128x16xf32, #tpu.memory_space<vmem>>
    %dma_start3A_235 = arith.constant 0 : i32
    %dma_start3A_236 = tpu.memref_slice %arg6[%dma_start3A_230, %dma_start3A_231, %dma_start3A_235] : memref<5x2x128xi32, #tpu.memory_space<vmem>> -> memref<1x1x128xi32, #tpu.memory_space<vmem>>
    %dma_start3A_237 = tpu.memref_squeeze %dma_start3A_236 : memref<1x1x128xi32, #tpu.memory_space<vmem>> -> memref<128xi32, #tpu.memory_space<vmem>>
    %dma_start3A_238 = arith.constant 0 : i32
    %dma_start3A_239 = arith.constant 0 : i32
    %dma_start3A_240 = tpu.memref_slice %arg2[%dma_start3A_238, %dma_start3A_239] : memref<100000x16xf32, #tpu.memory_space<hbm>> -> memref<100000x16xf32, #tpu.memory_space<hbm>>
    tpu.enqueue_indirect_dma source(%dma_start3A_240 : memref<100000x16xf32, #tpu.memory_space<hbm>>) target(%dma_start3A_234 : memref<128x16xf32, #tpu.memory_space<vmem>>) offsets(%dma_start3A_237 : memref<128xi32, #tpu.memory_space<vmem>>) semaphore(%arg11 : memref<!tpu.dma_semaphore, #tpu.memory_space<semaphore_mem>>)
    %dma_start3A_241 = arith.constant 4 : i32
    %dma_start3A_242 = arith.constant 0 : i32
    %dma_start3A_243 = arith.constant 512 : i32
    %dma_start3A_244 = arith.constant 0 : i32
    %dma_start3A_245 = tpu.memref_slice %arg8[%dma_start3A_243, %dma_start3A_244] : memref<640x16xf32, #tpu.memory_space<vmem>> -> memref<128x16xf32, #tpu.memory_space<vmem>>
    %dma_start3A_246 = arith.constant 0 : i32
    %dma_start3A_247 = tpu.memref_slice %arg6[%dma_start3A_241, %dma_start3A_242, %dma_start3A_246] : memref<5x2x128xi32, #tpu.memory_space<vmem>> -> memref<1x1x128xi32, #tpu.memory_space<vmem>>
    %dma_start3A_248 = tpu.memref_squeeze %dma_start3A_247 : memref<1x1x128xi32, #tpu.memory_space<vmem>> -> memref<128xi32, #tpu.memory_space<vmem>>
    %dma_start3A_249 = arith.constant 0 : i32
    %dma_start3A_250 = arith.constant 0 : i32
    %dma_start3A_251 = tpu.memref_slice %arg2[%dma_start3A_249, %dma_start3A_250] : memref<100000x16xf32, #tpu.memory_space<hbm>> -> memref<100000x16xf32, #tpu.memory_space<hbm>>
    tpu.enqueue_indirect_dma source(%dma_start3A_251 : memref<100000x16xf32, #tpu.memory_space<hbm>>) target(%dma_start3A_245 : memref<128x16xf32, #tpu.memory_space<vmem>>) offsets(%dma_start3A_248 : memref<128xi32, #tpu.memory_space<vmem>>) semaphore(%arg11 : memref<!tpu.dma_semaphore, #tpu.memory_space<semaphore_mem>>)
    %scan3A_252 = arith.constant 0 : i32
    %scan3A_253 = arith.constant 156 : i32
    %scan3A_254 = arith.addi %scan3A_252, %scan3A_253 : i32
    %scan3A_255 = arith.constant 1 : i32
    scf.for %scan3A_320 = %scan3A_252 to %scan3A_254 step %scan3A_255  : i32 {
      %mul3A_321 = arith.constant 1 : i32
      %mul3A_322 = arith.muli %scan3A_320, %mul3A_321 : i32
      %add3A_323 = arith.constant 0 : i32
      %add3A_324 = arith.addi %add3A_323, %mul3A_322 : i32
      %mul3A_325 = arith.constant 2 : i32
      %mul3A_326 = arith.muli %mul3A_325, %add3A_324 : i32
      %mul3A_327 = arith.constant 32 : i32
      %mul3A_328 = arith.muli %mul3A_326, %mul3A_327 : i32
      %add3A_329 = arith.addi %mul3A_328, %add3A : i32
      %add3A_330 = arith.constant 32 : i32
      %add3A_331 = arith.addi %add3A_329, %add3A_330 : i32
      %ge3A = arith.constant 1 : i32
      %ge3A_332 = arith.cmpi sge, %add3A_324, %ge3A : i32
      %convert_element_type3A_333 = arith.extui %ge3A_332 : i1 to i32
      %cond3A_334 = arith.constant 0 : i32
      %cond3A_335 = arith.cmpi ne, %convert_element_type3A_333, %cond3A_334 : i32
      scf.if %cond3A_335 {
        %dma_wait3A_870 = arith.constant 0 : i32
        %dma_wait3A_871 = arith.constant 1 : i32
        %dma_wait3A_872 = arith.constant 0 : i32
        %dma_wait3A_873 = arith.constant 0 : i32
        %dma_wait3A_874 = tpu.memref_slice %arg9[%dma_wait3A_872, %dma_wait3A_873] : memref<640x16xf32, #tpu.memory_space<vmem>> -> memref<128x16xf32, #tpu.memory_space<vmem>>
        %dma_wait3A_875 = arith.constant 0 : i32
        %dma_wait3A_876 = tpu.memref_slice %arg7[%dma_wait3A_870, %dma_wait3A_871, %dma_wait3A_875] : memref<5x2x128xi32, #tpu.memory_space<vmem>> -> memref<1x1x128xi32, #tpu.memory_space<vmem>>
        %dma_wait3A_877 = tpu.memref_squeeze %dma_wait3A_876 : memref<1x1x128xi32, #tpu.memory_space<vmem>> -> memref<128xi32, #tpu.memory_space<vmem>>
        %dma_wait3A_878 = arith.constant 0 : i32
        %dma_wait3A_879 = arith.constant 0 : i32
        %dma_wait3A_880 = tpu.memref_slice %arg10[%dma_wait3A_878, %dma_wait3A_879] : memref<100000x16xf32, #tpu.memory_space<vmem_shared>> -> memref<100000x16xf32, #tpu.memory_space<vmem_shared>>
        tpu.wait_indirect_dma semaphore(%arg12 : memref<!tpu.dma_semaphore, #tpu.memory_space<semaphore_mem>>) src(%dma_wait3A_874 : memref<128x16xf32, #tpu.memory_space<vmem>>) dst(%dma_wait3A_880 : memref<100000x16xf32, #tpu.memory_space<vmem_shared>>)
        %dma_wait3A_881 = arith.constant 1 : i32
        %dma_wait3A_882 = arith.constant 1 : i32
        %dma_wait3A_883 = arith.constant 128 : i32
        %dma_wait3A_884 = arith.constant 0 : i32
        %dma_wait3A_885 = tpu.memref_slice %arg9[%dma_wait3A_883, %dma_wait3A_884] : memref<640x16xf32, #tpu.memory_space<vmem>> -> memref<128x16xf32, #tpu.memory_space<vmem>>
        %dma_wait3A_886 = arith.constant 0 : i32
        %dma_wait3A_887 = tpu.memref_slice %arg7[%dma_wait3A_881, %dma_wait3A_882, %dma_wait3A_886] : memref<5x2x128xi32, #tpu.memory_space<vmem>> -> memref<1x1x128xi32, #tpu.memory_space<vmem>>
        %dma_wait3A_888 = tpu.memref_squeeze %dma_wait3A_887 : memref<1x1x128xi32, #tpu.memory_space<vmem>> -> memref<128xi32, #tpu.memory_space<vmem>>
        %dma_wait3A_889 = arith.constant 0 : i32
        %dma_wait3A_890 = arith.constant 0 : i32
        %dma_wait3A_891 = tpu.memref_slice %arg10[%dma_wait3A_889, %dma_wait3A_890] : memref<100000x16xf32, #tpu.memory_space<vmem_shared>> -> memref<100000x16xf32, #tpu.memory_space<vmem_shared>>
        tpu.wait_indirect_dma semaphore(%arg12 : memref<!tpu.dma_semaphore, #tpu.memory_space<semaphore_mem>>) src(%dma_wait3A_885 : memref<128x16xf32, #tpu.memory_space<vmem>>) dst(%dma_wait3A_891 : memref<100000x16xf32, #tpu.memory_space<vmem_shared>>)
        %dma_wait3A_892 = arith.constant 2 : i32
        %dma_wait3A_893 = arith.constant 1 : i32
        %dma_wait3A_894 = arith.constant 256 : i32
        %dma_wait3A_895 = arith.constant 0 : i32
        %dma_wait3A_896 = tpu.memref_slice %arg9[%dma_wait3A_894, %dma_wait3A_895] : memref<640x16xf32, #tpu.memory_space<vmem>> -> memref<128x16xf32, #tpu.memory_space<vmem>>
        %dma_wait3A_897 = arith.constant 0 : i32
        %dma_wait3A_898 = tpu.memref_slice %arg7[%dma_wait3A_892, %dma_wait3A_893, %dma_wait3A_897] : memref<5x2x128xi32, #tpu.memory_space<vmem>> -> memref<1x1x128xi32, #tpu.memory_space<vmem>>
        %dma_wait3A_899 = tpu.memref_squeeze %dma_wait3A_898 : memref<1x1x128xi32, #tpu.memory_space<vmem>> -> memref<128xi32, #tpu.memory_space<vmem>>
        %dma_wait3A_900 = arith.constant 0 : i32
        %dma_wait3A_901 = arith.constant 0 : i32
        %dma_wait3A_902 = tpu.memref_slice %arg10[%dma_wait3A_900, %dma_wait3A_901] : memref<100000x16xf32, #tpu.memory_space<vmem_shared>> -> memref<100000x16xf32, #tpu.memory_space<vmem_shared>>
        tpu.wait_indirect_dma semaphore(%arg12 : memref<!tpu.dma_semaphore, #tpu.memory_space<semaphore_mem>>) src(%dma_wait3A_896 : memref<128x16xf32, #tpu.memory_space<vmem>>) dst(%dma_wait3A_902 : memref<100000x16xf32, #tpu.memory_space<vmem_shared>>)
        %dma_wait3A_903 = arith.constant 3 : i32
        %dma_wait3A_904 = arith.constant 1 : i32
        %dma_wait3A_905 = arith.constant 384 : i32
        %dma_wait3A_906 = arith.constant 0 : i32
        %dma_wait3A_907 = tpu.memref_slice %arg9[%dma_wait3A_905, %dma_wait3A_906] : memref<640x16xf32, #tpu.memory_space<vmem>> -> memref<128x16xf32, #tpu.memory_space<vmem>>
        %dma_wait3A_908 = arith.constant 0 : i32
        %dma_wait3A_909 = tpu.memref_slice %arg7[%dma_wait3A_903, %dma_wait3A_904, %dma_wait3A_908] : memref<5x2x128xi32, #tpu.memory_space<vmem>> -> memref<1x1x128xi32, #tpu.memory_space<vmem>>
        %dma_wait3A_910 = tpu.memref_squeeze %dma_wait3A_909 : memref<1x1x128xi32, #tpu.memory_space<vmem>> -> memref<128xi32, #tpu.memory_space<vmem>>
        %dma_wait3A_911 = arith.constant 0 : i32
        %dma_wait3A_912 = arith.constant 0 : i32
        %dma_wait3A_913 = tpu.memref_slice %arg10[%dma_wait3A_911, %dma_wait3A_912] : memref<100000x16xf32, #tpu.memory_space<vmem_shared>> -> memref<100000x16xf32, #tpu.memory_space<vmem_shared>>
        tpu.wait_indirect_dma semaphore(%arg12 : memref<!tpu.dma_semaphore, #tpu.memory_space<semaphore_mem>>) src(%dma_wait3A_907 : memref<128x16xf32, #tpu.memory_space<vmem>>) dst(%dma_wait3A_913 : memref<100000x16xf32, #tpu.memory_space<vmem_shared>>)
        %dma_wait3A_914 = arith.constant 4 : i32
        %dma_wait3A_915 = arith.constant 1 : i32
        %dma_wait3A_916 = arith.constant 512 : i32
        %dma_wait3A_917 = arith.constant 0 : i32
        %dma_wait3A_918 = tpu.memref_slice %arg9[%dma_wait3A_916, %dma_wait3A_917] : memref<640x16xf32, #tpu.memory_space<vmem>> -> memref<128x16xf32, #tpu.memory_space<vmem>>
        %dma_wait3A_919 = arith.constant 0 : i32
        %dma_wait3A_920 = tpu.memref_slice %arg7[%dma_wait3A_914, %dma_wait3A_915, %dma_wait3A_919] : memref<5x2x128xi32, #tpu.memory_space<vmem>> -> memref<1x1x128xi32, #tpu.memory_space<vmem>>
        %dma_wait3A_921 = tpu.memref_squeeze %dma_wait3A_920 : memref<1x1x128xi32, #tpu.memory_space<vmem>> -> memref<128xi32, #tpu.memory_space<vmem>>
        %dma_wait3A_922 = arith.constant 0 : i32
        %dma_wait3A_923 = arith.constant 0 : i32
        %dma_wait3A_924 = tpu.memref_slice %arg10[%dma_wait3A_922, %dma_wait3A_923] : memref<100000x16xf32, #tpu.memory_space<vmem_shared>> -> memref<100000x16xf32, #tpu.memory_space<vmem_shared>>
        tpu.wait_indirect_dma semaphore(%arg12 : memref<!tpu.dma_semaphore, #tpu.memory_space<semaphore_mem>>) src(%dma_wait3A_918 : memref<128x16xf32, #tpu.memory_space<vmem>>) dst(%dma_wait3A_924 : memref<100000x16xf32, #tpu.memory_space<vmem_shared>>)
      } else {
      }
      %mul3A_336 = arith.constant 5 : i32
      %mul3A_337 = arith.muli %add3A_331, %mul3A_336 : i32
      %add3A_338 = arith.constant 0 : i32
      %add3A_339 = arith.addi %mul3A_337, %add3A_338 : i32
      %dma_start3A_340 = arith.constant 0 : i32
      %dma_start3A_341 = arith.constant 0 : i32
      %dma_start3A_342 = arith.constant 0 : i32
      %dma_start3A_343 = tpu.memref_slice %arg7[%dma_start3A_340, %dma_start3A_341, %dma_start3A_342] : memref<5x2x128xi32, #tpu.memory_space<vmem>> -> memref<1x2x128xi32, #tpu.memory_space<vmem>>
      %dma_start3A_344 = tpu.memref_squeeze %dma_start3A_343 : memref<1x2x128xi32, #tpu.memory_space<vmem>> -> memref<2x128xi32, #tpu.memory_space<vmem>>
      %dma_start3A_345 = arith.constant 0 : i32
      %dma_start3A_346 = arith.constant 0 : i32
      %dma_start3A_347 = tpu.memref_slice %arg3[%add3A_339, %dma_start3A_345, %dma_start3A_346] : memref<50000x2x128xi32, #tpu.memory_space<hbm>> -> memref<1x2x128xi32, #tpu.memory_space<hbm>>
      %dma_start3A_348 = tpu.memref_squeeze %dma_start3A_347 : memref<1x2x128xi32, #tpu.memory_space<hbm>> -> memref<2x128xi32, #tpu.memory_space<hbm>>
      %dma_start3A_349 = arith.constant 0 : i32
      %dma_start3A_350 = arith.constant 0 : i32
      %dma_start3A_351 = tpu.memref_slice %arg7[%dma_start3A_340, %dma_start3A_349, %dma_start3A_350] : memref<5x2x128xi32, #tpu.memory_space<vmem>> -> memref<1x2x128xi32, #tpu.memory_space<vmem>>
      %dma_start3A_352 = tpu.memref_squeeze %dma_start3A_351 : memref<1x2x128xi32, #tpu.memory_space<vmem>> -> memref<2x128xi32, #tpu.memory_space<vmem>>
      %dma_start3A_353 = arith.constant 0 : i32
      %dma_start3A_354 = arith.constant 0 : i32
      %dma_start3A_355 = tpu.memref_slice %arg3[%add3A_339, %dma_start3A_353, %dma_start3A_354] : memref<50000x2x128xi32, #tpu.memory_space<hbm>> -> memref<1x2x128xi32, #tpu.memory_space<hbm>>
      %dma_start3A_356 = tpu.memref_squeeze %dma_start3A_355 : memref<1x2x128xi32, #tpu.memory_space<hbm>> -> memref<2x128xi32, #tpu.memory_space<hbm>>
      tpu.enqueue_dma source(%dma_start3A_356 : memref<2x128xi32, #tpu.memory_space<hbm>>) target(%dma_start3A_352 : memref<2x128xi32, #tpu.memory_space<vmem>>) target_semaphore(%arg13 : memref<!tpu.dma_semaphore, #tpu.memory_space<semaphore_mem>>)
      %add3A_357 = arith.constant 1 : i32
      %add3A_358 = arith.addi %mul3A_337, %add3A_357 : i32
      %dma_start3A_359 = arith.constant 1 : i32
      %dma_start3A_360 = arith.constant 0 : i32
      %dma_start3A_361 = arith.constant 0 : i32
      %dma_start3A_362 = tpu.memref_slice %arg7[%dma_start3A_359, %dma_start3A_360, %dma_start3A_361] : memref<5x2x128xi32, #tpu.memory_space<vmem>> -> memref<1x2x128xi32, #tpu.memory_space<vmem>>
      %dma_start3A_363 = tpu.memref_squeeze %dma_start3A_362 : memref<1x2x128xi32, #tpu.memory_space<vmem>> -> memref<2x128xi32, #tpu.memory_space<vmem>>
      %dma_start3A_364 = arith.constant 0 : i32
      %dma_start3A_365 = arith.constant 0 : i32
      %dma_start3A_366 = tpu.memref_slice %arg3[%add3A_358, %dma_start3A_364, %dma_start3A_365] : memref<50000x2x128xi32, #tpu.memory_space<hbm>> -> memref<1x2x128xi32, #tpu.memory_space<hbm>>
      %dma_start3A_367 = tpu.memref_squeeze %dma_start3A_366 : memref<1x2x128xi32, #tpu.memory_space<hbm>> -> memref<2x128xi32, #tpu.memory_space<hbm>>
      %dma_start3A_368 = arith.constant 0 : i32
      %dma_start3A_369 = arith.constant 0 : i32
      %dma_start3A_370 = tpu.memref_slice %arg7[%dma_start3A_359, %dma_start3A_368, %dma_start3A_369] : memref<5x2x128xi32, #tpu.memory_space<vmem>> -> memref<1x2x128xi32, #tpu.memory_space<vmem>>
      %dma_start3A_371 = tpu.memref_squeeze %dma_start3A_370 : memref<1x2x128xi32, #tpu.memory_space<vmem>> -> memref<2x128xi32, #tpu.memory_space<vmem>>
      %dma_start3A_372 = arith.constant 0 : i32
      %dma_start3A_373 = arith.constant 0 : i32
      %dma_start3A_374 = tpu.memref_slice %arg3[%add3A_358, %dma_start3A_372, %dma_start3A_373] : memref<50000x2x128xi32, #tpu.memory_space<hbm>> -> memref<1x2x128xi32, #tpu.memory_space<hbm>>
      %dma_start3A_375 = tpu.memref_squeeze %dma_start3A_374 : memref<1x2x128xi32, #tpu.memory_space<hbm>> -> memref<2x128xi32, #tpu.memory_space<hbm>>
      tpu.enqueue_dma source(%dma_start3A_375 : memref<2x128xi32, #tpu.memory_space<hbm>>) target(%dma_start3A_371 : memref<2x128xi32, #tpu.memory_space<vmem>>) target_semaphore(%arg13 : memref<!tpu.dma_semaphore, #tpu.memory_space<semaphore_mem>>)
      %add3A_376 = arith.constant 2 : i32
      %add3A_377 = arith.addi %mul3A_337, %add3A_376 : i32
      %dma_start3A_378 = arith.constant 2 : i32
      %dma_start3A_379 = arith.constant 0 : i32
      %dma_start3A_380 = arith.constant 0 : i32
      %dma_start3A_381 = tpu.memref_slice %arg7[%dma_start3A_378, %dma_start3A_379, %dma_start3A_380] : memref<5x2x128xi32, #tpu.memory_space<vmem>> -> memref<1x2x128xi32, #tpu.memory_space<vmem>>
      %dma_start3A_382 = tpu.memref_squeeze %dma_start3A_381 : memref<1x2x128xi32, #tpu.memory_space<vmem>> -> memref<2x128xi32, #tpu.memory_space<vmem>>
      %dma_start3A_383 = arith.constant 0 : i32
      %dma_start3A_384 = arith.constant 0 : i32
      %dma_start3A_385 = tpu.memref_slice %arg3[%add3A_377, %dma_start3A_383, %dma_start3A_384] : memref<50000x2x128xi32, #tpu.memory_space<hbm>> -> memref<1x2x128xi32, #tpu.memory_space<hbm>>
      %dma_start3A_386 = tpu.memref_squeeze %dma_start3A_385 : memref<1x2x128xi32, #tpu.memory_space<hbm>> -> memref<2x128xi32, #tpu.memory_space<hbm>>
      %dma_start3A_387 = arith.constant 0 : i32
      %dma_start3A_388 = arith.constant 0 : i32
      %dma_start3A_389 = tpu.memref_slice %arg7[%dma_start3A_378, %dma_start3A_387, %dma_start3A_388] : memref<5x2x128xi32, #tpu.memory_space<vmem>> -> memref<1x2x128xi32, #tpu.memory_space<vmem>>
      %dma_start3A_390 = tpu.memref_squeeze %dma_start3A_389 : memref<1x2x128xi32, #tpu.memory_space<vmem>> -> memref<2x128xi32, #tpu.memory_space<vmem>>
      %dma_start3A_391 = arith.constant 0 : i32
      %dma_start3A_392 = arith.constant 0 : i32
      %dma_start3A_393 = tpu.memref_slice %arg3[%add3A_377, %dma_start3A_391, %dma_start3A_392] : memref<50000x2x128xi32, #tpu.memory_space<hbm>> -> memref<1x2x128xi32, #tpu.memory_space<hbm>>
      %dma_start3A_394 = tpu.memref_squeeze %dma_start3A_393 : memref<1x2x128xi32, #tpu.memory_space<hbm>> -> memref<2x128xi32, #tpu.memory_space<hbm>>
      tpu.enqueue_dma source(%dma_start3A_394 : memref<2x128xi32, #tpu.memory_space<hbm>>) target(%dma_start3A_390 : memref<2x128xi32, #tpu.memory_space<vmem>>) target_semaphore(%arg13 : memref<!tpu.dma_semaphore, #tpu.memory_space<semaphore_mem>>)
      %add3A_395 = arith.constant 3 : i32
      %add3A_396 = arith.addi %mul3A_337, %add3A_395 : i32
      %dma_start3A_397 = arith.constant 3 : i32
      %dma_start3A_398 = arith.constant 0 : i32
      %dma_start3A_399 = arith.constant 0 : i32
      %dma_start3A_400 = tpu.memref_slice %arg7[%dma_start3A_397, %dma_start3A_398, %dma_start3A_399] : memref<5x2x128xi32, #tpu.memory_space<vmem>> -> memref<1x2x128xi32, #tpu.memory_space<vmem>>
      %dma_start3A_401 = tpu.memref_squeeze %dma_start3A_400 : memref<1x2x128xi32, #tpu.memory_space<vmem>> -> memref<2x128xi32, #tpu.memory_space<vmem>>
      %dma_start3A_402 = arith.constant 0 : i32
      %dma_start3A_403 = arith.constant 0 : i32
      %dma_start3A_404 = tpu.memref_slice %arg3[%add3A_396, %dma_start3A_402, %dma_start3A_403] : memref<50000x2x128xi32, #tpu.memory_space<hbm>> -> memref<1x2x128xi32, #tpu.memory_space<hbm>>
      %dma_start3A_405 = tpu.memref_squeeze %dma_start3A_404 : memref<1x2x128xi32, #tpu.memory_space<hbm>> -> memref<2x128xi32, #tpu.memory_space<hbm>>
      %dma_start3A_406 = arith.constant 0 : i32
      %dma_start3A_407 = arith.constant 0 : i32
      %dma_start3A_408 = tpu.memref_slice %arg7[%dma_start3A_397, %dma_start3A_406, %dma_start3A_407] : memref<5x2x128xi32, #tpu.memory_space<vmem>> -> memref<1x2x128xi32, #tpu.memory_space<vmem>>
      %dma_start3A_409 = tpu.memref_squeeze %dma_start3A_408 : memref<1x2x128xi32, #tpu.memory_space<vmem>> -> memref<2x128xi32, #tpu.memory_space<vmem>>
      %dma_start3A_410 = arith.constant 0 : i32
      %dma_start3A_411 = arith.constant 0 : i32
      %dma_start3A_412 = tpu.memref_slice %arg3[%add3A_396, %dma_start3A_410, %dma_start3A_411] : memref<50000x2x128xi32, #tpu.memory_space<hbm>> -> memref<1x2x128xi32, #tpu.memory_space<hbm>>
      %dma_start3A_413 = tpu.memref_squeeze %dma_start3A_412 : memref<1x2x128xi32, #tpu.memory_space<hbm>> -> memref<2x128xi32, #tpu.memory_space<hbm>>
      tpu.enqueue_dma source(%dma_start3A_413 : memref<2x128xi32, #tpu.memory_space<hbm>>) target(%dma_start3A_409 : memref<2x128xi32, #tpu.memory_space<vmem>>) target_semaphore(%arg13 : memref<!tpu.dma_semaphore, #tpu.memory_space<semaphore_mem>>)
      %add3A_414 = arith.constant 4 : i32
      %add3A_415 = arith.addi %mul3A_337, %add3A_414 : i32
      %dma_start3A_416 = arith.constant 4 : i32
      %dma_start3A_417 = arith.constant 0 : i32
      %dma_start3A_418 = arith.constant 0 : i32
      %dma_start3A_419 = tpu.memref_slice %arg7[%dma_start3A_416, %dma_start3A_417, %dma_start3A_418] : memref<5x2x128xi32, #tpu.memory_space<vmem>> -> memref<1x2x128xi32, #tpu.memory_space<vmem>>
      %dma_start3A_420 = tpu.memref_squeeze %dma_start3A_419 : memref<1x2x128xi32, #tpu.memory_space<vmem>> -> memref<2x128xi32, #tpu.memory_space<vmem>>
      %dma_start3A_421 = arith.constant 0 : i32
      %dma_start3A_422 = arith.constant 0 : i32
      %dma_start3A_423 = tpu.memref_slice %arg3[%add3A_415, %dma_start3A_421, %dma_start3A_422] : memref<50000x2x128xi32, #tpu.memory_space<hbm>> -> memref<1x2x128xi32, #tpu.memory_space<hbm>>
      %dma_start3A_424 = tpu.memref_squeeze %dma_start3A_423 : memref<1x2x128xi32, #tpu.memory_space<hbm>> -> memref<2x128xi32, #tpu.memory_space<hbm>>
      %dma_start3A_425 = arith.constant 0 : i32
      %dma_start3A_426 = arith.constant 0 : i32
      %dma_start3A_427 = tpu.memref_slice %arg7[%dma_start3A_416, %dma_start3A_425, %dma_start3A_426] : memref<5x2x128xi32, #tpu.memory_space<vmem>> -> memref<1x2x128xi32, #tpu.memory_space<vmem>>
      %dma_start3A_428 = tpu.memref_squeeze %dma_start3A_427 : memref<1x2x128xi32, #tpu.memory_space<vmem>> -> memref<2x128xi32, #tpu.memory_space<vmem>>
      %dma_start3A_429 = arith.constant 0 : i32
      %dma_start3A_430 = arith.constant 0 : i32
      %dma_start3A_431 = tpu.memref_slice %arg3[%add3A_415, %dma_start3A_429, %dma_start3A_430] : memref<50000x2x128xi32, #tpu.memory_space<hbm>> -> memref<1x2x128xi32, #tpu.memory_space<hbm>>
      %dma_start3A_432 = tpu.memref_squeeze %dma_start3A_431 : memref<1x2x128xi32, #tpu.memory_space<hbm>> -> memref<2x128xi32, #tpu.memory_space<hbm>>
      tpu.enqueue_dma source(%dma_start3A_432 : memref<2x128xi32, #tpu.memory_space<hbm>>) target(%dma_start3A_428 : memref<2x128xi32, #tpu.memory_space<vmem>>) target_semaphore(%arg13 : memref<!tpu.dma_semaphore, #tpu.memory_space<semaphore_mem>>)
      %dma_wait3A_433 = arith.constant 0 : i32
      %dma_wait3A_434 = arith.constant 0 : i32
      %dma_wait3A_435 = arith.constant 0 : i32
      %dma_wait3A_436 = arith.constant 0 : i32
      %dma_wait3A_437 = tpu.memref_slice %arg8[%dma_wait3A_435, %dma_wait3A_436] : memref<640x16xf32, #tpu.memory_space<vmem>> -> memref<128x16xf32, #tpu.memory_space<vmem>>
      %dma_wait3A_438 = arith.constant 0 : i32
      %dma_wait3A_439 = tpu.memref_slice %arg6[%dma_wait3A_433, %dma_wait3A_434, %dma_wait3A_438] : memref<5x2x128xi32, #tpu.memory_space<vmem>> -> memref<1x1x128xi32, #tpu.memory_space<vmem>>
      %dma_wait3A_440 = tpu.memref_squeeze %dma_wait3A_439 : memref<1x1x128xi32, #tpu.memory_space<vmem>> -> memref<128xi32, #tpu.memory_space<vmem>>
      %dma_wait3A_441 = arith.constant 0 : i32
      %dma_wait3A_442 = arith.constant 0 : i32
      %dma_wait3A_443 = tpu.memref_slice %arg2[%dma_wait3A_441, %dma_wait3A_442] : memref<100000x16xf32, #tpu.memory_space<hbm>> -> memref<100000x16xf32, #tpu.memory_space<hbm>>
      tpu.wait_indirect_dma semaphore(%arg11 : memref<!tpu.dma_semaphore, #tpu.memory_space<semaphore_mem>>) src(%dma_wait3A_443 : memref<100000x16xf32, #tpu.memory_space<hbm>>) dst(%dma_wait3A_437 : memref<128x16xf32, #tpu.memory_space<vmem>>)
      %dma_wait3A_444 = arith.constant 1 : i32
      %dma_wait3A_445 = arith.constant 0 : i32
      %dma_wait3A_446 = arith.constant 128 : i32
      %dma_wait3A_447 = arith.constant 0 : i32
      %dma_wait3A_448 = tpu.memref_slice %arg8[%dma_wait3A_446, %dma_wait3A_447] : memref<640x16xf32, #tpu.memory_space<vmem>> -> memref<128x16xf32, #tpu.memory_space<vmem>>
      %dma_wait3A_449 = arith.constant 0 : i32
      %dma_wait3A_450 = tpu.memref_slice %arg6[%dma_wait3A_444, %dma_wait3A_445, %dma_wait3A_449] : memref<5x2x128xi32, #tpu.memory_space<vmem>> -> memref<1x1x128xi32, #tpu.memory_space<vmem>>
      %dma_wait3A_451 = tpu.memref_squeeze %dma_wait3A_450 : memref<1x1x128xi32, #tpu.memory_space<vmem>> -> memref<128xi32, #tpu.memory_space<vmem>>
      %dma_wait3A_452 = arith.constant 0 : i32
      %dma_wait3A_453 = arith.constant 0 : i32
      %dma_wait3A_454 = tpu.memref_slice %arg2[%dma_wait3A_452, %dma_wait3A_453] : memref<100000x16xf32, #tpu.memory_space<hbm>> -> memref<100000x16xf32, #tpu.memory_space<hbm>>
      tpu.wait_indirect_dma semaphore(%arg11 : memref<!tpu.dma_semaphore, #tpu.memory_space<semaphore_mem>>) src(%dma_wait3A_454 : memref<100000x16xf32, #tpu.memory_space<hbm>>) dst(%dma_wait3A_448 : memref<128x16xf32, #tpu.memory_space<vmem>>)
      %dma_wait3A_455 = arith.constant 2 : i32
      %dma_wait3A_456 = arith.constant 0 : i32
      %dma_wait3A_457 = arith.constant 256 : i32
      %dma_wait3A_458 = arith.constant 0 : i32
      %dma_wait3A_459 = tpu.memref_slice %arg8[%dma_wait3A_457, %dma_wait3A_458] : memref<640x16xf32, #tpu.memory_space<vmem>> -> memref<128x16xf32, #tpu.memory_space<vmem>>
      %dma_wait3A_460 = arith.constant 0 : i32
      %dma_wait3A_461 = tpu.memref_slice %arg6[%dma_wait3A_455, %dma_wait3A_456, %dma_wait3A_460] : memref<5x2x128xi32, #tpu.memory_space<vmem>> -> memref<1x1x128xi32, #tpu.memory_space<vmem>>
      %dma_wait3A_462 = tpu.memref_squeeze %dma_wait3A_461 : memref<1x1x128xi32, #tpu.memory_space<vmem>> -> memref<128xi32, #tpu.memory_space<vmem>>
      %dma_wait3A_463 = arith.constant 0 : i32
      %dma_wait3A_464 = arith.constant 0 : i32
      %dma_wait3A_465 = tpu.memref_slice %arg2[%dma_wait3A_463, %dma_wait3A_464] : memref<100000x16xf32, #tpu.memory_space<hbm>> -> memref<100000x16xf32, #tpu.memory_space<hbm>>
      tpu.wait_indirect_dma semaphore(%arg11 : memref<!tpu.dma_semaphore, #tpu.memory_space<semaphore_mem>>) src(%dma_wait3A_465 : memref<100000x16xf32, #tpu.memory_space<hbm>>) dst(%dma_wait3A_459 : memref<128x16xf32, #tpu.memory_space<vmem>>)
      %dma_wait3A_466 = arith.constant 3 : i32
      %dma_wait3A_467 = arith.constant 0 : i32
      %dma_wait3A_468 = arith.constant 384 : i32
      %dma_wait3A_469 = arith.constant 0 : i32
      %dma_wait3A_470 = tpu.memref_slice %arg8[%dma_wait3A_468, %dma_wait3A_469] : memref<640x16xf32, #tpu.memory_space<vmem>> -> memref<128x16xf32, #tpu.memory_space<vmem>>
      %dma_wait3A_471 = arith.constant 0 : i32
      %dma_wait3A_472 = tpu.memref_slice %arg6[%dma_wait3A_466, %dma_wait3A_467, %dma_wait3A_471] : memref<5x2x128xi32, #tpu.memory_space<vmem>> -> memref<1x1x128xi32, #tpu.memory_space<vmem>>
      %dma_wait3A_473 = tpu.memref_squeeze %dma_wait3A_472 : memref<1x1x128xi32, #tpu.memory_space<vmem>> -> memref<128xi32, #tpu.memory_space<vmem>>
      %dma_wait3A_474 = arith.constant 0 : i32
      %dma_wait3A_475 = arith.constant 0 : i32
      %dma_wait3A_476 = tpu.memref_slice %arg2[%dma_wait3A_474, %dma_wait3A_475] : memref<100000x16xf32, #tpu.memory_space<hbm>> -> memref<100000x16xf32, #tpu.memory_space<hbm>>
      tpu.wait_indirect_dma semaphore(%arg11 : memref<!tpu.dma_semaphore, #tpu.memory_space<semaphore_mem>>) src(%dma_wait3A_476 : memref<100000x16xf32, #tpu.memory_space<hbm>>) dst(%dma_wait3A_470 : memref<128x16xf32, #tpu.memory_space<vmem>>)
      %dma_wait3A_477 = arith.constant 4 : i32
      %dma_wait3A_478 = arith.constant 0 : i32
      %dma_wait3A_479 = arith.constant 512 : i32
      %dma_wait3A_480 = arith.constant 0 : i32
      %dma_wait3A_481 = tpu.memref_slice %arg8[%dma_wait3A_479, %dma_wait3A_480] : memref<640x16xf32, #tpu.memory_space<vmem>> -> memref<128x16xf32, #tpu.memory_space<vmem>>
      %dma_wait3A_482 = arith.constant 0 : i32
      %dma_wait3A_483 = tpu.memref_slice %arg6[%dma_wait3A_477, %dma_wait3A_478, %dma_wait3A_482] : memref<5x2x128xi32, #tpu.memory_space<vmem>> -> memref<1x1x128xi32, #tpu.memory_space<vmem>>
      %dma_wait3A_484 = tpu.memref_squeeze %dma_wait3A_483 : memref<1x1x128xi32, #tpu.memory_space<vmem>> -> memref<128xi32, #tpu.memory_space<vmem>>
      %dma_wait3A_485 = arith.constant 0 : i32
      %dma_wait3A_486 = arith.constant 0 : i32
      %dma_wait3A_487 = tpu.memref_slice %arg2[%dma_wait3A_485, %dma_wait3A_486] : memref<100000x16xf32, #tpu.memory_space<hbm>> -> memref<100000x16xf32, #tpu.memory_space<hbm>>
      tpu.wait_indirect_dma semaphore(%arg11 : memref<!tpu.dma_semaphore, #tpu.memory_space<semaphore_mem>>) src(%dma_wait3A_487 : memref<100000x16xf32, #tpu.memory_space<hbm>>) dst(%dma_wait3A_481 : memref<128x16xf32, #tpu.memory_space<vmem>>)
      %dma_start3A_488 = arith.constant 0 : i32
      %dma_start3A_489 = arith.constant 1 : i32
      %dma_start3A_490 = arith.constant 0 : i32
      %dma_start3A_491 = arith.constant 0 : i32
      %dma_start3A_492 = tpu.memref_slice %arg8[%dma_start3A_490, %dma_start3A_491] : memref<640x16xf32, #tpu.memory_space<vmem>> -> memref<128x16xf32, #tpu.memory_space<vmem>>
      %dma_start3A_493 = arith.constant 0 : i32
      %dma_start3A_494 = tpu.memref_slice %arg6[%dma_start3A_488, %dma_start3A_489, %dma_start3A_493] : memref<5x2x128xi32, #tpu.memory_space<vmem>> -> memref<1x1x128xi32, #tpu.memory_space<vmem>>
      %dma_start3A_495 = tpu.memref_squeeze %dma_start3A_494 : memref<1x1x128xi32, #tpu.memory_space<vmem>> -> memref<128xi32, #tpu.memory_space<vmem>>
      %dma_start3A_496 = arith.constant 0 : i32
      %dma_start3A_497 = arith.constant 0 : i32
      %dma_start3A_498 = tpu.memref_slice %arg10[%dma_start3A_496, %dma_start3A_497] : memref<100000x16xf32, #tpu.memory_space<vmem_shared>> -> memref<100000x16xf32, #tpu.memory_space<vmem_shared>>
      tpu.enqueue_indirect_dma source(%dma_start3A_492 : memref<128x16xf32, #tpu.memory_space<vmem>>) target(%dma_start3A_498 : memref<100000x16xf32, #tpu.memory_space<vmem_shared>>) offsets(%dma_start3A_495 : memref<128xi32, #tpu.memory_space<vmem>>) semaphore(%arg12 : memref<!tpu.dma_semaphore, #tpu.memory_space<semaphore_mem>>) {add = true}
      %dma_start3A_499 = arith.constant 1 : i32
      %dma_start3A_500 = arith.constant 1 : i32
      %dma_start3A_501 = arith.constant 128 : i32
      %dma_start3A_502 = arith.constant 0 : i32
      %dma_start3A_503 = tpu.memref_slice %arg8[%dma_start3A_501, %dma_start3A_502] : memref<640x16xf32, #tpu.memory_space<vmem>> -> memref<128x16xf32, #tpu.memory_space<vmem>>
      %dma_start3A_504 = arith.constant 0 : i32
      %dma_start3A_505 = tpu.memref_slice %arg6[%dma_start3A_499, %dma_start3A_500, %dma_start3A_504] : memref<5x2x128xi32, #tpu.memory_space<vmem>> -> memref<1x1x128xi32, #tpu.memory_space<vmem>>
      %dma_start3A_506 = tpu.memref_squeeze %dma_start3A_505 : memref<1x1x128xi32, #tpu.memory_space<vmem>> -> memref<128xi32, #tpu.memory_space<vmem>>
      %dma_start3A_507 = arith.constant 0 : i32
      %dma_start3A_508 = arith.constant 0 : i32
      %dma_start3A_509 = tpu.memref_slice %arg10[%dma_start3A_507, %dma_start3A_508] : memref<100000x16xf32, #tpu.memory_space<vmem_shared>> -> memref<100000x16xf32, #tpu.memory_space<vmem_shared>>
      tpu.enqueue_indirect_dma source(%dma_start3A_503 : memref<128x16xf32, #tpu.memory_space<vmem>>) target(%dma_start3A_509 : memref<100000x16xf32, #tpu.memory_space<vmem_shared>>) offsets(%dma_start3A_506 : memref<128xi32, #tpu.memory_space<vmem>>) semaphore(%arg12 : memref<!tpu.dma_semaphore, #tpu.memory_space<semaphore_mem>>) {add = true}
      %dma_start3A_510 = arith.constant 2 : i32
      %dma_start3A_511 = arith.constant 1 : i32
      %dma_start3A_512 = arith.constant 256 : i32
      %dma_start3A_513 = arith.constant 0 : i32
      %dma_start3A_514 = tpu.memref_slice %arg8[%dma_start3A_512, %dma_start3A_513] : memref<640x16xf32, #tpu.memory_space<vmem>> -> memref<128x16xf32, #tpu.memory_space<vmem>>
      %dma_start3A_515 = arith.constant 0 : i32
      %dma_start3A_516 = tpu.memref_slice %arg6[%dma_start3A_510, %dma_start3A_511, %dma_start3A_515] : memref<5x2x128xi32, #tpu.memory_space<vmem>> -> memref<1x1x128xi32, #tpu.memory_space<vmem>>
      %dma_start3A_517 = tpu.memref_squeeze %dma_start3A_516 : memref<1x1x128xi32, #tpu.memory_space<vmem>> -> memref<128xi32, #tpu.memory_space<vmem>>
      %dma_start3A_518 = arith.constant 0 : i32
      %dma_start3A_519 = arith.constant 0 : i32
      %dma_start3A_520 = tpu.memref_slice %arg10[%dma_start3A_518, %dma_start3A_519] : memref<100000x16xf32, #tpu.memory_space<vmem_shared>> -> memref<100000x16xf32, #tpu.memory_space<vmem_shared>>
      tpu.enqueue_indirect_dma source(%dma_start3A_514 : memref<128x16xf32, #tpu.memory_space<vmem>>) target(%dma_start3A_520 : memref<100000x16xf32, #tpu.memory_space<vmem_shared>>) offsets(%dma_start3A_517 : memref<128xi32, #tpu.memory_space<vmem>>) semaphore(%arg12 : memref<!tpu.dma_semaphore, #tpu.memory_space<semaphore_mem>>) {add = true}
      %dma_start3A_521 = arith.constant 3 : i32
      %dma_start3A_522 = arith.constant 1 : i32
      %dma_start3A_523 = arith.constant 384 : i32
      %dma_start3A_524 = arith.constant 0 : i32
      %dma_start3A_525 = tpu.memref_slice %arg8[%dma_start3A_523, %dma_start3A_524] : memref<640x16xf32, #tpu.memory_space<vmem>> -> memref<128x16xf32, #tpu.memory_space<vmem>>
      %dma_start3A_526 = arith.constant 0 : i32
      %dma_start3A_527 = tpu.memref_slice %arg6[%dma_start3A_521, %dma_start3A_522, %dma_start3A_526] : memref<5x2x128xi32, #tpu.memory_space<vmem>> -> memref<1x1x128xi32, #tpu.memory_space<vmem>>
      %dma_start3A_528 = tpu.memref_squeeze %dma_start3A_527 : memref<1x1x128xi32, #tpu.memory_space<vmem>> -> memref<128xi32, #tpu.memory_space<vmem>>
      %dma_start3A_529 = arith.constant 0 : i32
      %dma_start3A_530 = arith.constant 0 : i32
      %dma_start3A_531 = tpu.memref_slice %arg10[%dma_start3A_529, %dma_start3A_530] : memref<100000x16xf32, #tpu.memory_space<vmem_shared>> -> memref<100000x16xf32, #tpu.memory_space<vmem_shared>>
      tpu.enqueue_indirect_dma source(%dma_start3A_525 : memref<128x16xf32, #tpu.memory_space<vmem>>) target(%dma_start3A_531 : memref<100000x16xf32, #tpu.memory_space<vmem_shared>>) offsets(%dma_start3A_528 : memref<128xi32, #tpu.memory_space<vmem>>) semaphore(%arg12 : memref<!tpu.dma_semaphore, #tpu.memory_space<semaphore_mem>>) {add = true}
      %dma_start3A_532 = arith.constant 4 : i32
      %dma_start3A_533 = arith.constant 1 : i32
      %dma_start3A_534 = arith.constant 512 : i32
      %dma_start3A_535 = arith.constant 0 : i32
      %dma_start3A_536 = tpu.memref_slice %arg8[%dma_start3A_534, %dma_start3A_535] : memref<640x16xf32, #tpu.memory_space<vmem>> -> memref<128x16xf32, #tpu.memory_space<vmem>>
      %dma_start3A_537 = arith.constant 0 : i32
      %dma_start3A_538 = tpu.memref_slice %arg6[%dma_start3A_532, %dma_start3A_533, %dma_start3A_537] : memref<5x2x128xi32, #tpu.memory_space<vmem>> -> memref<1x1x128xi32, #tpu.memory_space<vmem>>
      %dma_start3A_539 = tpu.memref_squeeze %dma_start3A_538 : memref<1x1x128xi32, #tpu.memory_space<vmem>> -> memref<128xi32, #tpu.memory_space<vmem>>
      %dma_start3A_540 = arith.constant 0 : i32
      %dma_start3A_541 = arith.constant 0 : i32
      %dma_start3A_542 = tpu.memref_slice %arg10[%dma_start3A_540, %dma_start3A_541] : memref<100000x16xf32, #tpu.memory_space<vmem_shared>> -> memref<100000x16xf32, #tpu.memory_space<vmem_shared>>
      tpu.enqueue_indirect_dma source(%dma_start3A_536 : memref<128x16xf32, #tpu.memory_space<vmem>>) target(%dma_start3A_542 : memref<100000x16xf32, #tpu.memory_space<vmem_shared>>) offsets(%dma_start3A_539 : memref<128xi32, #tpu.memory_space<vmem>>) semaphore(%arg12 : memref<!tpu.dma_semaphore, #tpu.memory_space<semaphore_mem>>) {add = true}
      %mul3A_543 = arith.constant 5 : i32
      %mul3A_544 = arith.muli %add3A_331, %mul3A_543 : i32
      %add3A_545 = arith.constant 0 : i32
      %add3A_546 = arith.addi %mul3A_544, %add3A_545 : i32
      %dma_wait3A_547 = arith.constant 0 : i32
      %dma_wait3A_548 = arith.constant 0 : i32
      %dma_wait3A_549 = arith.constant 0 : i32
      %dma_wait3A_550 = tpu.memref_slice %arg7[%dma_wait3A_547, %dma_wait3A_548, %dma_wait3A_549] : memref<5x2x128xi32, #tpu.memory_space<vmem>> -> memref<1x2x128xi32, #tpu.memory_space<vmem>>
      %dma_wait3A_551 = tpu.memref_squeeze %dma_wait3A_550 : memref<1x2x128xi32, #tpu.memory_space<vmem>> -> memref<2x128xi32, #tpu.memory_space<vmem>>
      %dma_wait3A_552 = arith.constant 0 : i32
      %dma_wait3A_553 = arith.constant 0 : i32
      %dma_wait3A_554 = tpu.memref_slice %arg3[%add3A_546, %dma_wait3A_552, %dma_wait3A_553] : memref<50000x2x128xi32, #tpu.memory_space<hbm>> -> memref<1x2x128xi32, #tpu.memory_space<hbm>>
      %dma_wait3A_555 = tpu.memref_squeeze %dma_wait3A_554 : memref<1x2x128xi32, #tpu.memory_space<hbm>> -> memref<2x128xi32, #tpu.memory_space<hbm>>
      %dma_wait3A_556 = arith.constant 0 : i32
      %dma_wait3A_557 = arith.constant 0 : i32
      %dma_wait3A_558 = tpu.memref_slice %arg7[%dma_wait3A_547, %dma_wait3A_556, %dma_wait3A_557] : memref<5x2x128xi32, #tpu.memory_space<vmem>> -> memref<1x2x128xi32, #tpu.memory_space<vmem>>
      %dma_wait3A_559 = tpu.memref_squeeze %dma_wait3A_558 : memref<1x2x128xi32, #tpu.memory_space<vmem>> -> memref<2x128xi32, #tpu.memory_space<vmem>>
      %dma_wait3A_560 = arith.constant 0 : i32
      %dma_wait3A_561 = arith.constant 0 : i32
      %dma_wait3A_562 = tpu.memref_slice %arg3[%add3A_546, %dma_wait3A_560, %dma_wait3A_561] : memref<50000x2x128xi32, #tpu.memory_space<hbm>> -> memref<1x2x128xi32, #tpu.memory_space<hbm>>
      %dma_wait3A_563 = tpu.memref_squeeze %dma_wait3A_562 : memref<1x2x128xi32, #tpu.memory_space<hbm>> -> memref<2x128xi32, #tpu.memory_space<hbm>>
      tpu.wait_dma2 semaphore(%arg13 : memref<!tpu.dma_semaphore, #tpu.memory_space<semaphore_mem>>) src(%dma_wait3A_563 : memref<2x128xi32, #tpu.memory_space<hbm>>) dst(%dma_wait3A_559 : memref<2x128xi32, #tpu.memory_space<vmem>>)
      %add3A_564 = arith.constant 1 : i32
      %add3A_565 = arith.addi %mul3A_544, %add3A_564 : i32
      %dma_wait3A_566 = arith.constant 1 : i32
      %dma_wait3A_567 = arith.constant 0 : i32
      %dma_wait3A_568 = arith.constant 0 : i32
      %dma_wait3A_569 = tpu.memref_slice %arg7[%dma_wait3A_566, %dma_wait3A_567, %dma_wait3A_568] : memref<5x2x128xi32, #tpu.memory_space<vmem>> -> memref<1x2x128xi32, #tpu.memory_space<vmem>>
      %dma_wait3A_570 = tpu.memref_squeeze %dma_wait3A_569 : memref<1x2x128xi32, #tpu.memory_space<vmem>> -> memref<2x128xi32, #tpu.memory_space<vmem>>
      %dma_wait3A_571 = arith.constant 0 : i32
      %dma_wait3A_572 = arith.constant 0 : i32
      %dma_wait3A_573 = tpu.memref_slice %arg3[%add3A_565, %dma_wait3A_571, %dma_wait3A_572] : memref<50000x2x128xi32, #tpu.memory_space<hbm>> -> memref<1x2x128xi32, #tpu.memory_space<hbm>>
      %dma_wait3A_574 = tpu.memref_squeeze %dma_wait3A_573 : memref<1x2x128xi32, #tpu.memory_space<hbm>> -> memref<2x128xi32, #tpu.memory_space<hbm>>
      %dma_wait3A_575 = arith.constant 0 : i32
      %dma_wait3A_576 = arith.constant 0 : i32
      %dma_wait3A_577 = tpu.memref_slice %arg7[%dma_wait3A_566, %dma_wait3A_575, %dma_wait3A_576] : memref<5x2x128xi32, #tpu.memory_space<vmem>> -> memref<1x2x128xi32, #tpu.memory_space<vmem>>
      %dma_wait3A_578 = tpu.memref_squeeze %dma_wait3A_577 : memref<1x2x128xi32, #tpu.memory_space<vmem>> -> memref<2x128xi32, #tpu.memory_space<vmem>>
      %dma_wait3A_579 = arith.constant 0 : i32
      %dma_wait3A_580 = arith.constant 0 : i32
      %dma_wait3A_581 = tpu.memref_slice %arg3[%add3A_565, %dma_wait3A_579, %dma_wait3A_580] : memref<50000x2x128xi32, #tpu.memory_space<hbm>> -> memref<1x2x128xi32, #tpu.memory_space<hbm>>
      %dma_wait3A_582 = tpu.memref_squeeze %dma_wait3A_581 : memref<1x2x128xi32, #tpu.memory_space<hbm>> -> memref<2x128xi32, #tpu.memory_space<hbm>>
      tpu.wait_dma2 semaphore(%arg13 : memref<!tpu.dma_semaphore, #tpu.memory_space<semaphore_mem>>) src(%dma_wait3A_582 : memref<2x128xi32, #tpu.memory_space<hbm>>) dst(%dma_wait3A_578 : memref<2x128xi32, #tpu.memory_space<vmem>>)
      %add3A_583 = arith.constant 2 : i32
      %add3A_584 = arith.addi %mul3A_544, %add3A_583 : i32
      %dma_wait3A_585 = arith.constant 2 : i32
      %dma_wait3A_586 = arith.constant 0 : i32
      %dma_wait3A_587 = arith.constant 0 : i32
      %dma_wait3A_588 = tpu.memref_slice %arg7[%dma_wait3A_585, %dma_wait3A_586, %dma_wait3A_587] : memref<5x2x128xi32, #tpu.memory_space<vmem>> -> memref<1x2x128xi32, #tpu.memory_space<vmem>>
      %dma_wait3A_589 = tpu.memref_squeeze %dma_wait3A_588 : memref<1x2x128xi32, #tpu.memory_space<vmem>> -> memref<2x128xi32, #tpu.memory_space<vmem>>
      %dma_wait3A_590 = arith.constant 0 : i32
      %dma_wait3A_591 = arith.constant 0 : i32
      %dma_wait3A_592 = tpu.memref_slice %arg3[%add3A_584, %dma_wait3A_590, %dma_wait3A_591] : memref<50000x2x128xi32, #tpu.memory_space<hbm>> -> memref<1x2x128xi32, #tpu.memory_space<hbm>>
      %dma_wait3A_593 = tpu.memref_squeeze %dma_wait3A_592 : memref<1x2x128xi32, #tpu.memory_space<hbm>> -> memref<2x128xi32, #tpu.memory_space<hbm>>
      %dma_wait3A_594 = arith.constant 0 : i32
      %dma_wait3A_595 = arith.constant 0 : i32
      %dma_wait3A_596 = tpu.memref_slice %arg7[%dma_wait3A_585, %dma_wait3A_594, %dma_wait3A_595] : memref<5x2x128xi32, #tpu.memory_space<vmem>> -> memref<1x2x128xi32, #tpu.memory_space<vmem>>
      %dma_wait3A_597 = tpu.memref_squeeze %dma_wait3A_596 : memref<1x2x128xi32, #tpu.memory_space<vmem>> -> memref<2x128xi32, #tpu.memory_space<vmem>>
      %dma_wait3A_598 = arith.constant 0 : i32
      %dma_wait3A_599 = arith.constant 0 : i32
      %dma_wait3A_600 = tpu.memref_slice %arg3[%add3A_584, %dma_wait3A_598, %dma_wait3A_599] : memref<50000x2x128xi32, #tpu.memory_space<hbm>> -> memref<1x2x128xi32, #tpu.memory_space<hbm>>
      %dma_wait3A_601 = tpu.memref_squeeze %dma_wait3A_600 : memref<1x2x128xi32, #tpu.memory_space<hbm>> -> memref<2x128xi32, #tpu.memory_space<hbm>>
      tpu.wait_dma2 semaphore(%arg13 : memref<!tpu.dma_semaphore, #tpu.memory_space<semaphore_mem>>) src(%dma_wait3A_601 : memref<2x128xi32, #tpu.memory_space<hbm>>) dst(%dma_wait3A_597 : memref<2x128xi32, #tpu.memory_space<vmem>>)
      %add3A_602 = arith.constant 3 : i32
      %add3A_603 = arith.addi %mul3A_544, %add3A_602 : i32
      %dma_wait3A_604 = arith.constant 3 : i32
      %dma_wait3A_605 = arith.constant 0 : i32
      %dma_wait3A_606 = arith.constant 0 : i32
      %dma_wait3A_607 = tpu.memref_slice %arg7[%dma_wait3A_604, %dma_wait3A_605, %dma_wait3A_606] : memref<5x2x128xi32, #tpu.memory_space<vmem>> -> memref<1x2x128xi32, #tpu.memory_space<vmem>>
      %dma_wait3A_608 = tpu.memref_squeeze %dma_wait3A_607 : memref<1x2x128xi32, #tpu.memory_space<vmem>> -> memref<2x128xi32, #tpu.memory_space<vmem>>
      %dma_wait3A_609 = arith.constant 0 : i32
      %dma_wait3A_610 = arith.constant 0 : i32
      %dma_wait3A_611 = tpu.memref_slice %arg3[%add3A_603, %dma_wait3A_609, %dma_wait3A_610] : memref<50000x2x128xi32, #tpu.memory_space<hbm>> -> memref<1x2x128xi32, #tpu.memory_space<hbm>>
      %dma_wait3A_612 = tpu.memref_squeeze %dma_wait3A_611 : memref<1x2x128xi32, #tpu.memory_space<hbm>> -> memref<2x128xi32, #tpu.memory_space<hbm>>
      %dma_wait3A_613 = arith.constant 0 : i32
      %dma_wait3A_614 = arith.constant 0 : i32
      %dma_wait3A_615 = tpu.memref_slice %arg7[%dma_wait3A_604, %dma_wait3A_613, %dma_wait3A_614] : memref<5x2x128xi32, #tpu.memory_space<vmem>> -> memref<1x2x128xi32, #tpu.memory_space<vmem>>
      %dma_wait3A_616 = tpu.memref_squeeze %dma_wait3A_615 : memref<1x2x128xi32, #tpu.memory_space<vmem>> -> memref<2x128xi32, #tpu.memory_space<vmem>>
      %dma_wait3A_617 = arith.constant 0 : i32
      %dma_wait3A_618 = arith.constant 0 : i32
      %dma_wait3A_619 = tpu.memref_slice %arg3[%add3A_603, %dma_wait3A_617, %dma_wait3A_618] : memref<50000x2x128xi32, #tpu.memory_space<hbm>> -> memref<1x2x128xi32, #tpu.memory_space<hbm>>
      %dma_wait3A_620 = tpu.memref_squeeze %dma_wait3A_619 : memref<1x2x128xi32, #tpu.memory_space<hbm>> -> memref<2x128xi32, #tpu.memory_space<hbm>>
      tpu.wait_dma2 semaphore(%arg13 : memref<!tpu.dma_semaphore, #tpu.memory_space<semaphore_mem>>) src(%dma_wait3A_620 : memref<2x128xi32, #tpu.memory_space<hbm>>) dst(%dma_wait3A_616 : memref<2x128xi32, #tpu.memory_space<vmem>>)
      %add3A_621 = arith.constant 4 : i32
      %add3A_622 = arith.addi %mul3A_544, %add3A_621 : i32
      %dma_wait3A_623 = arith.constant 4 : i32
      %dma_wait3A_624 = arith.constant 0 : i32
      %dma_wait3A_625 = arith.constant 0 : i32
      %dma_wait3A_626 = tpu.memref_slice %arg7[%dma_wait3A_623, %dma_wait3A_624, %dma_wait3A_625] : memref<5x2x128xi32, #tpu.memory_space<vmem>> -> memref<1x2x128xi32, #tpu.memory_space<vmem>>
      %dma_wait3A_627 = tpu.memref_squeeze %dma_wait3A_626 : memref<1x2x128xi32, #tpu.memory_space<vmem>> -> memref<2x128xi32, #tpu.memory_space<vmem>>
      %dma_wait3A_628 = arith.constant 0 : i32
      %dma_wait3A_629 = arith.constant 0 : i32
      %dma_wait3A_630 = tpu.memref_slice %arg3[%add3A_622, %dma_wait3A_628, %dma_wait3A_629] : memref<50000x2x128xi32, #tpu.memory_space<hbm>> -> memref<1x2x128xi32, #tpu.memory_space<hbm>>
      %dma_wait3A_631 = tpu.memref_squeeze %dma_wait3A_630 : memref<1x2x128xi32, #tpu.memory_space<hbm>> -> memref<2x128xi32, #tpu.memory_space<hbm>>
      %dma_wait3A_632 = arith.constant 0 : i32
      %dma_wait3A_633 = arith.constant 0 : i32
      %dma_wait3A_634 = tpu.memref_slice %arg7[%dma_wait3A_623, %dma_wait3A_632, %dma_wait3A_633] : memref<5x2x128xi32, #tpu.memory_space<vmem>> -> memref<1x2x128xi32, #tpu.memory_space<vmem>>
      %dma_wait3A_635 = tpu.memref_squeeze %dma_wait3A_634 : memref<1x2x128xi32, #tpu.memory_space<vmem>> -> memref<2x128xi32, #tpu.memory_space<vmem>>
      %dma_wait3A_636 = arith.constant 0 : i32
      %dma_wait3A_637 = arith.constant 0 : i32
      %dma_wait3A_638 = tpu.memref_slice %arg3[%add3A_622, %dma_wait3A_636, %dma_wait3A_637] : memref<50000x2x128xi32, #tpu.memory_space<hbm>> -> memref<1x2x128xi32, #tpu.memory_space<hbm>>
      %dma_wait3A_639 = tpu.memref_squeeze %dma_wait3A_638 : memref<1x2x128xi32, #tpu.memory_space<hbm>> -> memref<2x128xi32, #tpu.memory_space<hbm>>
      tpu.wait_dma2 semaphore(%arg13 : memref<!tpu.dma_semaphore, #tpu.memory_space<semaphore_mem>>) src(%dma_wait3A_639 : memref<2x128xi32, #tpu.memory_space<hbm>>) dst(%dma_wait3A_635 : memref<2x128xi32, #tpu.memory_space<vmem>>)
      %dma_start3A_640 = arith.constant 0 : i32
      %dma_start3A_641 = arith.constant 0 : i32
      %dma_start3A_642 = arith.constant 0 : i32
      %dma_start3A_643 = arith.constant 0 : i32
      %dma_start3A_644 = tpu.memref_slice %arg9[%dma_start3A_642, %dma_start3A_643] : memref<640x16xf32, #tpu.memory_space<vmem>> -> memref<128x16xf32, #tpu.memory_space<vmem>>
      %dma_start3A_645 = arith.constant 0 : i32
      %dma_start3A_646 = tpu.memref_slice %arg7[%dma_start3A_640, %dma_start3A_641, %dma_start3A_645] : memref<5x2x128xi32, #tpu.memory_space<vmem>> -> memref<1x1x128xi32, #tpu.memory_space<vmem>>
      %dma_start3A_647 = tpu.memref_squeeze %dma_start3A_646 : memref<1x1x128xi32, #tpu.memory_space<vmem>> -> memref<128xi32, #tpu.memory_space<vmem>>
      %dma_start3A_648 = arith.constant 0 : i32
      %dma_start3A_649 = arith.constant 0 : i32
      %dma_start3A_650 = tpu.memref_slice %arg2[%dma_start3A_648, %dma_start3A_649] : memref<100000x16xf32, #tpu.memory_space<hbm>> -> memref<100000x16xf32, #tpu.memory_space<hbm>>
      tpu.enqueue_indirect_dma source(%dma_start3A_650 : memref<100000x16xf32, #tpu.memory_space<hbm>>) target(%dma_start3A_644 : memref<128x16xf32, #tpu.memory_space<vmem>>) offsets(%dma_start3A_647 : memref<128xi32, #tpu.memory_space<vmem>>) semaphore(%arg11 : memref<!tpu.dma_semaphore, #tpu.memory_space<semaphore_mem>>)
      %dma_start3A_651 = arith.constant 1 : i32
      %dma_start3A_652 = arith.constant 0 : i32
      %dma_start3A_653 = arith.constant 128 : i32
      %dma_start3A_654 = arith.constant 0 : i32
      %dma_start3A_655 = tpu.memref_slice %arg9[%dma_start3A_653, %dma_start3A_654] : memref<640x16xf32, #tpu.memory_space<vmem>> -> memref<128x16xf32, #tpu.memory_space<vmem>>
      %dma_start3A_656 = arith.constant 0 : i32
      %dma_start3A_657 = tpu.memref_slice %arg7[%dma_start3A_651, %dma_start3A_652, %dma_start3A_656] : memref<5x2x128xi32, #tpu.memory_space<vmem>> -> memref<1x1x128xi32, #tpu.memory_space<vmem>>
      %dma_start3A_658 = tpu.memref_squeeze %dma_start3A_657 : memref<1x1x128xi32, #tpu.memory_space<vmem>> -> memref<128xi32, #tpu.memory_space<vmem>>
      %dma_start3A_659 = arith.constant 0 : i32
      %dma_start3A_660 = arith.constant 0 : i32
      %dma_start3A_661 = tpu.memref_slice %arg2[%dma_start3A_659, %dma_start3A_660] : memref<100000x16xf32, #tpu.memory_space<hbm>> -> memref<100000x16xf32, #tpu.memory_space<hbm>>
      tpu.enqueue_indirect_dma source(%dma_start3A_661 : memref<100000x16xf32, #tpu.memory_space<hbm>>) target(%dma_start3A_655 : memref<128x16xf32, #tpu.memory_space<vmem>>) offsets(%dma_start3A_658 : memref<128xi32, #tpu.memory_space<vmem>>) semaphore(%arg11 : memref<!tpu.dma_semaphore, #tpu.memory_space<semaphore_mem>>)
      %dma_start3A_662 = arith.constant 2 : i32
      %dma_start3A_663 = arith.constant 0 : i32
      %dma_start3A_664 = arith.constant 256 : i32
      %dma_start3A_665 = arith.constant 0 : i32
      %dma_start3A_666 = tpu.memref_slice %arg9[%dma_start3A_664, %dma_start3A_665] : memref<640x16xf32, #tpu.memory_space<vmem>> -> memref<128x16xf32, #tpu.memory_space<vmem>>
      %dma_start3A_667 = arith.constant 0 : i32
      %dma_start3A_668 = tpu.memref_slice %arg7[%dma_start3A_662, %dma_start3A_663, %dma_start3A_667] : memref<5x2x128xi32, #tpu.memory_space<vmem>> -> memref<1x1x128xi32, #tpu.memory_space<vmem>>
      %dma_start3A_669 = tpu.memref_squeeze %dma_start3A_668 : memref<1x1x128xi32, #tpu.memory_space<vmem>> -> memref<128xi32, #tpu.memory_space<vmem>>
      %dma_start3A_670 = arith.constant 0 : i32
      %dma_start3A_671 = arith.constant 0 : i32
      %dma_start3A_672 = tpu.memref_slice %arg2[%dma_start3A_670, %dma_start3A_671] : memref<100000x16xf32, #tpu.memory_space<hbm>> -> memref<100000x16xf32, #tpu.memory_space<hbm>>
      tpu.enqueue_indirect_dma source(%dma_start3A_672 : memref<100000x16xf32, #tpu.memory_space<hbm>>) target(%dma_start3A_666 : memref<128x16xf32, #tpu.memory_space<vmem>>) offsets(%dma_start3A_669 : memref<128xi32, #tpu.memory_space<vmem>>) semaphore(%arg11 : memref<!tpu.dma_semaphore, #tpu.memory_space<semaphore_mem>>)
      %dma_start3A_673 = arith.constant 3 : i32
      %dma_start3A_674 = arith.constant 0 : i32
      %dma_start3A_675 = arith.constant 384 : i32
      %dma_start3A_676 = arith.constant 0 : i32
      %dma_start3A_677 = tpu.memref_slice %arg9[%dma_start3A_675, %dma_start3A_676] : memref<640x16xf32, #tpu.memory_space<vmem>> -> memref<128x16xf32, #tpu.memory_space<vmem>>
      %dma_start3A_678 = arith.constant 0 : i32
      %dma_start3A_679 = tpu.memref_slice %arg7[%dma_start3A_673, %dma_start3A_674, %dma_start3A_678] : memref<5x2x128xi32, #tpu.memory_space<vmem>> -> memref<1x1x128xi32, #tpu.memory_space<vmem>>
      %dma_start3A_680 = tpu.memref_squeeze %dma_start3A_679 : memref<1x1x128xi32, #tpu.memory_space<vmem>> -> memref<128xi32, #tpu.memory_space<vmem>>
      %dma_start3A_681 = arith.constant 0 : i32
      %dma_start3A_682 = arith.constant 0 : i32
      %dma_start3A_683 = tpu.memref_slice %arg2[%dma_start3A_681, %dma_start3A_682] : memref<100000x16xf32, #tpu.memory_space<hbm>> -> memref<100000x16xf32, #tpu.memory_space<hbm>>
      tpu.enqueue_indirect_dma source(%dma_start3A_683 : memref<100000x16xf32, #tpu.memory_space<hbm>>) target(%dma_start3A_677 : memref<128x16xf32, #tpu.memory_space<vmem>>) offsets(%dma_start3A_680 : memref<128xi32, #tpu.memory_space<vmem>>) semaphore(%arg11 : memref<!tpu.dma_semaphore, #tpu.memory_space<semaphore_mem>>)
      %dma_start3A_684 = arith.constant 4 : i32
      %dma_start3A_685 = arith.constant 0 : i32
      %dma_start3A_686 = arith.constant 512 : i32
      %dma_start3A_687 = arith.constant 0 : i32
      %dma_start3A_688 = tpu.memref_slice %arg9[%dma_start3A_686, %dma_start3A_687] : memref<640x16xf32, #tpu.memory_space<vmem>> -> memref<128x16xf32, #tpu.memory_space<vmem>>
      %dma_start3A_689 = arith.constant 0 : i32
      %dma_start3A_690 = tpu.memref_slice %arg7[%dma_start3A_684, %dma_start3A_685, %dma_start3A_689] : memref<5x2x128xi32, #tpu.memory_space<vmem>> -> memref<1x1x128xi32, #tpu.memory_space<vmem>>
      %dma_start3A_691 = tpu.memref_squeeze %dma_start3A_690 : memref<1x1x128xi32, #tpu.memory_space<vmem>> -> memref<128xi32, #tpu.memory_space<vmem>>
      %dma_start3A_692 = arith.constant 0 : i32
      %dma_start3A_693 = arith.constant 0 : i32
      %dma_start3A_694 = tpu.memref_slice %arg2[%dma_start3A_692, %dma_start3A_693] : memref<100000x16xf32, #tpu.memory_space<hbm>> -> memref<100000x16xf32, #tpu.memory_space<hbm>>
      tpu.enqueue_indirect_dma source(%dma_start3A_694 : memref<100000x16xf32, #tpu.memory_space<hbm>>) target(%dma_start3A_688 : memref<128x16xf32, #tpu.memory_space<vmem>>) offsets(%dma_start3A_691 : memref<128xi32, #tpu.memory_space<vmem>>) semaphore(%arg11 : memref<!tpu.dma_semaphore, #tpu.memory_space<semaphore_mem>>)
      %dma_wait3A_695 = arith.constant 0 : i32
      %dma_wait3A_696 = arith.constant 1 : i32
      %dma_wait3A_697 = arith.constant 0 : i32
      %dma_wait3A_698 = arith.constant 0 : i32
      %dma_wait3A_699 = tpu.memref_slice %arg8[%dma_wait3A_697, %dma_wait3A_698] : memref<640x16xf32, #tpu.memory_space<vmem>> -> memref<128x16xf32, #tpu.memory_space<vmem>>
      %dma_wait3A_700 = arith.constant 0 : i32
      %dma_wait3A_701 = tpu.memref_slice %arg6[%dma_wait3A_695, %dma_wait3A_696, %dma_wait3A_700] : memref<5x2x128xi32, #tpu.memory_space<vmem>> -> memref<1x1x128xi32, #tpu.memory_space<vmem>>
      %dma_wait3A_702 = tpu.memref_squeeze %dma_wait3A_701 : memref<1x1x128xi32, #tpu.memory_space<vmem>> -> memref<128xi32, #tpu.memory_space<vmem>>
      %dma_wait3A_703 = arith.constant 0 : i32
      %dma_wait3A_704 = arith.constant 0 : i32
      %dma_wait3A_705 = tpu.memref_slice %arg10[%dma_wait3A_703, %dma_wait3A_704] : memref<100000x16xf32, #tpu.memory_space<vmem_shared>> -> memref<100000x16xf32, #tpu.memory_space<vmem_shared>>
      tpu.wait_indirect_dma semaphore(%arg12 : memref<!tpu.dma_semaphore, #tpu.memory_space<semaphore_mem>>) src(%dma_wait3A_699 : memref<128x16xf32, #tpu.memory_space<vmem>>) dst(%dma_wait3A_705 : memref<100000x16xf32, #tpu.memory_space<vmem_shared>>)
      %dma_wait3A_706 = arith.constant 1 : i32
      %dma_wait3A_707 = arith.constant 1 : i32
      %dma_wait3A_708 = arith.constant 128 : i32
      %dma_wait3A_709 = arith.constant 0 : i32
      %dma_wait3A_710 = tpu.memref_slice %arg8[%dma_wait3A_708, %dma_wait3A_709] : memref<640x16xf32, #tpu.memory_space<vmem>> -> memref<128x16xf32, #tpu.memory_space<vmem>>
      %dma_wait3A_711 = arith.constant 0 : i32
      %dma_wait3A_712 = tpu.memref_slice %arg6[%dma_wait3A_706, %dma_wait3A_707, %dma_wait3A_711] : memref<5x2x128xi32, #tpu.memory_space<vmem>> -> memref<1x1x128xi32, #tpu.memory_space<vmem>>
      %dma_wait3A_713 = tpu.memref_squeeze %dma_wait3A_712 : memref<1x1x128xi32, #tpu.memory_space<vmem>> -> memref<128xi32, #tpu.memory_space<vmem>>
      %dma_wait3A_714 = arith.constant 0 : i32
      %dma_wait3A_715 = arith.constant 0 : i32
      %dma_wait3A_716 = tpu.memref_slice %arg10[%dma_wait3A_714, %dma_wait3A_715] : memref<100000x16xf32, #tpu.memory_space<vmem_shared>> -> memref<100000x16xf32, #tpu.memory_space<vmem_shared>>
      tpu.wait_indirect_dma semaphore(%arg12 : memref<!tpu.dma_semaphore, #tpu.memory_space<semaphore_mem>>) src(%dma_wait3A_710 : memref<128x16xf32, #tpu.memory_space<vmem>>) dst(%dma_wait3A_716 : memref<100000x16xf32, #tpu.memory_space<vmem_shared>>)
      %dma_wait3A_717 = arith.constant 2 : i32
      %dma_wait3A_718 = arith.constant 1 : i32
      %dma_wait3A_719 = arith.constant 256 : i32
      %dma_wait3A_720 = arith.constant 0 : i32
      %dma_wait3A_721 = tpu.memref_slice %arg8[%dma_wait3A_719, %dma_wait3A_720] : memref<640x16xf32, #tpu.memory_space<vmem>> -> memref<128x16xf32, #tpu.memory_space<vmem>>
      %dma_wait3A_722 = arith.constant 0 : i32
      %dma_wait3A_723 = tpu.memref_slice %arg6[%dma_wait3A_717, %dma_wait3A_718, %dma_wait3A_722] : memref<5x2x128xi32, #tpu.memory_space<vmem>> -> memref<1x1x128xi32, #tpu.memory_space<vmem>>
      %dma_wait3A_724 = tpu.memref_squeeze %dma_wait3A_723 : memref<1x1x128xi32, #tpu.memory_space<vmem>> -> memref<128xi32, #tpu.memory_space<vmem>>
      %dma_wait3A_725 = arith.constant 0 : i32
      %dma_wait3A_726 = arith.constant 0 : i32
      %dma_wait3A_727 = tpu.memref_slice %arg10[%dma_wait3A_725, %dma_wait3A_726] : memref<100000x16xf32, #tpu.memory_space<vmem_shared>> -> memref<100000x16xf32, #tpu.memory_space<vmem_shared>>
      tpu.wait_indirect_dma semaphore(%arg12 : memref<!tpu.dma_semaphore, #tpu.memory_space<semaphore_mem>>) src(%dma_wait3A_721 : memref<128x16xf32, #tpu.memory_space<vmem>>) dst(%dma_wait3A_727 : memref<100000x16xf32, #tpu.memory_space<vmem_shared>>)
      %dma_wait3A_728 = arith.constant 3 : i32
      %dma_wait3A_729 = arith.constant 1 : i32
      %dma_wait3A_730 = arith.constant 384 : i32
      %dma_wait3A_731 = arith.constant 0 : i32
      %dma_wait3A_732 = tpu.memref_slice %arg8[%dma_wait3A_730, %dma_wait3A_731] : memref<640x16xf32, #tpu.memory_space<vmem>> -> memref<128x16xf32, #tpu.memory_space<vmem>>
      %dma_wait3A_733 = arith.constant 0 : i32
      %dma_wait3A_734 = tpu.memref_slice %arg6[%dma_wait3A_728, %dma_wait3A_729, %dma_wait3A_733] : memref<5x2x128xi32, #tpu.memory_space<vmem>> -> memref<1x1x128xi32, #tpu.memory_space<vmem>>
      %dma_wait3A_735 = tpu.memref_squeeze %dma_wait3A_734 : memref<1x1x128xi32, #tpu.memory_space<vmem>> -> memref<128xi32, #tpu.memory_space<vmem>>
      %dma_wait3A_736 = arith.constant 0 : i32
      %dma_wait3A_737 = arith.constant 0 : i32
      %dma_wait3A_738 = tpu.memref_slice %arg10[%dma_wait3A_736, %dma_wait3A_737] : memref<100000x16xf32, #tpu.memory_space<vmem_shared>> -> memref<100000x16xf32, #tpu.memory_space<vmem_shared>>
      tpu.wait_indirect_dma semaphore(%arg12 : memref<!tpu.dma_semaphore, #tpu.memory_space<semaphore_mem>>) src(%dma_wait3A_732 : memref<128x16xf32, #tpu.memory_space<vmem>>) dst(%dma_wait3A_738 : memref<100000x16xf32, #tpu.memory_space<vmem_shared>>)
      %dma_wait3A_739 = arith.constant 4 : i32
      %dma_wait3A_740 = arith.constant 1 : i32
      %dma_wait3A_741 = arith.constant 512 : i32
      %dma_wait3A_742 = arith.constant 0 : i32
      %dma_wait3A_743 = tpu.memref_slice %arg8[%dma_wait3A_741, %dma_wait3A_742] : memref<640x16xf32, #tpu.memory_space<vmem>> -> memref<128x16xf32, #tpu.memory_space<vmem>>
      %dma_wait3A_744 = arith.constant 0 : i32
      %dma_wait3A_745 = tpu.memref_slice %arg6[%dma_wait3A_739, %dma_wait3A_740, %dma_wait3A_744] : memref<5x2x128xi32, #tpu.memory_space<vmem>> -> memref<1x1x128xi32, #tpu.memory_space<vmem>>
      %dma_wait3A_746 = tpu.memref_squeeze %dma_wait3A_745 : memref<1x1x128xi32, #tpu.memory_space<vmem>> -> memref<128xi32, #tpu.memory_space<vmem>>
      %dma_wait3A_747 = arith.constant 0 : i32
      %dma_wait3A_748 = arith.constant 0 : i32
      %dma_wait3A_749 = tpu.memref_slice %arg10[%dma_wait3A_747, %dma_wait3A_748] : memref<100000x16xf32, #tpu.memory_space<vmem_shared>> -> memref<100000x16xf32, #tpu.memory_space<vmem_shared>>
      tpu.wait_indirect_dma semaphore(%arg12 : memref<!tpu.dma_semaphore, #tpu.memory_space<semaphore_mem>>) src(%dma_wait3A_743 : memref<128x16xf32, #tpu.memory_space<vmem>>) dst(%dma_wait3A_749 : memref<100000x16xf32, #tpu.memory_space<vmem_shared>>)
      %lt3A_750 = arith.constant 155 : i32
      %lt3A_751 = arith.cmpi slt, %add3A_324, %lt3A_750 : i32
      %convert_element_type3A_752 = arith.extui %lt3A_751 : i1 to i32
      %cond3A_753 = arith.constant 0 : i32
      %cond3A_754 = arith.cmpi ne, %convert_element_type3A_752, %cond3A_753 : i32
      scf.if %cond3A_754 {
        %add3A_870 = arith.constant 32 : i32
        %add3A_871 = arith.addi %add3A_331, %add3A_870 : i32
        %mul3A_872 = arith.constant 5 : i32
        %mul3A_873 = arith.muli %add3A_871, %mul3A_872 : i32
        %add3A_874 = arith.constant 0 : i32
        %add3A_875 = arith.addi %mul3A_873, %add3A_874 : i32
        %dma_start3A_876 = arith.constant 0 : i32
        %dma_start3A_877 = arith.constant 0 : i32
        %dma_start3A_878 = arith.constant 0 : i32
        %dma_start3A_879 = tpu.memref_slice %arg6[%dma_start3A_876, %dma_start3A_877, %dma_start3A_878] : memref<5x2x128xi32, #tpu.memory_space<vmem>> -> memref<1x2x128xi32, #tpu.memory_space<vmem>>
        %dma_start3A_880 = tpu.memref_squeeze %dma_start3A_879 : memref<1x2x128xi32, #tpu.memory_space<vmem>> -> memref<2x128xi32, #tpu.memory_space<vmem>>
        %dma_start3A_881 = arith.constant 0 : i32
        %dma_start3A_882 = arith.constant 0 : i32
        %dma_start3A_883 = tpu.memref_slice %arg3[%add3A_875, %dma_start3A_881, %dma_start3A_882] : memref<50000x2x128xi32, #tpu.memory_space<hbm>> -> memref<1x2x128xi32, #tpu.memory_space<hbm>>
        %dma_start3A_884 = tpu.memref_squeeze %dma_start3A_883 : memref<1x2x128xi32, #tpu.memory_space<hbm>> -> memref<2x128xi32, #tpu.memory_space<hbm>>
        %dma_start3A_885 = arith.constant 0 : i32
        %dma_start3A_886 = arith.constant 0 : i32
        %dma_start3A_887 = tpu.memref_slice %arg6[%dma_start3A_876, %dma_start3A_885, %dma_start3A_886] : memref<5x2x128xi32, #tpu.memory_space<vmem>> -> memref<1x2x128xi32, #tpu.memory_space<vmem>>
        %dma_start3A_888 = tpu.memref_squeeze %dma_start3A_887 : memref<1x2x128xi32, #tpu.memory_space<vmem>> -> memref<2x128xi32, #tpu.memory_space<vmem>>
        %dma_start3A_889 = arith.constant 0 : i32
        %dma_start3A_890 = arith.constant 0 : i32
        %dma_start3A_891 = tpu.memref_slice %arg3[%add3A_875, %dma_start3A_889, %dma_start3A_890] : memref<50000x2x128xi32, #tpu.memory_space<hbm>> -> memref<1x2x128xi32, #tpu.memory_space<hbm>>
        %dma_start3A_892 = tpu.memref_squeeze %dma_start3A_891 : memref<1x2x128xi32, #tpu.memory_space<hbm>> -> memref<2x128xi32, #tpu.memory_space<hbm>>
        tpu.enqueue_dma source(%dma_start3A_892 : memref<2x128xi32, #tpu.memory_space<hbm>>) target(%dma_start3A_888 : memref<2x128xi32, #tpu.memory_space<vmem>>) target_semaphore(%arg13 : memref<!tpu.dma_semaphore, #tpu.memory_space<semaphore_mem>>)
        %add3A_893 = arith.constant 1 : i32
        %add3A_894 = arith.addi %mul3A_873, %add3A_893 : i32
        %dma_start3A_895 = arith.constant 1 : i32
        %dma_start3A_896 = arith.constant 0 : i32
        %dma_start3A_897 = arith.constant 0 : i32
        %dma_start3A_898 = tpu.memref_slice %arg6[%dma_start3A_895, %dma_start3A_896, %dma_start3A_897] : memref<5x2x128xi32, #tpu.memory_space<vmem>> -> memref<1x2x128xi32, #tpu.memory_space<vmem>>
        %dma_start3A_899 = tpu.memref_squeeze %dma_start3A_898 : memref<1x2x128xi32, #tpu.memory_space<vmem>> -> memref<2x128xi32, #tpu.memory_space<vmem>>
        %dma_start3A_900 = arith.constant 0 : i32
        %dma_start3A_901 = arith.constant 0 : i32
        %dma_start3A_902 = tpu.memref_slice %arg3[%add3A_894, %dma_start3A_900, %dma_start3A_901] : memref<50000x2x128xi32, #tpu.memory_space<hbm>> -> memref<1x2x128xi32, #tpu.memory_space<hbm>>
        %dma_start3A_903 = tpu.memref_squeeze %dma_start3A_902 : memref<1x2x128xi32, #tpu.memory_space<hbm>> -> memref<2x128xi32, #tpu.memory_space<hbm>>
        %dma_start3A_904 = arith.constant 0 : i32
        %dma_start3A_905 = arith.constant 0 : i32
        %dma_start3A_906 = tpu.memref_slice %arg6[%dma_start3A_895, %dma_start3A_904, %dma_start3A_905] : memref<5x2x128xi32, #tpu.memory_space<vmem>> -> memref<1x2x128xi32, #tpu.memory_space<vmem>>
        %dma_start3A_907 = tpu.memref_squeeze %dma_start3A_906 : memref<1x2x128xi32, #tpu.memory_space<vmem>> -> memref<2x128xi32, #tpu.memory_space<vmem>>
        %dma_start3A_908 = arith.constant 0 : i32
        %dma_start3A_909 = arith.constant 0 : i32
        %dma_start3A_910 = tpu.memref_slice %arg3[%add3A_894, %dma_start3A_908, %dma_start3A_909] : memref<50000x2x128xi32, #tpu.memory_space<hbm>> -> memref<1x2x128xi32, #tpu.memory_space<hbm>>
        %dma_start3A_911 = tpu.memref_squeeze %dma_start3A_910 : memref<1x2x128xi32, #tpu.memory_space<hbm>> -> memref<2x128xi32, #tpu.memory_space<hbm>>
        tpu.enqueue_dma source(%dma_start3A_911 : memref<2x128xi32, #tpu.memory_space<hbm>>) target(%dma_start3A_907 : memref<2x128xi32, #tpu.memory_space<vmem>>) target_semaphore(%arg13 : memref<!tpu.dma_semaphore, #tpu.memory_space<semaphore_mem>>)
        %add3A_912 = arith.constant 2 : i32
        %add3A_913 = arith.addi %mul3A_873, %add3A_912 : i32
        %dma_start3A_914 = arith.constant 2 : i32
        %dma_start3A_915 = arith.constant 0 : i32
        %dma_start3A_916 = arith.constant 0 : i32
        %dma_start3A_917 = tpu.memref_slice %arg6[%dma_start3A_914, %dma_start3A_915, %dma_start3A_916] : memref<5x2x128xi32, #tpu.memory_space<vmem>> -> memref<1x2x128xi32, #tpu.memory_space<vmem>>
        %dma_start3A_918 = tpu.memref_squeeze %dma_start3A_917 : memref<1x2x128xi32, #tpu.memory_space<vmem>> -> memref<2x128xi32, #tpu.memory_space<vmem>>
        %dma_start3A_919 = arith.constant 0 : i32
        %dma_start3A_920 = arith.constant 0 : i32
        %dma_start3A_921 = tpu.memref_slice %arg3[%add3A_913, %dma_start3A_919, %dma_start3A_920] : memref<50000x2x128xi32, #tpu.memory_space<hbm>> -> memref<1x2x128xi32, #tpu.memory_space<hbm>>
        %dma_start3A_922 = tpu.memref_squeeze %dma_start3A_921 : memref<1x2x128xi32, #tpu.memory_space<hbm>> -> memref<2x128xi32, #tpu.memory_space<hbm>>
        %dma_start3A_923 = arith.constant 0 : i32
        %dma_start3A_924 = arith.constant 0 : i32
        %dma_start3A_925 = tpu.memref_slice %arg6[%dma_start3A_914, %dma_start3A_923, %dma_start3A_924] : memref<5x2x128xi32, #tpu.memory_space<vmem>> -> memref<1x2x128xi32, #tpu.memory_space<vmem>>
        %dma_start3A_926 = tpu.memref_squeeze %dma_start3A_925 : memref<1x2x128xi32, #tpu.memory_space<vmem>> -> memref<2x128xi32, #tpu.memory_space<vmem>>
        %dma_start3A_927 = arith.constant 0 : i32
        %dma_start3A_928 = arith.constant 0 : i32
        %dma_start3A_929 = tpu.memref_slice %arg3[%add3A_913, %dma_start3A_927, %dma_start3A_928] : memref<50000x2x128xi32, #tpu.memory_space<hbm>> -> memref<1x2x128xi32, #tpu.memory_space<hbm>>
        %dma_start3A_930 = tpu.memref_squeeze %dma_start3A_929 : memref<1x2x128xi32, #tpu.memory_space<hbm>> -> memref<2x128xi32, #tpu.memory_space<hbm>>
        tpu.enqueue_dma source(%dma_start3A_930 : memref<2x128xi32, #tpu.memory_space<hbm>>) target(%dma_start3A_926 : memref<2x128xi32, #tpu.memory_space<vmem>>) target_semaphore(%arg13 : memref<!tpu.dma_semaphore, #tpu.memory_space<semaphore_mem>>)
        %add3A_931 = arith.constant 3 : i32
        %add3A_932 = arith.addi %mul3A_873, %add3A_931 : i32
        %dma_start3A_933 = arith.constant 3 : i32
        %dma_start3A_934 = arith.constant 0 : i32
        %dma_start3A_935 = arith.constant 0 : i32
        %dma_start3A_936 = tpu.memref_slice %arg6[%dma_start3A_933, %dma_start3A_934, %dma_start3A_935] : memref<5x2x128xi32, #tpu.memory_space<vmem>> -> memref<1x2x128xi32, #tpu.memory_space<vmem>>
        %dma_start3A_937 = tpu.memref_squeeze %dma_start3A_936 : memref<1x2x128xi32, #tpu.memory_space<vmem>> -> memref<2x128xi32, #tpu.memory_space<vmem>>
        %dma_start3A_938 = arith.constant 0 : i32
        %dma_start3A_939 = arith.constant 0 : i32
        %dma_start3A_940 = tpu.memref_slice %arg3[%add3A_932, %dma_start3A_938, %dma_start3A_939] : memref<50000x2x128xi32, #tpu.memory_space<hbm>> -> memref<1x2x128xi32, #tpu.memory_space<hbm>>
        %dma_start3A_941 = tpu.memref_squeeze %dma_start3A_940 : memref<1x2x128xi32, #tpu.memory_space<hbm>> -> memref<2x128xi32, #tpu.memory_space<hbm>>
        %dma_start3A_942 = arith.constant 0 : i32
        %dma_start3A_943 = arith.constant 0 : i32
        %dma_start3A_944 = tpu.memref_slice %arg6[%dma_start3A_933, %dma_start3A_942, %dma_start3A_943] : memref<5x2x128xi32, #tpu.memory_space<vmem>> -> memref<1x2x128xi32, #tpu.memory_space<vmem>>
        %dma_start3A_945 = tpu.memref_squeeze %dma_start3A_944 : memref<1x2x128xi32, #tpu.memory_space<vmem>> -> memref<2x128xi32, #tpu.memory_space<vmem>>
        %dma_start3A_946 = arith.constant 0 : i32
        %dma_start3A_947 = arith.constant 0 : i32
        %dma_start3A_948 = tpu.memref_slice %arg3[%add3A_932, %dma_start3A_946, %dma_start3A_947] : memref<50000x2x128xi32, #tpu.memory_space<hbm>> -> memref<1x2x128xi32, #tpu.memory_space<hbm>>
        %dma_start3A_949 = tpu.memref_squeeze %dma_start3A_948 : memref<1x2x128xi32, #tpu.memory_space<hbm>> -> memref<2x128xi32, #tpu.memory_space<hbm>>
        tpu.enqueue_dma source(%dma_start3A_949 : memref<2x128xi32, #tpu.memory_space<hbm>>) target(%dma_start3A_945 : memref<2x128xi32, #tpu.memory_space<vmem>>) target_semaphore(%arg13 : memref<!tpu.dma_semaphore, #tpu.memory_space<semaphore_mem>>)
        %add3A_950 = arith.constant 4 : i32
        %add3A_951 = arith.addi %mul3A_873, %add3A_950 : i32
        %dma_start3A_952 = arith.constant 4 : i32
        %dma_start3A_953 = arith.constant 0 : i32
        %dma_start3A_954 = arith.constant 0 : i32
        %dma_start3A_955 = tpu.memref_slice %arg6[%dma_start3A_952, %dma_start3A_953, %dma_start3A_954] : memref<5x2x128xi32, #tpu.memory_space<vmem>> -> memref<1x2x128xi32, #tpu.memory_space<vmem>>
        %dma_start3A_956 = tpu.memref_squeeze %dma_start3A_955 : memref<1x2x128xi32, #tpu.memory_space<vmem>> -> memref<2x128xi32, #tpu.memory_space<vmem>>
        %dma_start3A_957 = arith.constant 0 : i32
        %dma_start3A_958 = arith.constant 0 : i32
        %dma_start3A_959 = tpu.memref_slice %arg3[%add3A_951, %dma_start3A_957, %dma_start3A_958] : memref<50000x2x128xi32, #tpu.memory_space<hbm>> -> memref<1x2x128xi32, #tpu.memory_space<hbm>>
        %dma_start3A_960 = tpu.memref_squeeze %dma_start3A_959 : memref<1x2x128xi32, #tpu.memory_space<hbm>> -> memref<2x128xi32, #tpu.memory_space<hbm>>
        %dma_start3A_961 = arith.constant 0 : i32
        %dma_start3A_962 = arith.constant 0 : i32
        %dma_start3A_963 = tpu.memref_slice %arg6[%dma_start3A_952, %dma_start3A_961, %dma_start3A_962] : memref<5x2x128xi32, #tpu.memory_space<vmem>> -> memref<1x2x128xi32, #tpu.memory_space<vmem>>
        %dma_start3A_964 = tpu.memref_squeeze %dma_start3A_963 : memref<1x2x128xi32, #tpu.memory_space<vmem>> -> memref<2x128xi32, #tpu.memory_space<vmem>>
        %dma_start3A_965 = arith.constant 0 : i32
        %dma_start3A_966 = arith.constant 0 : i32
        %dma_start3A_967 = tpu.memref_slice %arg3[%add3A_951, %dma_start3A_965, %dma_start3A_966] : memref<50000x2x128xi32, #tpu.memory_space<hbm>> -> memref<1x2x128xi32, #tpu.memory_space<hbm>>
        %dma_start3A_968 = tpu.memref_squeeze %dma_start3A_967 : memref<1x2x128xi32, #tpu.memory_space<hbm>> -> memref<2x128xi32, #tpu.memory_space<hbm>>
        tpu.enqueue_dma source(%dma_start3A_968 : memref<2x128xi32, #tpu.memory_space<hbm>>) target(%dma_start3A_964 : memref<2x128xi32, #tpu.memory_space<vmem>>) target_semaphore(%arg13 : memref<!tpu.dma_semaphore, #tpu.memory_space<semaphore_mem>>)
      } else {
      }
      %dma_wait3A_755 = arith.constant 0 : i32
      %dma_wait3A_756 = arith.constant 0 : i32
      %dma_wait3A_757 = arith.constant 0 : i32
      %dma_wait3A_758 = arith.constant 0 : i32
      %dma_wait3A_759 = tpu.memref_slice %arg9[%dma_wait3A_757, %dma_wait3A_758] : memref<640x16xf32, #tpu.memory_space<vmem>> -> memref<128x16xf32, #tpu.memory_space<vmem>>
      %dma_wait3A_760 = arith.constant 0 : i32
      %dma_wait3A_761 = tpu.memref_slice %arg7[%dma_wait3A_755, %dma_wait3A_756, %dma_wait3A_760] : memref<5x2x128xi32, #tpu.memory_space<vmem>> -> memref<1x1x128xi32, #tpu.memory_space<vmem>>
      %dma_wait3A_762 = tpu.memref_squeeze %dma_wait3A_761 : memref<1x1x128xi32, #tpu.memory_space<vmem>> -> memref<128xi32, #tpu.memory_space<vmem>>
      %dma_wait3A_763 = arith.constant 0 : i32
      %dma_wait3A_764 = arith.constant 0 : i32
      %dma_wait3A_765 = tpu.memref_slice %arg2[%dma_wait3A_763, %dma_wait3A_764] : memref<100000x16xf32, #tpu.memory_space<hbm>> -> memref<100000x16xf32, #tpu.memory_space<hbm>>
      tpu.wait_indirect_dma semaphore(%arg11 : memref<!tpu.dma_semaphore, #tpu.memory_space<semaphore_mem>>) src(%dma_wait3A_765 : memref<100000x16xf32, #tpu.memory_space<hbm>>) dst(%dma_wait3A_759 : memref<128x16xf32, #tpu.memory_space<vmem>>)
      %dma_wait3A_766 = arith.constant 1 : i32
      %dma_wait3A_767 = arith.constant 0 : i32
      %dma_wait3A_768 = arith.constant 128 : i32
      %dma_wait3A_769 = arith.constant 0 : i32
      %dma_wait3A_770 = tpu.memref_slice %arg9[%dma_wait3A_768, %dma_wait3A_769] : memref<640x16xf32, #tpu.memory_space<vmem>> -> memref<128x16xf32, #tpu.memory_space<vmem>>
      %dma_wait3A_771 = arith.constant 0 : i32
      %dma_wait3A_772 = tpu.memref_slice %arg7[%dma_wait3A_766, %dma_wait3A_767, %dma_wait3A_771] : memref<5x2x128xi32, #tpu.memory_space<vmem>> -> memref<1x1x128xi32, #tpu.memory_space<vmem>>
      %dma_wait3A_773 = tpu.memref_squeeze %dma_wait3A_772 : memref<1x1x128xi32, #tpu.memory_space<vmem>> -> memref<128xi32, #tpu.memory_space<vmem>>
      %dma_wait3A_774 = arith.constant 0 : i32
      %dma_wait3A_775 = arith.constant 0 : i32
      %dma_wait3A_776 = tpu.memref_slice %arg2[%dma_wait3A_774, %dma_wait3A_775] : memref<100000x16xf32, #tpu.memory_space<hbm>> -> memref<100000x16xf32, #tpu.memory_space<hbm>>
      tpu.wait_indirect_dma semaphore(%arg11 : memref<!tpu.dma_semaphore, #tpu.memory_space<semaphore_mem>>) src(%dma_wait3A_776 : memref<100000x16xf32, #tpu.memory_space<hbm>>) dst(%dma_wait3A_770 : memref<128x16xf32, #tpu.memory_space<vmem>>)
      %dma_wait3A_777 = arith.constant 2 : i32
      %dma_wait3A_778 = arith.constant 0 : i32
      %dma_wait3A_779 = arith.constant 256 : i32
      %dma_wait3A_780 = arith.constant 0 : i32
      %dma_wait3A_781 = tpu.memref_slice %arg9[%dma_wait3A_779, %dma_wait3A_780] : memref<640x16xf32, #tpu.memory_space<vmem>> -> memref<128x16xf32, #tpu.memory_space<vmem>>
      %dma_wait3A_782 = arith.constant 0 : i32
      %dma_wait3A_783 = tpu.memref_slice %arg7[%dma_wait3A_777, %dma_wait3A_778, %dma_wait3A_782] : memref<5x2x128xi32, #tpu.memory_space<vmem>> -> memref<1x1x128xi32, #tpu.memory_space<vmem>>
      %dma_wait3A_784 = tpu.memref_squeeze %dma_wait3A_783 : memref<1x1x128xi32, #tpu.memory_space<vmem>> -> memref<128xi32, #tpu.memory_space<vmem>>
      %dma_wait3A_785 = arith.constant 0 : i32
      %dma_wait3A_786 = arith.constant 0 : i32
      %dma_wait3A_787 = tpu.memref_slice %arg2[%dma_wait3A_785, %dma_wait3A_786] : memref<100000x16xf32, #tpu.memory_space<hbm>> -> memref<100000x16xf32, #tpu.memory_space<hbm>>
      tpu.wait_indirect_dma semaphore(%arg11 : memref<!tpu.dma_semaphore, #tpu.memory_space<semaphore_mem>>) src(%dma_wait3A_787 : memref<100000x16xf32, #tpu.memory_space<hbm>>) dst(%dma_wait3A_781 : memref<128x16xf32, #tpu.memory_space<vmem>>)
      %dma_wait3A_788 = arith.constant 3 : i32
      %dma_wait3A_789 = arith.constant 0 : i32
      %dma_wait3A_790 = arith.constant 384 : i32
      %dma_wait3A_791 = arith.constant 0 : i32
      %dma_wait3A_792 = tpu.memref_slice %arg9[%dma_wait3A_790, %dma_wait3A_791] : memref<640x16xf32, #tpu.memory_space<vmem>> -> memref<128x16xf32, #tpu.memory_space<vmem>>
      %dma_wait3A_793 = arith.constant 0 : i32
      %dma_wait3A_794 = tpu.memref_slice %arg7[%dma_wait3A_788, %dma_wait3A_789, %dma_wait3A_793] : memref<5x2x128xi32, #tpu.memory_space<vmem>> -> memref<1x1x128xi32, #tpu.memory_space<vmem>>
      %dma_wait3A_795 = tpu.memref_squeeze %dma_wait3A_794 : memref<1x1x128xi32, #tpu.memory_space<vmem>> -> memref<128xi32, #tpu.memory_space<vmem>>
      %dma_wait3A_796 = arith.constant 0 : i32
      %dma_wait3A_797 = arith.constant 0 : i32
      %dma_wait3A_798 = tpu.memref_slice %arg2[%dma_wait3A_796, %dma_wait3A_797] : memref<100000x16xf32, #tpu.memory_space<hbm>> -> memref<100000x16xf32, #tpu.memory_space<hbm>>
      tpu.wait_indirect_dma semaphore(%arg11 : memref<!tpu.dma_semaphore, #tpu.memory_space<semaphore_mem>>) src(%dma_wait3A_798 : memref<100000x16xf32, #tpu.memory_space<hbm>>) dst(%dma_wait3A_792 : memref<128x16xf32, #tpu.memory_space<vmem>>)
      %dma_wait3A_799 = arith.constant 4 : i32
      %dma_wait3A_800 = arith.constant 0 : i32
      %dma_wait3A_801 = arith.constant 512 : i32
      %dma_wait3A_802 = arith.constant 0 : i32
      %dma_wait3A_803 = tpu.memref_slice %arg9[%dma_wait3A_801, %dma_wait3A_802] : memref<640x16xf32, #tpu.memory_space<vmem>> -> memref<128x16xf32, #tpu.memory_space<vmem>>
      %dma_wait3A_804 = arith.constant 0 : i32
      %dma_wait3A_805 = tpu.memref_slice %arg7[%dma_wait3A_799, %dma_wait3A_800, %dma_wait3A_804] : memref<5x2x128xi32, #tpu.memory_space<vmem>> -> memref<1x1x128xi32, #tpu.memory_space<vmem>>
      %dma_wait3A_806 = tpu.memref_squeeze %dma_wait3A_805 : memref<1x1x128xi32, #tpu.memory_space<vmem>> -> memref<128xi32, #tpu.memory_space<vmem>>
      %dma_wait3A_807 = arith.constant 0 : i32
      %dma_wait3A_808 = arith.constant 0 : i32
      %dma_wait3A_809 = tpu.memref_slice %arg2[%dma_wait3A_807, %dma_wait3A_808] : memref<100000x16xf32, #tpu.memory_space<hbm>> -> memref<100000x16xf32, #tpu.memory_space<hbm>>
      tpu.wait_indirect_dma semaphore(%arg11 : memref<!tpu.dma_semaphore, #tpu.memory_space<semaphore_mem>>) src(%dma_wait3A_809 : memref<100000x16xf32, #tpu.memory_space<hbm>>) dst(%dma_wait3A_803 : memref<128x16xf32, #tpu.memory_space<vmem>>)
      %dma_start3A_810 = arith.constant 0 : i32
      %dma_start3A_811 = arith.constant 1 : i32
      %dma_start3A_812 = arith.constant 0 : i32
      %dma_start3A_813 = arith.constant 0 : i32
      %dma_start3A_814 = tpu.memref_slice %arg9[%dma_start3A_812, %dma_start3A_813] : memref<640x16xf32, #tpu.memory_space<vmem>> -> memref<128x16xf32, #tpu.memory_space<vmem>>
      %dma_start3A_815 = arith.constant 0 : i32
      %dma_start3A_816 = tpu.memref_slice %arg7[%dma_start3A_810, %dma_start3A_811, %dma_start3A_815] : memref<5x2x128xi32, #tpu.memory_space<vmem>> -> memref<1x1x128xi32, #tpu.memory_space<vmem>>
      %dma_start3A_817 = tpu.memref_squeeze %dma_start3A_816 : memref<1x1x128xi32, #tpu.memory_space<vmem>> -> memref<128xi32, #tpu.memory_space<vmem>>
      %dma_start3A_818 = arith.constant 0 : i32
      %dma_start3A_819 = arith.constant 0 : i32
      %dma_start3A_820 = tpu.memref_slice %arg10[%dma_start3A_818, %dma_start3A_819] : memref<100000x16xf32, #tpu.memory_space<vmem_shared>> -> memref<100000x16xf32, #tpu.memory_space<vmem_shared>>
      tpu.enqueue_indirect_dma source(%dma_start3A_814 : memref<128x16xf32, #tpu.memory_space<vmem>>) target(%dma_start3A_820 : memref<100000x16xf32, #tpu.memory_space<vmem_shared>>) offsets(%dma_start3A_817 : memref<128xi32, #tpu.memory_space<vmem>>) semaphore(%arg12 : memref<!tpu.dma_semaphore, #tpu.memory_space<semaphore_mem>>) {add = true}
      %dma_start3A_821 = arith.constant 1 : i32
      %dma_start3A_822 = arith.constant 1 : i32
      %dma_start3A_823 = arith.constant 128 : i32
      %dma_start3A_824 = arith.constant 0 : i32
      %dma_start3A_825 = tpu.memref_slice %arg9[%dma_start3A_823, %dma_start3A_824] : memref<640x16xf32, #tpu.memory_space<vmem>> -> memref<128x16xf32, #tpu.memory_space<vmem>>
      %dma_start3A_826 = arith.constant 0 : i32
      %dma_start3A_827 = tpu.memref_slice %arg7[%dma_start3A_821, %dma_start3A_822, %dma_start3A_826] : memref<5x2x128xi32, #tpu.memory_space<vmem>> -> memref<1x1x128xi32, #tpu.memory_space<vmem>>
      %dma_start3A_828 = tpu.memref_squeeze %dma_start3A_827 : memref<1x1x128xi32, #tpu.memory_space<vmem>> -> memref<128xi32, #tpu.memory_space<vmem>>
      %dma_start3A_829 = arith.constant 0 : i32
      %dma_start3A_830 = arith.constant 0 : i32
      %dma_start3A_831 = tpu.memref_slice %arg10[%dma_start3A_829, %dma_start3A_830] : memref<100000x16xf32, #tpu.memory_space<vmem_shared>> -> memref<100000x16xf32, #tpu.memory_space<vmem_shared>>
      tpu.enqueue_indirect_dma source(%dma_start3A_825 : memref<128x16xf32, #tpu.memory_space<vmem>>) target(%dma_start3A_831 : memref<100000x16xf32, #tpu.memory_space<vmem_shared>>) offsets(%dma_start3A_828 : memref<128xi32, #tpu.memory_space<vmem>>) semaphore(%arg12 : memref<!tpu.dma_semaphore, #tpu.memory_space<semaphore_mem>>) {add = true}
      %dma_start3A_832 = arith.constant 2 : i32
      %dma_start3A_833 = arith.constant 1 : i32
      %dma_start3A_834 = arith.constant 256 : i32
      %dma_start3A_835 = arith.constant 0 : i32
      %dma_start3A_836 = tpu.memref_slice %arg9[%dma_start3A_834, %dma_start3A_835] : memref<640x16xf32, #tpu.memory_space<vmem>> -> memref<128x16xf32, #tpu.memory_space<vmem>>
      %dma_start3A_837 = arith.constant 0 : i32
      %dma_start3A_838 = tpu.memref_slice %arg7[%dma_start3A_832, %dma_start3A_833, %dma_start3A_837] : memref<5x2x128xi32, #tpu.memory_space<vmem>> -> memref<1x1x128xi32, #tpu.memory_space<vmem>>
      %dma_start3A_839 = tpu.memref_squeeze %dma_start3A_838 : memref<1x1x128xi32, #tpu.memory_space<vmem>> -> memref<128xi32, #tpu.memory_space<vmem>>
      %dma_start3A_840 = arith.constant 0 : i32
      %dma_start3A_841 = arith.constant 0 : i32
      %dma_start3A_842 = tpu.memref_slice %arg10[%dma_start3A_840, %dma_start3A_841] : memref<100000x16xf32, #tpu.memory_space<vmem_shared>> -> memref<100000x16xf32, #tpu.memory_space<vmem_shared>>
      tpu.enqueue_indirect_dma source(%dma_start3A_836 : memref<128x16xf32, #tpu.memory_space<vmem>>) target(%dma_start3A_842 : memref<100000x16xf32, #tpu.memory_space<vmem_shared>>) offsets(%dma_start3A_839 : memref<128xi32, #tpu.memory_space<vmem>>) semaphore(%arg12 : memref<!tpu.dma_semaphore, #tpu.memory_space<semaphore_mem>>) {add = true}
      %dma_start3A_843 = arith.constant 3 : i32
      %dma_start3A_844 = arith.constant 1 : i32
      %dma_start3A_845 = arith.constant 384 : i32
      %dma_start3A_846 = arith.constant 0 : i32
      %dma_start3A_847 = tpu.memref_slice %arg9[%dma_start3A_845, %dma_start3A_846] : memref<640x16xf32, #tpu.memory_space<vmem>> -> memref<128x16xf32, #tpu.memory_space<vmem>>
      %dma_start3A_848 = arith.constant 0 : i32
      %dma_start3A_849 = tpu.memref_slice %arg7[%dma_start3A_843, %dma_start3A_844, %dma_start3A_848] : memref<5x2x128xi32, #tpu.memory_space<vmem>> -> memref<1x1x128xi32, #tpu.memory_space<vmem>>
      %dma_start3A_850 = tpu.memref_squeeze %dma_start3A_849 : memref<1x1x128xi32, #tpu.memory_space<vmem>> -> memref<128xi32, #tpu.memory_space<vmem>>
      %dma_start3A_851 = arith.constant 0 : i32
      %dma_start3A_852 = arith.constant 0 : i32
      %dma_start3A_853 = tpu.memref_slice %arg10[%dma_start3A_851, %dma_start3A_852] : memref<100000x16xf32, #tpu.memory_space<vmem_shared>> -> memref<100000x16xf32, #tpu.memory_space<vmem_shared>>
      tpu.enqueue_indirect_dma source(%dma_start3A_847 : memref<128x16xf32, #tpu.memory_space<vmem>>) target(%dma_start3A_853 : memref<100000x16xf32, #tpu.memory_space<vmem_shared>>) offsets(%dma_start3A_850 : memref<128xi32, #tpu.memory_space<vmem>>) semaphore(%arg12 : memref<!tpu.dma_semaphore, #tpu.memory_space<semaphore_mem>>) {add = true}
      %dma_start3A_854 = arith.constant 4 : i32
      %dma_start3A_855 = arith.constant 1 : i32
      %dma_start3A_856 = arith.constant 512 : i32
      %dma_start3A_857 = arith.constant 0 : i32
      %dma_start3A_858 = tpu.memref_slice %arg9[%dma_start3A_856, %dma_start3A_857] : memref<640x16xf32, #tpu.memory_space<vmem>> -> memref<128x16xf32, #tpu.memory_space<vmem>>
      %dma_start3A_859 = arith.constant 0 : i32
      %dma_start3A_860 = tpu.memref_slice %arg7[%dma_start3A_854, %dma_start3A_855, %dma_start3A_859] : memref<5x2x128xi32, #tpu.memory_space<vmem>> -> memref<1x1x128xi32, #tpu.memory_space<vmem>>
      %dma_start3A_861 = tpu.memref_squeeze %dma_start3A_860 : memref<1x1x128xi32, #tpu.memory_space<vmem>> -> memref<128xi32, #tpu.memory_space<vmem>>
      %dma_start3A_862 = arith.constant 0 : i32
      %dma_start3A_863 = arith.constant 0 : i32
      %dma_start3A_864 = tpu.memref_slice %arg10[%dma_start3A_862, %dma_start3A_863] : memref<100000x16xf32, #tpu.memory_space<vmem_shared>> -> memref<100000x16xf32, #tpu.memory_space<vmem_shared>>
      tpu.enqueue_indirect_dma source(%dma_start3A_858 : memref<128x16xf32, #tpu.memory_space<vmem>>) target(%dma_start3A_864 : memref<100000x16xf32, #tpu.memory_space<vmem_shared>>) offsets(%dma_start3A_861 : memref<128xi32, #tpu.memory_space<vmem>>) semaphore(%arg12 : memref<!tpu.dma_semaphore, #tpu.memory_space<semaphore_mem>>) {add = true}
      %lt3A_865 = arith.constant 155 : i32
      %lt3A_866 = arith.cmpi slt, %add3A_324, %lt3A_865 : i32
      %convert_element_type3A_867 = arith.extui %lt3A_866 : i1 to i32
      %cond3A_868 = arith.constant 0 : i32
      %cond3A_869 = arith.cmpi ne, %convert_element_type3A_867, %cond3A_868 : i32
      scf.if %cond3A_869 {
        %add3A_870 = arith.constant 32 : i32
        %add3A_871 = arith.addi %add3A_331, %add3A_870 : i32
        %mul3A_872 = arith.constant 5 : i32
        %mul3A_873 = arith.muli %add3A_871, %mul3A_872 : i32
        %add3A_874 = arith.constant 0 : i32
        %add3A_875 = arith.addi %mul3A_873, %add3A_874 : i32
        %dma_wait3A_876 = arith.constant 0 : i32
        %dma_wait3A_877 = arith.constant 0 : i32
        %dma_wait3A_878 = arith.constant 0 : i32
        %dma_wait3A_879 = tpu.memref_slice %arg6[%dma_wait3A_876, %dma_wait3A_877, %dma_wait3A_878] : memref<5x2x128xi32, #tpu.memory_space<vmem>> -> memref<1x2x128xi32, #tpu.memory_space<vmem>>
        %dma_wait3A_880 = tpu.memref_squeeze %dma_wait3A_879 : memref<1x2x128xi32, #tpu.memory_space<vmem>> -> memref<2x128xi32, #tpu.memory_space<vmem>>
        %dma_wait3A_881 = arith.constant 0 : i32
        %dma_wait3A_882 = arith.constant 0 : i32
        %dma_wait3A_883 = tpu.memref_slice %arg3[%add3A_875, %dma_wait3A_881, %dma_wait3A_882] : memref<50000x2x128xi32, #tpu.memory_space<hbm>> -> memref<1x2x128xi32, #tpu.memory_space<hbm>>
        %dma_wait3A_884 = tpu.memref_squeeze %dma_wait3A_883 : memref<1x2x128xi32, #tpu.memory_space<hbm>> -> memref<2x128xi32, #tpu.memory_space<hbm>>
        %dma_wait3A_885 = arith.constant 0 : i32
        %dma_wait3A_886 = arith.constant 0 : i32
        %dma_wait3A_887 = tpu.memref_slice %arg6[%dma_wait3A_876, %dma_wait3A_885, %dma_wait3A_886] : memref<5x2x128xi32, #tpu.memory_space<vmem>> -> memref<1x2x128xi32, #tpu.memory_space<vmem>>
        %dma_wait3A_888 = tpu.memref_squeeze %dma_wait3A_887 : memref<1x2x128xi32, #tpu.memory_space<vmem>> -> memref<2x128xi32, #tpu.memory_space<vmem>>
        %dma_wait3A_889 = arith.constant 0 : i32
        %dma_wait3A_890 = arith.constant 0 : i32
        %dma_wait3A_891 = tpu.memref_slice %arg3[%add3A_875, %dma_wait3A_889, %dma_wait3A_890] : memref<50000x2x128xi32, #tpu.memory_space<hbm>> -> memref<1x2x128xi32, #tpu.memory_space<hbm>>
        %dma_wait3A_892 = tpu.memref_squeeze %dma_wait3A_891 : memref<1x2x128xi32, #tpu.memory_space<hbm>> -> memref<2x128xi32, #tpu.memory_space<hbm>>
        tpu.wait_dma2 semaphore(%arg13 : memref<!tpu.dma_semaphore, #tpu.memory_space<semaphore_mem>>) src(%dma_wait3A_892 : memref<2x128xi32, #tpu.memory_space<hbm>>) dst(%dma_wait3A_888 : memref<2x128xi32, #tpu.memory_space<vmem>>)
        %add3A_893 = arith.constant 1 : i32
        %add3A_894 = arith.addi %mul3A_873, %add3A_893 : i32
        %dma_wait3A_895 = arith.constant 1 : i32
        %dma_wait3A_896 = arith.constant 0 : i32
        %dma_wait3A_897 = arith.constant 0 : i32
        %dma_wait3A_898 = tpu.memref_slice %arg6[%dma_wait3A_895, %dma_wait3A_896, %dma_wait3A_897] : memref<5x2x128xi32, #tpu.memory_space<vmem>> -> memref<1x2x128xi32, #tpu.memory_space<vmem>>
        %dma_wait3A_899 = tpu.memref_squeeze %dma_wait3A_898 : memref<1x2x128xi32, #tpu.memory_space<vmem>> -> memref<2x128xi32, #tpu.memory_space<vmem>>
        %dma_wait3A_900 = arith.constant 0 : i32
        %dma_wait3A_901 = arith.constant 0 : i32
        %dma_wait3A_902 = tpu.memref_slice %arg3[%add3A_894, %dma_wait3A_900, %dma_wait3A_901] : memref<50000x2x128xi32, #tpu.memory_space<hbm>> -> memref<1x2x128xi32, #tpu.memory_space<hbm>>
        %dma_wait3A_903 = tpu.memref_squeeze %dma_wait3A_902 : memref<1x2x128xi32, #tpu.memory_space<hbm>> -> memref<2x128xi32, #tpu.memory_space<hbm>>
        %dma_wait3A_904 = arith.constant 0 : i32
        %dma_wait3A_905 = arith.constant 0 : i32
        %dma_wait3A_906 = tpu.memref_slice %arg6[%dma_wait3A_895, %dma_wait3A_904, %dma_wait3A_905] : memref<5x2x128xi32, #tpu.memory_space<vmem>> -> memref<1x2x128xi32, #tpu.memory_space<vmem>>
        %dma_wait3A_907 = tpu.memref_squeeze %dma_wait3A_906 : memref<1x2x128xi32, #tpu.memory_space<vmem>> -> memref<2x128xi32, #tpu.memory_space<vmem>>
        %dma_wait3A_908 = arith.constant 0 : i32
        %dma_wait3A_909 = arith.constant 0 : i32
        %dma_wait3A_910 = tpu.memref_slice %arg3[%add3A_894, %dma_wait3A_908, %dma_wait3A_909] : memref<50000x2x128xi32, #tpu.memory_space<hbm>> -> memref<1x2x128xi32, #tpu.memory_space<hbm>>
        %dma_wait3A_911 = tpu.memref_squeeze %dma_wait3A_910 : memref<1x2x128xi32, #tpu.memory_space<hbm>> -> memref<2x128xi32, #tpu.memory_space<hbm>>
        tpu.wait_dma2 semaphore(%arg13 : memref<!tpu.dma_semaphore, #tpu.memory_space<semaphore_mem>>) src(%dma_wait3A_911 : memref<2x128xi32, #tpu.memory_space<hbm>>) dst(%dma_wait3A_907 : memref<2x128xi32, #tpu.memory_space<vmem>>)
        %add3A_912 = arith.constant 2 : i32
        %add3A_913 = arith.addi %mul3A_873, %add3A_912 : i32
        %dma_wait3A_914 = arith.constant 2 : i32
        %dma_wait3A_915 = arith.constant 0 : i32
        %dma_wait3A_916 = arith.constant 0 : i32
        %dma_wait3A_917 = tpu.memref_slice %arg6[%dma_wait3A_914, %dma_wait3A_915, %dma_wait3A_916] : memref<5x2x128xi32, #tpu.memory_space<vmem>> -> memref<1x2x128xi32, #tpu.memory_space<vmem>>
        %dma_wait3A_918 = tpu.memref_squeeze %dma_wait3A_917 : memref<1x2x128xi32, #tpu.memory_space<vmem>> -> memref<2x128xi32, #tpu.memory_space<vmem>>
        %dma_wait3A_919 = arith.constant 0 : i32
        %dma_wait3A_920 = arith.constant 0 : i32
        %dma_wait3A_921 = tpu.memref_slice %arg3[%add3A_913, %dma_wait3A_919, %dma_wait3A_920] : memref<50000x2x128xi32, #tpu.memory_space<hbm>> -> memref<1x2x128xi32, #tpu.memory_space<hbm>>
        %dma_wait3A_922 = tpu.memref_squeeze %dma_wait3A_921 : memref<1x2x128xi32, #tpu.memory_space<hbm>> -> memref<2x128xi32, #tpu.memory_space<hbm>>
        %dma_wait3A_923 = arith.constant 0 : i32
        %dma_wait3A_924 = arith.constant 0 : i32
        %dma_wait3A_925 = tpu.memref_slice %arg6[%dma_wait3A_914, %dma_wait3A_923, %dma_wait3A_924] : memref<5x2x128xi32, #tpu.memory_space<vmem>> -> memref<1x2x128xi32, #tpu.memory_space<vmem>>
        %dma_wait3A_926 = tpu.memref_squeeze %dma_wait3A_925 : memref<1x2x128xi32, #tpu.memory_space<vmem>> -> memref<2x128xi32, #tpu.memory_space<vmem>>
        %dma_wait3A_927 = arith.constant 0 : i32
        %dma_wait3A_928 = arith.constant 0 : i32
        %dma_wait3A_929 = tpu.memref_slice %arg3[%add3A_913, %dma_wait3A_927, %dma_wait3A_928] : memref<50000x2x128xi32, #tpu.memory_space<hbm>> -> memref<1x2x128xi32, #tpu.memory_space<hbm>>
        %dma_wait3A_930 = tpu.memref_squeeze %dma_wait3A_929 : memref<1x2x128xi32, #tpu.memory_space<hbm>> -> memref<2x128xi32, #tpu.memory_space<hbm>>
        tpu.wait_dma2 semaphore(%arg13 : memref<!tpu.dma_semaphore, #tpu.memory_space<semaphore_mem>>) src(%dma_wait3A_930 : memref<2x128xi32, #tpu.memory_space<hbm>>) dst(%dma_wait3A_926 : memref<2x128xi32, #tpu.memory_space<vmem>>)
        %add3A_931 = arith.constant 3 : i32
        %add3A_932 = arith.addi %mul3A_873, %add3A_931 : i32
        %dma_wait3A_933 = arith.constant 3 : i32
        %dma_wait3A_934 = arith.constant 0 : i32
        %dma_wait3A_935 = arith.constant 0 : i32
        %dma_wait3A_936 = tpu.memref_slice %arg6[%dma_wait3A_933, %dma_wait3A_934, %dma_wait3A_935] : memref<5x2x128xi32, #tpu.memory_space<vmem>> -> memref<1x2x128xi32, #tpu.memory_space<vmem>>
        %dma_wait3A_937 = tpu.memref_squeeze %dma_wait3A_936 : memref<1x2x128xi32, #tpu.memory_space<vmem>> -> memref<2x128xi32, #tpu.memory_space<vmem>>
        %dma_wait3A_938 = arith.constant 0 : i32
        %dma_wait3A_939 = arith.constant 0 : i32
        %dma_wait3A_940 = tpu.memref_slice %arg3[%add3A_932, %dma_wait3A_938, %dma_wait3A_939] : memref<50000x2x128xi32, #tpu.memory_space<hbm>> -> memref<1x2x128xi32, #tpu.memory_space<hbm>>
        %dma_wait3A_941 = tpu.memref_squeeze %dma_wait3A_940 : memref<1x2x128xi32, #tpu.memory_space<hbm>> -> memref<2x128xi32, #tpu.memory_space<hbm>>
        %dma_wait3A_942 = arith.constant 0 : i32
        %dma_wait3A_943 = arith.constant 0 : i32
        %dma_wait3A_944 = tpu.memref_slice %arg6[%dma_wait3A_933, %dma_wait3A_942, %dma_wait3A_943] : memref<5x2x128xi32, #tpu.memory_space<vmem>> -> memref<1x2x128xi32, #tpu.memory_space<vmem>>
        %dma_wait3A_945 = tpu.memref_squeeze %dma_wait3A_944 : memref<1x2x128xi32, #tpu.memory_space<vmem>> -> memref<2x128xi32, #tpu.memory_space<vmem>>
        %dma_wait3A_946 = arith.constant 0 : i32
        %dma_wait3A_947 = arith.constant 0 : i32
        %dma_wait3A_948 = tpu.memref_slice %arg3[%add3A_932, %dma_wait3A_946, %dma_wait3A_947] : memref<50000x2x128xi32, #tpu.memory_space<hbm>> -> memref<1x2x128xi32, #tpu.memory_space<hbm>>
        %dma_wait3A_949 = tpu.memref_squeeze %dma_wait3A_948 : memref<1x2x128xi32, #tpu.memory_space<hbm>> -> memref<2x128xi32, #tpu.memory_space<hbm>>
        tpu.wait_dma2 semaphore(%arg13 : memref<!tpu.dma_semaphore, #tpu.memory_space<semaphore_mem>>) src(%dma_wait3A_949 : memref<2x128xi32, #tpu.memory_space<hbm>>) dst(%dma_wait3A_945 : memref<2x128xi32, #tpu.memory_space<vmem>>)
        %add3A_950 = arith.constant 4 : i32
        %add3A_951 = arith.addi %mul3A_873, %add3A_950 : i32
        %dma_wait3A_952 = arith.constant 4 : i32
        %dma_wait3A_953 = arith.constant 0 : i32
        %dma_wait3A_954 = arith.constant 0 : i32
        %dma_wait3A_955 = tpu.memref_slice %arg6[%dma_wait3A_952, %dma_wait3A_953, %dma_wait3A_954] : memref<5x2x128xi32, #tpu.memory_space<vmem>> -> memref<1x2x128xi32, #tpu.memory_space<vmem>>
        %dma_wait3A_956 = tpu.memref_squeeze %dma_wait3A_955 : memref<1x2x128xi32, #tpu.memory_space<vmem>> -> memref<2x128xi32, #tpu.memory_space<vmem>>
        %dma_wait3A_957 = arith.constant 0 : i32
        %dma_wait3A_958 = arith.constant 0 : i32
        %dma_wait3A_959 = tpu.memref_slice %arg3[%add3A_951, %dma_wait3A_957, %dma_wait3A_958] : memref<50000x2x128xi32, #tpu.memory_space<hbm>> -> memref<1x2x128xi32, #tpu.memory_space<hbm>>
        %dma_wait3A_960 = tpu.memref_squeeze %dma_wait3A_959 : memref<1x2x128xi32, #tpu.memory_space<hbm>> -> memref<2x128xi32, #tpu.memory_space<hbm>>
        %dma_wait3A_961 = arith.constant 0 : i32
        %dma_wait3A_962 = arith.constant 0 : i32
        %dma_wait3A_963 = tpu.memref_slice %arg6[%dma_wait3A_952, %dma_wait3A_961, %dma_wait3A_962] : memref<5x2x128xi32, #tpu.memory_space<vmem>> -> memref<1x2x128xi32, #tpu.memory_space<vmem>>
        %dma_wait3A_964 = tpu.memref_squeeze %dma_wait3A_963 : memref<1x2x128xi32, #tpu.memory_space<vmem>> -> memref<2x128xi32, #tpu.memory_space<vmem>>
        %dma_wait3A_965 = arith.constant 0 : i32
        %dma_wait3A_966 = arith.constant 0 : i32
        %dma_wait3A_967 = tpu.memref_slice %arg3[%add3A_951, %dma_wait3A_965, %dma_wait3A_966] : memref<50000x2x128xi32, #tpu.memory_space<hbm>> -> memref<1x2x128xi32, #tpu.memory_space<hbm>>
        %dma_wait3A_968 = tpu.memref_squeeze %dma_wait3A_967 : memref<1x2x128xi32, #tpu.memory_space<hbm>> -> memref<2x128xi32, #tpu.memory_space<hbm>>
        tpu.wait_dma2 semaphore(%arg13 : memref<!tpu.dma_semaphore, #tpu.memory_space<semaphore_mem>>) src(%dma_wait3A_968 : memref<2x128xi32, #tpu.memory_space<hbm>>) dst(%dma_wait3A_964 : memref<2x128xi32, #tpu.memory_space<vmem>>)
        %dma_start3A_969 = arith.constant 0 : i32
        %dma_start3A_970 = arith.constant 0 : i32
        %dma_start3A_971 = arith.constant 0 : i32
        %dma_start3A_972 = arith.constant 0 : i32
        %dma_start3A_973 = tpu.memref_slice %arg8[%dma_start3A_971, %dma_start3A_972] : memref<640x16xf32, #tpu.memory_space<vmem>> -> memref<128x16xf32, #tpu.memory_space<vmem>>
        %dma_start3A_974 = arith.constant 0 : i32
        %dma_start3A_975 = tpu.memref_slice %arg6[%dma_start3A_969, %dma_start3A_970, %dma_start3A_974] : memref<5x2x128xi32, #tpu.memory_space<vmem>> -> memref<1x1x128xi32, #tpu.memory_space<vmem>>
        %dma_start3A_976 = tpu.memref_squeeze %dma_start3A_975 : memref<1x1x128xi32, #tpu.memory_space<vmem>> -> memref<128xi32, #tpu.memory_space<vmem>>
        %dma_start3A_977 = arith.constant 0 : i32
        %dma_start3A_978 = arith.constant 0 : i32
        %dma_start3A_979 = tpu.memref_slice %arg2[%dma_start3A_977, %dma_start3A_978] : memref<100000x16xf32, #tpu.memory_space<hbm>> -> memref<100000x16xf32, #tpu.memory_space<hbm>>
        tpu.enqueue_indirect_dma source(%dma_start3A_979 : memref<100000x16xf32, #tpu.memory_space<hbm>>) target(%dma_start3A_973 : memref<128x16xf32, #tpu.memory_space<vmem>>) offsets(%dma_start3A_976 : memref<128xi32, #tpu.memory_space<vmem>>) semaphore(%arg11 : memref<!tpu.dma_semaphore, #tpu.memory_space<semaphore_mem>>)
        %dma_start3A_980 = arith.constant 1 : i32
        %dma_start3A_981 = arith.constant 0 : i32
        %dma_start3A_982 = arith.constant 128 : i32
        %dma_start3A_983 = arith.constant 0 : i32
        %dma_start3A_984 = tpu.memref_slice %arg8[%dma_start3A_982, %dma_start3A_983] : memref<640x16xf32, #tpu.memory_space<vmem>> -> memref<128x16xf32, #tpu.memory_space<vmem>>
        %dma_start3A_985 = arith.constant 0 : i32
        %dma_start3A_986 = tpu.memref_slice %arg6[%dma_start3A_980, %dma_start3A_981, %dma_start3A_985] : memref<5x2x128xi32, #tpu.memory_space<vmem>> -> memref<1x1x128xi32, #tpu.memory_space<vmem>>
        %dma_start3A_987 = tpu.memref_squeeze %dma_start3A_986 : memref<1x1x128xi32, #tpu.memory_space<vmem>> -> memref<128xi32, #tpu.memory_space<vmem>>
        %dma_start3A_988 = arith.constant 0 : i32
        %dma_start3A_989 = arith.constant 0 : i32
        %dma_start3A_990 = tpu.memref_slice %arg2[%dma_start3A_988, %dma_start3A_989] : memref<100000x16xf32, #tpu.memory_space<hbm>> -> memref<100000x16xf32, #tpu.memory_space<hbm>>
        tpu.enqueue_indirect_dma source(%dma_start3A_990 : memref<100000x16xf32, #tpu.memory_space<hbm>>) target(%dma_start3A_984 : memref<128x16xf32, #tpu.memory_space<vmem>>) offsets(%dma_start3A_987 : memref<128xi32, #tpu.memory_space<vmem>>) semaphore(%arg11 : memref<!tpu.dma_semaphore, #tpu.memory_space<semaphore_mem>>)
        %dma_start3A_991 = arith.constant 2 : i32
        %dma_start3A_992 = arith.constant 0 : i32
        %dma_start3A_993 = arith.constant 256 : i32
        %dma_start3A_994 = arith.constant 0 : i32
        %dma_start3A_995 = tpu.memref_slice %arg8[%dma_start3A_993, %dma_start3A_994] : memref<640x16xf32, #tpu.memory_space<vmem>> -> memref<128x16xf32, #tpu.memory_space<vmem>>
        %dma_start3A_996 = arith.constant 0 : i32
        %dma_start3A_997 = tpu.memref_slice %arg6[%dma_start3A_991, %dma_start3A_992, %dma_start3A_996] : memref<5x2x128xi32, #tpu.memory_space<vmem>> -> memref<1x1x128xi32, #tpu.memory_space<vmem>>
        %dma_start3A_998 = tpu.memref_squeeze %dma_start3A_997 : memref<1x1x128xi32, #tpu.memory_space<vmem>> -> memref<128xi32, #tpu.memory_space<vmem>>
        %dma_start3A_999 = arith.constant 0 : i32
        %dma_start3A_1000 = arith.constant 0 : i32
        %dma_start3A_1001 = tpu.memref_slice %arg2[%dma_start3A_999, %dma_start3A_1000] : memref<100000x16xf32, #tpu.memory_space<hbm>> -> memref<100000x16xf32, #tpu.memory_space<hbm>>
        tpu.enqueue_indirect_dma source(%dma_start3A_1001 : memref<100000x16xf32, #tpu.memory_space<hbm>>) target(%dma_start3A_995 : memref<128x16xf32, #tpu.memory_space<vmem>>) offsets(%dma_start3A_998 : memref<128xi32, #tpu.memory_space<vmem>>) semaphore(%arg11 : memref<!tpu.dma_semaphore, #tpu.memory_space<semaphore_mem>>)
        %dma_start3A_1002 = arith.constant 3 : i32
        %dma_start3A_1003 = arith.constant 0 : i32
        %dma_start3A_1004 = arith.constant 384 : i32
        %dma_start3A_1005 = arith.constant 0 : i32
        %dma_start3A_1006 = tpu.memref_slice %arg8[%dma_start3A_1004, %dma_start3A_1005] : memref<640x16xf32, #tpu.memory_space<vmem>> -> memref<128x16xf32, #tpu.memory_space<vmem>>
        %dma_start3A_1007 = arith.constant 0 : i32
        %dma_start3A_1008 = tpu.memref_slice %arg6[%dma_start3A_1002, %dma_start3A_1003, %dma_start3A_1007] : memref<5x2x128xi32, #tpu.memory_space<vmem>> -> memref<1x1x128xi32, #tpu.memory_space<vmem>>
        %dma_start3A_1009 = tpu.memref_squeeze %dma_start3A_1008 : memref<1x1x128xi32, #tpu.memory_space<vmem>> -> memref<128xi32, #tpu.memory_space<vmem>>
        %dma_start3A_1010 = arith.constant 0 : i32
        %dma_start3A_1011 = arith.constant 0 : i32
        %dma_start3A_1012 = tpu.memref_slice %arg2[%dma_start3A_1010, %dma_start3A_1011] : memref<100000x16xf32, #tpu.memory_space<hbm>> -> memref<100000x16xf32, #tpu.memory_space<hbm>>
        tpu.enqueue_indirect_dma source(%dma_start3A_1012 : memref<100000x16xf32, #tpu.memory_space<hbm>>) target(%dma_start3A_1006 : memref<128x16xf32, #tpu.memory_space<vmem>>) offsets(%dma_start3A_1009 : memref<128xi32, #tpu.memory_space<vmem>>) semaphore(%arg11 : memref<!tpu.dma_semaphore, #tpu.memory_space<semaphore_mem>>)
        %dma_start3A_1013 = arith.constant 4 : i32
        %dma_start3A_1014 = arith.constant 0 : i32
        %dma_start3A_1015 = arith.constant 512 : i32
        %dma_start3A_1016 = arith.constant 0 : i32
        %dma_start3A_1017 = tpu.memref_slice %arg8[%dma_start3A_1015, %dma_start3A_1016] : memref<640x16xf32, #tpu.memory_space<vmem>> -> memref<128x16xf32, #tpu.memory_space<vmem>>
        %dma_start3A_1018 = arith.constant 0 : i32
        %dma_start3A_1019 = tpu.memref_slice %arg6[%dma_start3A_1013, %dma_start3A_1014, %dma_start3A_1018] : memref<5x2x128xi32, #tpu.memory_space<vmem>> -> memref<1x1x128xi32, #tpu.memory_space<vmem>>
        %dma_start3A_1020 = tpu.memref_squeeze %dma_start3A_1019 : memref<1x1x128xi32, #tpu.memory_space<vmem>> -> memref<128xi32, #tpu.memory_space<vmem>>
        %dma_start3A_1021 = arith.constant 0 : i32
        %dma_start3A_1022 = arith.constant 0 : i32
        %dma_start3A_1023 = tpu.memref_slice %arg2[%dma_start3A_1021, %dma_start3A_1022] : memref<100000x16xf32, #tpu.memory_space<hbm>> -> memref<100000x16xf32, #tpu.memory_space<hbm>>
        tpu.enqueue_indirect_dma source(%dma_start3A_1023 : memref<100000x16xf32, #tpu.memory_space<hbm>>) target(%dma_start3A_1017 : memref<128x16xf32, #tpu.memory_space<vmem>>) offsets(%dma_start3A_1020 : memref<128xi32, #tpu.memory_space<vmem>>) semaphore(%arg11 : memref<!tpu.dma_semaphore, #tpu.memory_space<semaphore_mem>>)
      } else {
      }
    }
    %scan3A_256 = arith.constant 156 : i32
    %dma_wait3A_257 = arith.constant 0 : i32
    %dma_wait3A_258 = arith.constant 1 : i32
    %dma_wait3A_259 = arith.constant 0 : i32
    %dma_wait3A_260 = arith.constant 0 : i32
    %dma_wait3A_261 = tpu.memref_slice %arg9[%dma_wait3A_259, %dma_wait3A_260] : memref<640x16xf32, #tpu.memory_space<vmem>> -> memref<128x16xf32, #tpu.memory_space<vmem>>
    %dma_wait3A_262 = arith.constant 0 : i32
    %dma_wait3A_263 = tpu.memref_slice %arg7[%dma_wait3A_257, %dma_wait3A_258, %dma_wait3A_262] : memref<5x2x128xi32, #tpu.memory_space<vmem>> -> memref<1x1x128xi32, #tpu.memory_space<vmem>>
    %dma_wait3A_264 = tpu.memref_squeeze %dma_wait3A_263 : memref<1x1x128xi32, #tpu.memory_space<vmem>> -> memref<128xi32, #tpu.memory_space<vmem>>
    %dma_wait3A_265 = arith.constant 0 : i32
    %dma_wait3A_266 = arith.constant 0 : i32
    %dma_wait3A_267 = tpu.memref_slice %arg10[%dma_wait3A_265, %dma_wait3A_266] : memref<100000x16xf32, #tpu.memory_space<vmem_shared>> -> memref<100000x16xf32, #tpu.memory_space<vmem_shared>>
    tpu.wait_indirect_dma semaphore(%arg12 : memref<!tpu.dma_semaphore, #tpu.memory_space<semaphore_mem>>) src(%dma_wait3A_261 : memref<128x16xf32, #tpu.memory_space<vmem>>) dst(%dma_wait3A_267 : memref<100000x16xf32, #tpu.memory_space<vmem_shared>>)
    %dma_wait3A_268 = arith.constant 1 : i32
    %dma_wait3A_269 = arith.constant 1 : i32
    %dma_wait3A_270 = arith.constant 128 : i32
    %dma_wait3A_271 = arith.constant 0 : i32
    %dma_wait3A_272 = tpu.memref_slice %arg9[%dma_wait3A_270, %dma_wait3A_271] : memref<640x16xf32, #tpu.memory_space<vmem>> -> memref<128x16xf32, #tpu.memory_space<vmem>>
    %dma_wait3A_273 = arith.constant 0 : i32
    %dma_wait3A_274 = tpu.memref_slice %arg7[%dma_wait3A_268, %dma_wait3A_269, %dma_wait3A_273] : memref<5x2x128xi32, #tpu.memory_space<vmem>> -> memref<1x1x128xi32, #tpu.memory_space<vmem>>
    %dma_wait3A_275 = tpu.memref_squeeze %dma_wait3A_274 : memref<1x1x128xi32, #tpu.memory_space<vmem>> -> memref<128xi32, #tpu.memory_space<vmem>>
    %dma_wait3A_276 = arith.constant 0 : i32
    %dma_wait3A_277 = arith.constant 0 : i32
    %dma_wait3A_278 = tpu.memref_slice %arg10[%dma_wait3A_276, %dma_wait3A_277] : memref<100000x16xf32, #tpu.memory_space<vmem_shared>> -> memref<100000x16xf32, #tpu.memory_space<vmem_shared>>
    tpu.wait_indirect_dma semaphore(%arg12 : memref<!tpu.dma_semaphore, #tpu.memory_space<semaphore_mem>>) src(%dma_wait3A_272 : memref<128x16xf32, #tpu.memory_space<vmem>>) dst(%dma_wait3A_278 : memref<100000x16xf32, #tpu.memory_space<vmem_shared>>)
    %dma_wait3A_279 = arith.constant 2 : i32
    %dma_wait3A_280 = arith.constant 1 : i32
    %dma_wait3A_281 = arith.constant 256 : i32
    %dma_wait3A_282 = arith.constant 0 : i32
    %dma_wait3A_283 = tpu.memref_slice %arg9[%dma_wait3A_281, %dma_wait3A_282] : memref<640x16xf32, #tpu.memory_space<vmem>> -> memref<128x16xf32, #tpu.memory_space<vmem>>
    %dma_wait3A_284 = arith.constant 0 : i32
    %dma_wait3A_285 = tpu.memref_slice %arg7[%dma_wait3A_279, %dma_wait3A_280, %dma_wait3A_284] : memref<5x2x128xi32, #tpu.memory_space<vmem>> -> memref<1x1x128xi32, #tpu.memory_space<vmem>>
    %dma_wait3A_286 = tpu.memref_squeeze %dma_wait3A_285 : memref<1x1x128xi32, #tpu.memory_space<vmem>> -> memref<128xi32, #tpu.memory_space<vmem>>
    %dma_wait3A_287 = arith.constant 0 : i32
    %dma_wait3A_288 = arith.constant 0 : i32
    %dma_wait3A_289 = tpu.memref_slice %arg10[%dma_wait3A_287, %dma_wait3A_288] : memref<100000x16xf32, #tpu.memory_space<vmem_shared>> -> memref<100000x16xf32, #tpu.memory_space<vmem_shared>>
    tpu.wait_indirect_dma semaphore(%arg12 : memref<!tpu.dma_semaphore, #tpu.memory_space<semaphore_mem>>) src(%dma_wait3A_283 : memref<128x16xf32, #tpu.memory_space<vmem>>) dst(%dma_wait3A_289 : memref<100000x16xf32, #tpu.memory_space<vmem_shared>>)
    %dma_wait3A_290 = arith.constant 3 : i32
    %dma_wait3A_291 = arith.constant 1 : i32
    %dma_wait3A_292 = arith.constant 384 : i32
    %dma_wait3A_293 = arith.constant 0 : i32
    %dma_wait3A_294 = tpu.memref_slice %arg9[%dma_wait3A_292, %dma_wait3A_293] : memref<640x16xf32, #tpu.memory_space<vmem>> -> memref<128x16xf32, #tpu.memory_space<vmem>>
    %dma_wait3A_295 = arith.constant 0 : i32
    %dma_wait3A_296 = tpu.memref_slice %arg7[%dma_wait3A_290, %dma_wait3A_291, %dma_wait3A_295] : memref<5x2x128xi32, #tpu.memory_space<vmem>> -> memref<1x1x128xi32, #tpu.memory_space<vmem>>
    %dma_wait3A_297 = tpu.memref_squeeze %dma_wait3A_296 : memref<1x1x128xi32, #tpu.memory_space<vmem>> -> memref<128xi32, #tpu.memory_space<vmem>>
    %dma_wait3A_298 = arith.constant 0 : i32
    %dma_wait3A_299 = arith.constant 0 : i32
    %dma_wait3A_300 = tpu.memref_slice %arg10[%dma_wait3A_298, %dma_wait3A_299] : memref<100000x16xf32, #tpu.memory_space<vmem_shared>> -> memref<100000x16xf32, #tpu.memory_space<vmem_shared>>
    tpu.wait_indirect_dma semaphore(%arg12 : memref<!tpu.dma_semaphore, #tpu.memory_space<semaphore_mem>>) src(%dma_wait3A_294 : memref<128x16xf32, #tpu.memory_space<vmem>>) dst(%dma_wait3A_300 : memref<100000x16xf32, #tpu.memory_space<vmem_shared>>)
    %dma_wait3A_301 = arith.constant 4 : i32
    %dma_wait3A_302 = arith.constant 1 : i32
    %dma_wait3A_303 = arith.constant 512 : i32
    %dma_wait3A_304 = arith.constant 0 : i32
    %dma_wait3A_305 = tpu.memref_slice %arg9[%dma_wait3A_303, %dma_wait3A_304] : memref<640x16xf32, #tpu.memory_space<vmem>> -> memref<128x16xf32, #tpu.memory_space<vmem>>
    %dma_wait3A_306 = arith.constant 0 : i32
    %dma_wait3A_307 = tpu.memref_slice %arg7[%dma_wait3A_301, %dma_wait3A_302, %dma_wait3A_306] : memref<5x2x128xi32, #tpu.memory_space<vmem>> -> memref<1x1x128xi32, #tpu.memory_space<vmem>>
    %dma_wait3A_308 = tpu.memref_squeeze %dma_wait3A_307 : memref<1x1x128xi32, #tpu.memory_space<vmem>> -> memref<128xi32, #tpu.memory_space<vmem>>
    %dma_wait3A_309 = arith.constant 0 : i32
    %dma_wait3A_310 = arith.constant 0 : i32
    %dma_wait3A_311 = tpu.memref_slice %arg10[%dma_wait3A_309, %dma_wait3A_310] : memref<100000x16xf32, #tpu.memory_space<vmem_shared>> -> memref<100000x16xf32, #tpu.memory_space<vmem_shared>>
    tpu.wait_indirect_dma semaphore(%arg12 : memref<!tpu.dma_semaphore, #tpu.memory_space<semaphore_mem>>) src(%dma_wait3A_305 : memref<128x16xf32, #tpu.memory_space<vmem>>) dst(%dma_wait3A_311 : memref<100000x16xf32, #tpu.memory_space<vmem_shared>>)
    %lt3A = arith.constant 16 : i32
    %lt3A_312 = arith.cmpi slt, %add3A, %lt3A : i32
    %convert_element_type3A = arith.extui %lt3A_312 : i1 to i32
    %cond3A = arith.constant 0 : i32
    %cond3A_313 = arith.cmpi ne, %convert_element_type3A, %cond3A : i32
    scf.if %cond3A_313 {
      %add3A_320 = arith.constant 9984 : i32
      %add3A_321 = arith.addi %add3A_320, %add3A : i32
      %mul3A_322 = arith.constant 5 : i32
      %mul3A_323 = arith.muli %add3A_321, %mul3A_322 : i32
      %add3A_324 = arith.constant 0 : i32
      %add3A_325 = arith.addi %mul3A_323, %add3A_324 : i32
      %dma_start3A_326 = arith.constant 0 : i32
      %dma_start3A_327 = arith.constant 0 : i32
      %dma_start3A_328 = arith.constant 0 : i32
      %dma_start3A_329 = tpu.memref_slice %arg6[%dma_start3A_326, %dma_start3A_327, %dma_start3A_328] : memref<5x2x128xi32, #tpu.memory_space<vmem>> -> memref<1x2x128xi32, #tpu.memory_space<vmem>>
      %dma_start3A_330 = tpu.memref_squeeze %dma_start3A_329 : memref<1x2x128xi32, #tpu.memory_space<vmem>> -> memref<2x128xi32, #tpu.memory_space<vmem>>
      %dma_start3A_331 = arith.constant 0 : i32
      %dma_start3A_332 = arith.constant 0 : i32
      %dma_start3A_333 = tpu.memref_slice %arg3[%add3A_325, %dma_start3A_331, %dma_start3A_332] : memref<50000x2x128xi32, #tpu.memory_space<hbm>> -> memref<1x2x128xi32, #tpu.memory_space<hbm>>
      %dma_start3A_334 = tpu.memref_squeeze %dma_start3A_333 : memref<1x2x128xi32, #tpu.memory_space<hbm>> -> memref<2x128xi32, #tpu.memory_space<hbm>>
      %dma_start3A_335 = arith.constant 0 : i32
      %dma_start3A_336 = arith.constant 0 : i32
      %dma_start3A_337 = tpu.memref_slice %arg6[%dma_start3A_326, %dma_start3A_335, %dma_start3A_336] : memref<5x2x128xi32, #tpu.memory_space<vmem>> -> memref<1x2x128xi32, #tpu.memory_space<vmem>>
      %dma_start3A_338 = tpu.memref_squeeze %dma_start3A_337 : memref<1x2x128xi32, #tpu.memory_space<vmem>> -> memref<2x128xi32, #tpu.memory_space<vmem>>
      %dma_start3A_339 = arith.constant 0 : i32
      %dma_start3A_340 = arith.constant 0 : i32
      %dma_start3A_341 = tpu.memref_slice %arg3[%add3A_325, %dma_start3A_339, %dma_start3A_340] : memref<50000x2x128xi32, #tpu.memory_space<hbm>> -> memref<1x2x128xi32, #tpu.memory_space<hbm>>
      %dma_start3A_342 = tpu.memref_squeeze %dma_start3A_341 : memref<1x2x128xi32, #tpu.memory_space<hbm>> -> memref<2x128xi32, #tpu.memory_space<hbm>>
      tpu.enqueue_dma source(%dma_start3A_342 : memref<2x128xi32, #tpu.memory_space<hbm>>) target(%dma_start3A_338 : memref<2x128xi32, #tpu.memory_space<vmem>>) target_semaphore(%arg13 : memref<!tpu.dma_semaphore, #tpu.memory_space<semaphore_mem>>)
      %add3A_343 = arith.constant 1 : i32
      %add3A_344 = arith.addi %mul3A_323, %add3A_343 : i32
      %dma_start3A_345 = arith.constant 1 : i32
      %dma_start3A_346 = arith.constant 0 : i32
      %dma_start3A_347 = arith.constant 0 : i32
      %dma_start3A_348 = tpu.memref_slice %arg6[%dma_start3A_345, %dma_start3A_346, %dma_start3A_347] : memref<5x2x128xi32, #tpu.memory_space<vmem>> -> memref<1x2x128xi32, #tpu.memory_space<vmem>>
      %dma_start3A_349 = tpu.memref_squeeze %dma_start3A_348 : memref<1x2x128xi32, #tpu.memory_space<vmem>> -> memref<2x128xi32, #tpu.memory_space<vmem>>
      %dma_start3A_350 = arith.constant 0 : i32
      %dma_start3A_351 = arith.constant 0 : i32
      %dma_start3A_352 = tpu.memref_slice %arg3[%add3A_344, %dma_start3A_350, %dma_start3A_351] : memref<50000x2x128xi32, #tpu.memory_space<hbm>> -> memref<1x2x128xi32, #tpu.memory_space<hbm>>
      %dma_start3A_353 = tpu.memref_squeeze %dma_start3A_352 : memref<1x2x128xi32, #tpu.memory_space<hbm>> -> memref<2x128xi32, #tpu.memory_space<hbm>>
      %dma_start3A_354 = arith.constant 0 : i32
      %dma_start3A_355 = arith.constant 0 : i32
      %dma_start3A_356 = tpu.memref_slice %arg6[%dma_start3A_345, %dma_start3A_354, %dma_start3A_355] : memref<5x2x128xi32, #tpu.memory_space<vmem>> -> memref<1x2x128xi32, #tpu.memory_space<vmem>>
      %dma_start3A_357 = tpu.memref_squeeze %dma_start3A_356 : memref<1x2x128xi32, #tpu.memory_space<vmem>> -> memref<2x128xi32, #tpu.memory_space<vmem>>
      %dma_start3A_358 = arith.constant 0 : i32
      %dma_start3A_359 = arith.constant 0 : i32
      %dma_start3A_360 = tpu.memref_slice %arg3[%add3A_344, %dma_start3A_358, %dma_start3A_359] : memref<50000x2x128xi32, #tpu.memory_space<hbm>> -> memref<1x2x128xi32, #tpu.memory_space<hbm>>
      %dma_start3A_361 = tpu.memref_squeeze %dma_start3A_360 : memref<1x2x128xi32, #tpu.memory_space<hbm>> -> memref<2x128xi32, #tpu.memory_space<hbm>>
      tpu.enqueue_dma source(%dma_start3A_361 : memref<2x128xi32, #tpu.memory_space<hbm>>) target(%dma_start3A_357 : memref<2x128xi32, #tpu.memory_space<vmem>>) target_semaphore(%arg13 : memref<!tpu.dma_semaphore, #tpu.memory_space<semaphore_mem>>)
      %add3A_362 = arith.constant 2 : i32
      %add3A_363 = arith.addi %mul3A_323, %add3A_362 : i32
      %dma_start3A_364 = arith.constant 2 : i32
      %dma_start3A_365 = arith.constant 0 : i32
      %dma_start3A_366 = arith.constant 0 : i32
      %dma_start3A_367 = tpu.memref_slice %arg6[%dma_start3A_364, %dma_start3A_365, %dma_start3A_366] : memref<5x2x128xi32, #tpu.memory_space<vmem>> -> memref<1x2x128xi32, #tpu.memory_space<vmem>>
      %dma_start3A_368 = tpu.memref_squeeze %dma_start3A_367 : memref<1x2x128xi32, #tpu.memory_space<vmem>> -> memref<2x128xi32, #tpu.memory_space<vmem>>
      %dma_start3A_369 = arith.constant 0 : i32
      %dma_start3A_370 = arith.constant 0 : i32
      %dma_start3A_371 = tpu.memref_slice %arg3[%add3A_363, %dma_start3A_369, %dma_start3A_370] : memref<50000x2x128xi32, #tpu.memory_space<hbm>> -> memref<1x2x128xi32, #tpu.memory_space<hbm>>
      %dma_start3A_372 = tpu.memref_squeeze %dma_start3A_371 : memref<1x2x128xi32, #tpu.memory_space<hbm>> -> memref<2x128xi32, #tpu.memory_space<hbm>>
      %dma_start3A_373 = arith.constant 0 : i32
      %dma_start3A_374 = arith.constant 0 : i32
      %dma_start3A_375 = tpu.memref_slice %arg6[%dma_start3A_364, %dma_start3A_373, %dma_start3A_374] : memref<5x2x128xi32, #tpu.memory_space<vmem>> -> memref<1x2x128xi32, #tpu.memory_space<vmem>>
      %dma_start3A_376 = tpu.memref_squeeze %dma_start3A_375 : memref<1x2x128xi32, #tpu.memory_space<vmem>> -> memref<2x128xi32, #tpu.memory_space<vmem>>
      %dma_start3A_377 = arith.constant 0 : i32
      %dma_start3A_378 = arith.constant 0 : i32
      %dma_start3A_379 = tpu.memref_slice %arg3[%add3A_363, %dma_start3A_377, %dma_start3A_378] : memref<50000x2x128xi32, #tpu.memory_space<hbm>> -> memref<1x2x128xi32, #tpu.memory_space<hbm>>
      %dma_start3A_380 = tpu.memref_squeeze %dma_start3A_379 : memref<1x2x128xi32, #tpu.memory_space<hbm>> -> memref<2x128xi32, #tpu.memory_space<hbm>>
      tpu.enqueue_dma source(%dma_start3A_380 : memref<2x128xi32, #tpu.memory_space<hbm>>) target(%dma_start3A_376 : memref<2x128xi32, #tpu.memory_space<vmem>>) target_semaphore(%arg13 : memref<!tpu.dma_semaphore, #tpu.memory_space<semaphore_mem>>)
      %add3A_381 = arith.constant 3 : i32
      %add3A_382 = arith.addi %mul3A_323, %add3A_381 : i32
      %dma_start3A_383 = arith.constant 3 : i32
      %dma_start3A_384 = arith.constant 0 : i32
      %dma_start3A_385 = arith.constant 0 : i32
      %dma_start3A_386 = tpu.memref_slice %arg6[%dma_start3A_383, %dma_start3A_384, %dma_start3A_385] : memref<5x2x128xi32, #tpu.memory_space<vmem>> -> memref<1x2x128xi32, #tpu.memory_space<vmem>>
      %dma_start3A_387 = tpu.memref_squeeze %dma_start3A_386 : memref<1x2x128xi32, #tpu.memory_space<vmem>> -> memref<2x128xi32, #tpu.memory_space<vmem>>
      %dma_start3A_388 = arith.constant 0 : i32
      %dma_start3A_389 = arith.constant 0 : i32
      %dma_start3A_390 = tpu.memref_slice %arg3[%add3A_382, %dma_start3A_388, %dma_start3A_389] : memref<50000x2x128xi32, #tpu.memory_space<hbm>> -> memref<1x2x128xi32, #tpu.memory_space<hbm>>
      %dma_start3A_391 = tpu.memref_squeeze %dma_start3A_390 : memref<1x2x128xi32, #tpu.memory_space<hbm>> -> memref<2x128xi32, #tpu.memory_space<hbm>>
      %dma_start3A_392 = arith.constant 0 : i32
      %dma_start3A_393 = arith.constant 0 : i32
      %dma_start3A_394 = tpu.memref_slice %arg6[%dma_start3A_383, %dma_start3A_392, %dma_start3A_393] : memref<5x2x128xi32, #tpu.memory_space<vmem>> -> memref<1x2x128xi32, #tpu.memory_space<vmem>>
      %dma_start3A_395 = tpu.memref_squeeze %dma_start3A_394 : memref<1x2x128xi32, #tpu.memory_space<vmem>> -> memref<2x128xi32, #tpu.memory_space<vmem>>
      %dma_start3A_396 = arith.constant 0 : i32
      %dma_start3A_397 = arith.constant 0 : i32
      %dma_start3A_398 = tpu.memref_slice %arg3[%add3A_382, %dma_start3A_396, %dma_start3A_397] : memref<50000x2x128xi32, #tpu.memory_space<hbm>> -> memref<1x2x128xi32, #tpu.memory_space<hbm>>
      %dma_start3A_399 = tpu.memref_squeeze %dma_start3A_398 : memref<1x2x128xi32, #tpu.memory_space<hbm>> -> memref<2x128xi32, #tpu.memory_space<hbm>>
      tpu.enqueue_dma source(%dma_start3A_399 : memref<2x128xi32, #tpu.memory_space<hbm>>) target(%dma_start3A_395 : memref<2x128xi32, #tpu.memory_space<vmem>>) target_semaphore(%arg13 : memref<!tpu.dma_semaphore, #tpu.memory_space<semaphore_mem>>)
      %add3A_400 = arith.constant 4 : i32
      %add3A_401 = arith.addi %mul3A_323, %add3A_400 : i32
      %dma_start3A_402 = arith.constant 4 : i32
      %dma_start3A_403 = arith.constant 0 : i32
      %dma_start3A_404 = arith.constant 0 : i32
      %dma_start3A_405 = tpu.memref_slice %arg6[%dma_start3A_402, %dma_start3A_403, %dma_start3A_404] : memref<5x2x128xi32, #tpu.memory_space<vmem>> -> memref<1x2x128xi32, #tpu.memory_space<vmem>>
      %dma_start3A_406 = tpu.memref_squeeze %dma_start3A_405 : memref<1x2x128xi32, #tpu.memory_space<vmem>> -> memref<2x128xi32, #tpu.memory_space<vmem>>
      %dma_start3A_407 = arith.constant 0 : i32
      %dma_start3A_408 = arith.constant 0 : i32
      %dma_start3A_409 = tpu.memref_slice %arg3[%add3A_401, %dma_start3A_407, %dma_start3A_408] : memref<50000x2x128xi32, #tpu.memory_space<hbm>> -> memref<1x2x128xi32, #tpu.memory_space<hbm>>
      %dma_start3A_410 = tpu.memref_squeeze %dma_start3A_409 : memref<1x2x128xi32, #tpu.memory_space<hbm>> -> memref<2x128xi32, #tpu.memory_space<hbm>>
      %dma_start3A_411 = arith.constant 0 : i32
      %dma_start3A_412 = arith.constant 0 : i32
      %dma_start3A_413 = tpu.memref_slice %arg6[%dma_start3A_402, %dma_start3A_411, %dma_start3A_412] : memref<5x2x128xi32, #tpu.memory_space<vmem>> -> memref<1x2x128xi32, #tpu.memory_space<vmem>>
      %dma_start3A_414 = tpu.memref_squeeze %dma_start3A_413 : memref<1x2x128xi32, #tpu.memory_space<vmem>> -> memref<2x128xi32, #tpu.memory_space<vmem>>
      %dma_start3A_415 = arith.constant 0 : i32
      %dma_start3A_416 = arith.constant 0 : i32
      %dma_start3A_417 = tpu.memref_slice %arg3[%add3A_401, %dma_start3A_415, %dma_start3A_416] : memref<50000x2x128xi32, #tpu.memory_space<hbm>> -> memref<1x2x128xi32, #tpu.memory_space<hbm>>
      %dma_start3A_418 = tpu.memref_squeeze %dma_start3A_417 : memref<1x2x128xi32, #tpu.memory_space<hbm>> -> memref<2x128xi32, #tpu.memory_space<hbm>>
      tpu.enqueue_dma source(%dma_start3A_418 : memref<2x128xi32, #tpu.memory_space<hbm>>) target(%dma_start3A_414 : memref<2x128xi32, #tpu.memory_space<vmem>>) target_semaphore(%arg13 : memref<!tpu.dma_semaphore, #tpu.memory_space<semaphore_mem>>)
      %add3A_419 = arith.constant 9984 : i32
      %add3A_420 = arith.addi %add3A_419, %add3A : i32
      %mul3A_421 = arith.constant 5 : i32
      %mul3A_422 = arith.muli %add3A_420, %mul3A_421 : i32
      %add3A_423 = arith.constant 0 : i32
      %add3A_424 = arith.addi %mul3A_422, %add3A_423 : i32
      %dma_wait3A_425 = arith.constant 0 : i32
      %dma_wait3A_426 = arith.constant 0 : i32
      %dma_wait3A_427 = arith.constant 0 : i32
      %dma_wait3A_428 = tpu.memref_slice %arg6[%dma_wait3A_425, %dma_wait3A_426, %dma_wait3A_427] : memref<5x2x128xi32, #tpu.memory_space<vmem>> -> memref<1x2x128xi32, #tpu.memory_space<vmem>>
      %dma_wait3A_429 = tpu.memref_squeeze %dma_wait3A_428 : memref<1x2x128xi32, #tpu.memory_space<vmem>> -> memref<2x128xi32, #tpu.memory_space<vmem>>
      %dma_wait3A_430 = arith.constant 0 : i32
      %dma_wait3A_431 = arith.constant 0 : i32
      %dma_wait3A_432 = tpu.memref_slice %arg3[%add3A_424, %dma_wait3A_430, %dma_wait3A_431] : memref<50000x2x128xi32, #tpu.memory_space<hbm>> -> memref<1x2x128xi32, #tpu.memory_space<hbm>>
      %dma_wait3A_433 = tpu.memref_squeeze %dma_wait3A_432 : memref<1x2x128xi32, #tpu.memory_space<hbm>> -> memref<2x128xi32, #tpu.memory_space<hbm>>
      %dma_wait3A_434 = arith.constant 0 : i32
      %dma_wait3A_435 = arith.constant 0 : i32
      %dma_wait3A_436 = tpu.memref_slice %arg6[%dma_wait3A_425, %dma_wait3A_434, %dma_wait3A_435] : memref<5x2x128xi32, #tpu.memory_space<vmem>> -> memref<1x2x128xi32, #tpu.memory_space<vmem>>
      %dma_wait3A_437 = tpu.memref_squeeze %dma_wait3A_436 : memref<1x2x128xi32, #tpu.memory_space<vmem>> -> memref<2x128xi32, #tpu.memory_space<vmem>>
      %dma_wait3A_438 = arith.constant 0 : i32
      %dma_wait3A_439 = arith.constant 0 : i32
      %dma_wait3A_440 = tpu.memref_slice %arg3[%add3A_424, %dma_wait3A_438, %dma_wait3A_439] : memref<50000x2x128xi32, #tpu.memory_space<hbm>> -> memref<1x2x128xi32, #tpu.memory_space<hbm>>
      %dma_wait3A_441 = tpu.memref_squeeze %dma_wait3A_440 : memref<1x2x128xi32, #tpu.memory_space<hbm>> -> memref<2x128xi32, #tpu.memory_space<hbm>>
      tpu.wait_dma2 semaphore(%arg13 : memref<!tpu.dma_semaphore, #tpu.memory_space<semaphore_mem>>) src(%dma_wait3A_441 : memref<2x128xi32, #tpu.memory_space<hbm>>) dst(%dma_wait3A_437 : memref<2x128xi32, #tpu.memory_space<vmem>>)
      %add3A_442 = arith.constant 1 : i32
      %add3A_443 = arith.addi %mul3A_422, %add3A_442 : i32
      %dma_wait3A_444 = arith.constant 1 : i32
      %dma_wait3A_445 = arith.constant 0 : i32
      %dma_wait3A_446 = arith.constant 0 : i32
      %dma_wait3A_447 = tpu.memref_slice %arg6[%dma_wait3A_444, %dma_wait3A_445, %dma_wait3A_446] : memref<5x2x128xi32, #tpu.memory_space<vmem>> -> memref<1x2x128xi32, #tpu.memory_space<vmem>>
      %dma_wait3A_448 = tpu.memref_squeeze %dma_wait3A_447 : memref<1x2x128xi32, #tpu.memory_space<vmem>> -> memref<2x128xi32, #tpu.memory_space<vmem>>
      %dma_wait3A_449 = arith.constant 0 : i32
      %dma_wait3A_450 = arith.constant 0 : i32
      %dma_wait3A_451 = tpu.memref_slice %arg3[%add3A_443, %dma_wait3A_449, %dma_wait3A_450] : memref<50000x2x128xi32, #tpu.memory_space<hbm>> -> memref<1x2x128xi32, #tpu.memory_space<hbm>>
      %dma_wait3A_452 = tpu.memref_squeeze %dma_wait3A_451 : memref<1x2x128xi32, #tpu.memory_space<hbm>> -> memref<2x128xi32, #tpu.memory_space<hbm>>
      %dma_wait3A_453 = arith.constant 0 : i32
      %dma_wait3A_454 = arith.constant 0 : i32
      %dma_wait3A_455 = tpu.memref_slice %arg6[%dma_wait3A_444, %dma_wait3A_453, %dma_wait3A_454] : memref<5x2x128xi32, #tpu.memory_space<vmem>> -> memref<1x2x128xi32, #tpu.memory_space<vmem>>
      %dma_wait3A_456 = tpu.memref_squeeze %dma_wait3A_455 : memref<1x2x128xi32, #tpu.memory_space<vmem>> -> memref<2x128xi32, #tpu.memory_space<vmem>>
      %dma_wait3A_457 = arith.constant 0 : i32
      %dma_wait3A_458 = arith.constant 0 : i32
      %dma_wait3A_459 = tpu.memref_slice %arg3[%add3A_443, %dma_wait3A_457, %dma_wait3A_458] : memref<50000x2x128xi32, #tpu.memory_space<hbm>> -> memref<1x2x128xi32, #tpu.memory_space<hbm>>
      %dma_wait3A_460 = tpu.memref_squeeze %dma_wait3A_459 : memref<1x2x128xi32, #tpu.memory_space<hbm>> -> memref<2x128xi32, #tpu.memory_space<hbm>>
      tpu.wait_dma2 semaphore(%arg13 : memref<!tpu.dma_semaphore, #tpu.memory_space<semaphore_mem>>) src(%dma_wait3A_460 : memref<2x128xi32, #tpu.memory_space<hbm>>) dst(%dma_wait3A_456 : memref<2x128xi32, #tpu.memory_space<vmem>>)
      %add3A_461 = arith.constant 2 : i32
      %add3A_462 = arith.addi %mul3A_422, %add3A_461 : i32
      %dma_wait3A_463 = arith.constant 2 : i32
      %dma_wait3A_464 = arith.constant 0 : i32
      %dma_wait3A_465 = arith.constant 0 : i32
      %dma_wait3A_466 = tpu.memref_slice %arg6[%dma_wait3A_463, %dma_wait3A_464, %dma_wait3A_465] : memref<5x2x128xi32, #tpu.memory_space<vmem>> -> memref<1x2x128xi32, #tpu.memory_space<vmem>>
      %dma_wait3A_467 = tpu.memref_squeeze %dma_wait3A_466 : memref<1x2x128xi32, #tpu.memory_space<vmem>> -> memref<2x128xi32, #tpu.memory_space<vmem>>
      %dma_wait3A_468 = arith.constant 0 : i32
      %dma_wait3A_469 = arith.constant 0 : i32
      %dma_wait3A_470 = tpu.memref_slice %arg3[%add3A_462, %dma_wait3A_468, %dma_wait3A_469] : memref<50000x2x128xi32, #tpu.memory_space<hbm>> -> memref<1x2x128xi32, #tpu.memory_space<hbm>>
      %dma_wait3A_471 = tpu.memref_squeeze %dma_wait3A_470 : memref<1x2x128xi32, #tpu.memory_space<hbm>> -> memref<2x128xi32, #tpu.memory_space<hbm>>
      %dma_wait3A_472 = arith.constant 0 : i32
      %dma_wait3A_473 = arith.constant 0 : i32
      %dma_wait3A_474 = tpu.memref_slice %arg6[%dma_wait3A_463, %dma_wait3A_472, %dma_wait3A_473] : memref<5x2x128xi32, #tpu.memory_space<vmem>> -> memref<1x2x128xi32, #tpu.memory_space<vmem>>
      %dma_wait3A_475 = tpu.memref_squeeze %dma_wait3A_474 : memref<1x2x128xi32, #tpu.memory_space<vmem>> -> memref<2x128xi32, #tpu.memory_space<vmem>>
      %dma_wait3A_476 = arith.constant 0 : i32
      %dma_wait3A_477 = arith.constant 0 : i32
      %dma_wait3A_478 = tpu.memref_slice %arg3[%add3A_462, %dma_wait3A_476, %dma_wait3A_477] : memref<50000x2x128xi32, #tpu.memory_space<hbm>> -> memref<1x2x128xi32, #tpu.memory_space<hbm>>
      %dma_wait3A_479 = tpu.memref_squeeze %dma_wait3A_478 : memref<1x2x128xi32, #tpu.memory_space<hbm>> -> memref<2x128xi32, #tpu.memory_space<hbm>>
      tpu.wait_dma2 semaphore(%arg13 : memref<!tpu.dma_semaphore, #tpu.memory_space<semaphore_mem>>) src(%dma_wait3A_479 : memref<2x128xi32, #tpu.memory_space<hbm>>) dst(%dma_wait3A_475 : memref<2x128xi32, #tpu.memory_space<vmem>>)
      %add3A_480 = arith.constant 3 : i32
      %add3A_481 = arith.addi %mul3A_422, %add3A_480 : i32
      %dma_wait3A_482 = arith.constant 3 : i32
      %dma_wait3A_483 = arith.constant 0 : i32
      %dma_wait3A_484 = arith.constant 0 : i32
      %dma_wait3A_485 = tpu.memref_slice %arg6[%dma_wait3A_482, %dma_wait3A_483, %dma_wait3A_484] : memref<5x2x128xi32, #tpu.memory_space<vmem>> -> memref<1x2x128xi32, #tpu.memory_space<vmem>>
      %dma_wait3A_486 = tpu.memref_squeeze %dma_wait3A_485 : memref<1x2x128xi32, #tpu.memory_space<vmem>> -> memref<2x128xi32, #tpu.memory_space<vmem>>
      %dma_wait3A_487 = arith.constant 0 : i32
      %dma_wait3A_488 = arith.constant 0 : i32
      %dma_wait3A_489 = tpu.memref_slice %arg3[%add3A_481, %dma_wait3A_487, %dma_wait3A_488] : memref<50000x2x128xi32, #tpu.memory_space<hbm>> -> memref<1x2x128xi32, #tpu.memory_space<hbm>>
      %dma_wait3A_490 = tpu.memref_squeeze %dma_wait3A_489 : memref<1x2x128xi32, #tpu.memory_space<hbm>> -> memref<2x128xi32, #tpu.memory_space<hbm>>
      %dma_wait3A_491 = arith.constant 0 : i32
      %dma_wait3A_492 = arith.constant 0 : i32
      %dma_wait3A_493 = tpu.memref_slice %arg6[%dma_wait3A_482, %dma_wait3A_491, %dma_wait3A_492] : memref<5x2x128xi32, #tpu.memory_space<vmem>> -> memref<1x2x128xi32, #tpu.memory_space<vmem>>
      %dma_wait3A_494 = tpu.memref_squeeze %dma_wait3A_493 : memref<1x2x128xi32, #tpu.memory_space<vmem>> -> memref<2x128xi32, #tpu.memory_space<vmem>>
      %dma_wait3A_495 = arith.constant 0 : i32
      %dma_wait3A_496 = arith.constant 0 : i32
      %dma_wait3A_497 = tpu.memref_slice %arg3[%add3A_481, %dma_wait3A_495, %dma_wait3A_496] : memref<50000x2x128xi32, #tpu.memory_space<hbm>> -> memref<1x2x128xi32, #tpu.memory_space<hbm>>
      %dma_wait3A_498 = tpu.memref_squeeze %dma_wait3A_497 : memref<1x2x128xi32, #tpu.memory_space<hbm>> -> memref<2x128xi32, #tpu.memory_space<hbm>>
      tpu.wait_dma2 semaphore(%arg13 : memref<!tpu.dma_semaphore, #tpu.memory_space<semaphore_mem>>) src(%dma_wait3A_498 : memref<2x128xi32, #tpu.memory_space<hbm>>) dst(%dma_wait3A_494 : memref<2x128xi32, #tpu.memory_space<vmem>>)
      %add3A_499 = arith.constant 4 : i32
      %add3A_500 = arith.addi %mul3A_422, %add3A_499 : i32
      %dma_wait3A_501 = arith.constant 4 : i32
      %dma_wait3A_502 = arith.constant 0 : i32
      %dma_wait3A_503 = arith.constant 0 : i32
      %dma_wait3A_504 = tpu.memref_slice %arg6[%dma_wait3A_501, %dma_wait3A_502, %dma_wait3A_503] : memref<5x2x128xi32, #tpu.memory_space<vmem>> -> memref<1x2x128xi32, #tpu.memory_space<vmem>>
      %dma_wait3A_505 = tpu.memref_squeeze %dma_wait3A_504 : memref<1x2x128xi32, #tpu.memory_space<vmem>> -> memref<2x128xi32, #tpu.memory_space<vmem>>
      %dma_wait3A_506 = arith.constant 0 : i32
      %dma_wait3A_507 = arith.constant 0 : i32
      %dma_wait3A_508 = tpu.memref_slice %arg3[%add3A_500, %dma_wait3A_506, %dma_wait3A_507] : memref<50000x2x128xi32, #tpu.memory_space<hbm>> -> memref<1x2x128xi32, #tpu.memory_space<hbm>>
      %dma_wait3A_509 = tpu.memref_squeeze %dma_wait3A_508 : memref<1x2x128xi32, #tpu.memory_space<hbm>> -> memref<2x128xi32, #tpu.memory_space<hbm>>
      %dma_wait3A_510 = arith.constant 0 : i32
      %dma_wait3A_511 = arith.constant 0 : i32
      %dma_wait3A_512 = tpu.memref_slice %arg6[%dma_wait3A_501, %dma_wait3A_510, %dma_wait3A_511] : memref<5x2x128xi32, #tpu.memory_space<vmem>> -> memref<1x2x128xi32, #tpu.memory_space<vmem>>
      %dma_wait3A_513 = tpu.memref_squeeze %dma_wait3A_512 : memref<1x2x128xi32, #tpu.memory_space<vmem>> -> memref<2x128xi32, #tpu.memory_space<vmem>>
      %dma_wait3A_514 = arith.constant 0 : i32
      %dma_wait3A_515 = arith.constant 0 : i32
      %dma_wait3A_516 = tpu.memref_slice %arg3[%add3A_500, %dma_wait3A_514, %dma_wait3A_515] : memref<50000x2x128xi32, #tpu.memory_space<hbm>> -> memref<1x2x128xi32, #tpu.memory_space<hbm>>
      %dma_wait3A_517 = tpu.memref_squeeze %dma_wait3A_516 : memref<1x2x128xi32, #tpu.memory_space<hbm>> -> memref<2x128xi32, #tpu.memory_space<hbm>>
      tpu.wait_dma2 semaphore(%arg13 : memref<!tpu.dma_semaphore, #tpu.memory_space<semaphore_mem>>) src(%dma_wait3A_517 : memref<2x128xi32, #tpu.memory_space<hbm>>) dst(%dma_wait3A_513 : memref<2x128xi32, #tpu.memory_space<vmem>>)
      %dma_start3A_518 = arith.constant 0 : i32
      %dma_start3A_519 = arith.constant 0 : i32
      %dma_start3A_520 = arith.constant 0 : i32
      %dma_start3A_521 = arith.constant 0 : i32
      %dma_start3A_522 = tpu.memref_slice %arg8[%dma_start3A_520, %dma_start3A_521] : memref<640x16xf32, #tpu.memory_space<vmem>> -> memref<128x16xf32, #tpu.memory_space<vmem>>
      %dma_start3A_523 = arith.constant 0 : i32
      %dma_start3A_524 = tpu.memref_slice %arg6[%dma_start3A_518, %dma_start3A_519, %dma_start3A_523] : memref<5x2x128xi32, #tpu.memory_space<vmem>> -> memref<1x1x128xi32, #tpu.memory_space<vmem>>
      %dma_start3A_525 = tpu.memref_squeeze %dma_start3A_524 : memref<1x1x128xi32, #tpu.memory_space<vmem>> -> memref<128xi32, #tpu.memory_space<vmem>>
      %dma_start3A_526 = arith.constant 0 : i32
      %dma_start3A_527 = arith.constant 0 : i32
      %dma_start3A_528 = tpu.memref_slice %arg2[%dma_start3A_526, %dma_start3A_527] : memref<100000x16xf32, #tpu.memory_space<hbm>> -> memref<100000x16xf32, #tpu.memory_space<hbm>>
      tpu.enqueue_indirect_dma source(%dma_start3A_528 : memref<100000x16xf32, #tpu.memory_space<hbm>>) target(%dma_start3A_522 : memref<128x16xf32, #tpu.memory_space<vmem>>) offsets(%dma_start3A_525 : memref<128xi32, #tpu.memory_space<vmem>>) semaphore(%arg11 : memref<!tpu.dma_semaphore, #tpu.memory_space<semaphore_mem>>)
      %dma_start3A_529 = arith.constant 1 : i32
      %dma_start3A_530 = arith.constant 0 : i32
      %dma_start3A_531 = arith.constant 128 : i32
      %dma_start3A_532 = arith.constant 0 : i32
      %dma_start3A_533 = tpu.memref_slice %arg8[%dma_start3A_531, %dma_start3A_532] : memref<640x16xf32, #tpu.memory_space<vmem>> -> memref<128x16xf32, #tpu.memory_space<vmem>>
      %dma_start3A_534 = arith.constant 0 : i32
      %dma_start3A_535 = tpu.memref_slice %arg6[%dma_start3A_529, %dma_start3A_530, %dma_start3A_534] : memref<5x2x128xi32, #tpu.memory_space<vmem>> -> memref<1x1x128xi32, #tpu.memory_space<vmem>>
      %dma_start3A_536 = tpu.memref_squeeze %dma_start3A_535 : memref<1x1x128xi32, #tpu.memory_space<vmem>> -> memref<128xi32, #tpu.memory_space<vmem>>
      %dma_start3A_537 = arith.constant 0 : i32
      %dma_start3A_538 = arith.constant 0 : i32
      %dma_start3A_539 = tpu.memref_slice %arg2[%dma_start3A_537, %dma_start3A_538] : memref<100000x16xf32, #tpu.memory_space<hbm>> -> memref<100000x16xf32, #tpu.memory_space<hbm>>
      tpu.enqueue_indirect_dma source(%dma_start3A_539 : memref<100000x16xf32, #tpu.memory_space<hbm>>) target(%dma_start3A_533 : memref<128x16xf32, #tpu.memory_space<vmem>>) offsets(%dma_start3A_536 : memref<128xi32, #tpu.memory_space<vmem>>) semaphore(%arg11 : memref<!tpu.dma_semaphore, #tpu.memory_space<semaphore_mem>>)
      %dma_start3A_540 = arith.constant 2 : i32
      %dma_start3A_541 = arith.constant 0 : i32
      %dma_start3A_542 = arith.constant 256 : i32
      %dma_start3A_543 = arith.constant 0 : i32
      %dma_start3A_544 = tpu.memref_slice %arg8[%dma_start3A_542, %dma_start3A_543] : memref<640x16xf32, #tpu.memory_space<vmem>> -> memref<128x16xf32, #tpu.memory_space<vmem>>
      %dma_start3A_545 = arith.constant 0 : i32
      %dma_start3A_546 = tpu.memref_slice %arg6[%dma_start3A_540, %dma_start3A_541, %dma_start3A_545] : memref<5x2x128xi32, #tpu.memory_space<vmem>> -> memref<1x1x128xi32, #tpu.memory_space<vmem>>
      %dma_start3A_547 = tpu.memref_squeeze %dma_start3A_546 : memref<1x1x128xi32, #tpu.memory_space<vmem>> -> memref<128xi32, #tpu.memory_space<vmem>>
      %dma_start3A_548 = arith.constant 0 : i32
      %dma_start3A_549 = arith.constant 0 : i32
      %dma_start3A_550 = tpu.memref_slice %arg2[%dma_start3A_548, %dma_start3A_549] : memref<100000x16xf32, #tpu.memory_space<hbm>> -> memref<100000x16xf32, #tpu.memory_space<hbm>>
      tpu.enqueue_indirect_dma source(%dma_start3A_550 : memref<100000x16xf32, #tpu.memory_space<hbm>>) target(%dma_start3A_544 : memref<128x16xf32, #tpu.memory_space<vmem>>) offsets(%dma_start3A_547 : memref<128xi32, #tpu.memory_space<vmem>>) semaphore(%arg11 : memref<!tpu.dma_semaphore, #tpu.memory_space<semaphore_mem>>)
      %dma_start3A_551 = arith.constant 3 : i32
      %dma_start3A_552 = arith.constant 0 : i32
      %dma_start3A_553 = arith.constant 384 : i32
      %dma_start3A_554 = arith.constant 0 : i32
      %dma_start3A_555 = tpu.memref_slice %arg8[%dma_start3A_553, %dma_start3A_554] : memref<640x16xf32, #tpu.memory_space<vmem>> -> memref<128x16xf32, #tpu.memory_space<vmem>>
      %dma_start3A_556 = arith.constant 0 : i32
      %dma_start3A_557 = tpu.memref_slice %arg6[%dma_start3A_551, %dma_start3A_552, %dma_start3A_556] : memref<5x2x128xi32, #tpu.memory_space<vmem>> -> memref<1x1x128xi32, #tpu.memory_space<vmem>>
      %dma_start3A_558 = tpu.memref_squeeze %dma_start3A_557 : memref<1x1x128xi32, #tpu.memory_space<vmem>> -> memref<128xi32, #tpu.memory_space<vmem>>
      %dma_start3A_559 = arith.constant 0 : i32
      %dma_start3A_560 = arith.constant 0 : i32
      %dma_start3A_561 = tpu.memref_slice %arg2[%dma_start3A_559, %dma_start3A_560] : memref<100000x16xf32, #tpu.memory_space<hbm>> -> memref<100000x16xf32, #tpu.memory_space<hbm>>
      tpu.enqueue_indirect_dma source(%dma_start3A_561 : memref<100000x16xf32, #tpu.memory_space<hbm>>) target(%dma_start3A_555 : memref<128x16xf32, #tpu.memory_space<vmem>>) offsets(%dma_start3A_558 : memref<128xi32, #tpu.memory_space<vmem>>) semaphore(%arg11 : memref<!tpu.dma_semaphore, #tpu.memory_space<semaphore_mem>>)
      %dma_start3A_562 = arith.constant 4 : i32
      %dma_start3A_563 = arith.constant 0 : i32
      %dma_start3A_564 = arith.constant 512 : i32
      %dma_start3A_565 = arith.constant 0 : i32
      %dma_start3A_566 = tpu.memref_slice %arg8[%dma_start3A_564, %dma_start3A_565] : memref<640x16xf32, #tpu.memory_space<vmem>> -> memref<128x16xf32, #tpu.memory_space<vmem>>
      %dma_start3A_567 = arith.constant 0 : i32
      %dma_start3A_568 = tpu.memref_slice %arg6[%dma_start3A_562, %dma_start3A_563, %dma_start3A_567] : memref<5x2x128xi32, #tpu.memory_space<vmem>> -> memref<1x1x128xi32, #tpu.memory_space<vmem>>
      %dma_start3A_569 = tpu.memref_squeeze %dma_start3A_568 : memref<1x1x128xi32, #tpu.memory_space<vmem>> -> memref<128xi32, #tpu.memory_space<vmem>>
      %dma_start3A_570 = arith.constant 0 : i32
      %dma_start3A_571 = arith.constant 0 : i32
      %dma_start3A_572 = tpu.memref_slice %arg2[%dma_start3A_570, %dma_start3A_571] : memref<100000x16xf32, #tpu.memory_space<hbm>> -> memref<100000x16xf32, #tpu.memory_space<hbm>>
      tpu.enqueue_indirect_dma source(%dma_start3A_572 : memref<100000x16xf32, #tpu.memory_space<hbm>>) target(%dma_start3A_566 : memref<128x16xf32, #tpu.memory_space<vmem>>) offsets(%dma_start3A_569 : memref<128xi32, #tpu.memory_space<vmem>>) semaphore(%arg11 : memref<!tpu.dma_semaphore, #tpu.memory_space<semaphore_mem>>)
      %dma_wait3A_573 = arith.constant 0 : i32
      %dma_wait3A_574 = arith.constant 0 : i32
      %dma_wait3A_575 = arith.constant 0 : i32
      %dma_wait3A_576 = arith.constant 0 : i32
      %dma_wait3A_577 = tpu.memref_slice %arg8[%dma_wait3A_575, %dma_wait3A_576] : memref<640x16xf32, #tpu.memory_space<vmem>> -> memref<128x16xf32, #tpu.memory_space<vmem>>
      %dma_wait3A_578 = arith.constant 0 : i32
      %dma_wait3A_579 = tpu.memref_slice %arg6[%dma_wait3A_573, %dma_wait3A_574, %dma_wait3A_578] : memref<5x2x128xi32, #tpu.memory_space<vmem>> -> memref<1x1x128xi32, #tpu.memory_space<vmem>>
      %dma_wait3A_580 = tpu.memref_squeeze %dma_wait3A_579 : memref<1x1x128xi32, #tpu.memory_space<vmem>> -> memref<128xi32, #tpu.memory_space<vmem>>
      %dma_wait3A_581 = arith.constant 0 : i32
      %dma_wait3A_582 = arith.constant 0 : i32
      %dma_wait3A_583 = tpu.memref_slice %arg2[%dma_wait3A_581, %dma_wait3A_582] : memref<100000x16xf32, #tpu.memory_space<hbm>> -> memref<100000x16xf32, #tpu.memory_space<hbm>>
      tpu.wait_indirect_dma semaphore(%arg11 : memref<!tpu.dma_semaphore, #tpu.memory_space<semaphore_mem>>) src(%dma_wait3A_583 : memref<100000x16xf32, #tpu.memory_space<hbm>>) dst(%dma_wait3A_577 : memref<128x16xf32, #tpu.memory_space<vmem>>)
      %dma_wait3A_584 = arith.constant 1 : i32
      %dma_wait3A_585 = arith.constant 0 : i32
      %dma_wait3A_586 = arith.constant 128 : i32
      %dma_wait3A_587 = arith.constant 0 : i32
      %dma_wait3A_588 = tpu.memref_slice %arg8[%dma_wait3A_586, %dma_wait3A_587] : memref<640x16xf32, #tpu.memory_space<vmem>> -> memref<128x16xf32, #tpu.memory_space<vmem>>
      %dma_wait3A_589 = arith.constant 0 : i32
      %dma_wait3A_590 = tpu.memref_slice %arg6[%dma_wait3A_584, %dma_wait3A_585, %dma_wait3A_589] : memref<5x2x128xi32, #tpu.memory_space<vmem>> -> memref<1x1x128xi32, #tpu.memory_space<vmem>>
      %dma_wait3A_591 = tpu.memref_squeeze %dma_wait3A_590 : memref<1x1x128xi32, #tpu.memory_space<vmem>> -> memref<128xi32, #tpu.memory_space<vmem>>
      %dma_wait3A_592 = arith.constant 0 : i32
      %dma_wait3A_593 = arith.constant 0 : i32
      %dma_wait3A_594 = tpu.memref_slice %arg2[%dma_wait3A_592, %dma_wait3A_593] : memref<100000x16xf32, #tpu.memory_space<hbm>> -> memref<100000x16xf32, #tpu.memory_space<hbm>>
      tpu.wait_indirect_dma semaphore(%arg11 : memref<!tpu.dma_semaphore, #tpu.memory_space<semaphore_mem>>) src(%dma_wait3A_594 : memref<100000x16xf32, #tpu.memory_space<hbm>>) dst(%dma_wait3A_588 : memref<128x16xf32, #tpu.memory_space<vmem>>)
      %dma_wait3A_595 = arith.constant 2 : i32
      %dma_wait3A_596 = arith.constant 0 : i32
      %dma_wait3A_597 = arith.constant 256 : i32
      %dma_wait3A_598 = arith.constant 0 : i32
      %dma_wait3A_599 = tpu.memref_slice %arg8[%dma_wait3A_597, %dma_wait3A_598] : memref<640x16xf32, #tpu.memory_space<vmem>> -> memref<128x16xf32, #tpu.memory_space<vmem>>
      %dma_wait3A_600 = arith.constant 0 : i32
      %dma_wait3A_601 = tpu.memref_slice %arg6[%dma_wait3A_595, %dma_wait3A_596, %dma_wait3A_600] : memref<5x2x128xi32, #tpu.memory_space<vmem>> -> memref<1x1x128xi32, #tpu.memory_space<vmem>>
      %dma_wait3A_602 = tpu.memref_squeeze %dma_wait3A_601 : memref<1x1x128xi32, #tpu.memory_space<vmem>> -> memref<128xi32, #tpu.memory_space<vmem>>
      %dma_wait3A_603 = arith.constant 0 : i32
      %dma_wait3A_604 = arith.constant 0 : i32
      %dma_wait3A_605 = tpu.memref_slice %arg2[%dma_wait3A_603, %dma_wait3A_604] : memref<100000x16xf32, #tpu.memory_space<hbm>> -> memref<100000x16xf32, #tpu.memory_space<hbm>>
      tpu.wait_indirect_dma semaphore(%arg11 : memref<!tpu.dma_semaphore, #tpu.memory_space<semaphore_mem>>) src(%dma_wait3A_605 : memref<100000x16xf32, #tpu.memory_space<hbm>>) dst(%dma_wait3A_599 : memref<128x16xf32, #tpu.memory_space<vmem>>)
      %dma_wait3A_606 = arith.constant 3 : i32
      %dma_wait3A_607 = arith.constant 0 : i32
      %dma_wait3A_608 = arith.constant 384 : i32
      %dma_wait3A_609 = arith.constant 0 : i32
      %dma_wait3A_610 = tpu.memref_slice %arg8[%dma_wait3A_608, %dma_wait3A_609] : memref<640x16xf32, #tpu.memory_space<vmem>> -> memref<128x16xf32, #tpu.memory_space<vmem>>
      %dma_wait3A_611 = arith.constant 0 : i32
      %dma_wait3A_612 = tpu.memref_slice %arg6[%dma_wait3A_606, %dma_wait3A_607, %dma_wait3A_611] : memref<5x2x128xi32, #tpu.memory_space<vmem>> -> memref<1x1x128xi32, #tpu.memory_space<vmem>>
      %dma_wait3A_613 = tpu.memref_squeeze %dma_wait3A_612 : memref<1x1x128xi32, #tpu.memory_space<vmem>> -> memref<128xi32, #tpu.memory_space<vmem>>
      %dma_wait3A_614 = arith.constant 0 : i32
      %dma_wait3A_615 = arith.constant 0 : i32
      %dma_wait3A_616 = tpu.memref_slice %arg2[%dma_wait3A_614, %dma_wait3A_615] : memref<100000x16xf32, #tpu.memory_space<hbm>> -> memref<100000x16xf32, #tpu.memory_space<hbm>>
      tpu.wait_indirect_dma semaphore(%arg11 : memref<!tpu.dma_semaphore, #tpu.memory_space<semaphore_mem>>) src(%dma_wait3A_616 : memref<100000x16xf32, #tpu.memory_space<hbm>>) dst(%dma_wait3A_610 : memref<128x16xf32, #tpu.memory_space<vmem>>)
      %dma_wait3A_617 = arith.constant 4 : i32
      %dma_wait3A_618 = arith.constant 0 : i32
      %dma_wait3A_619 = arith.constant 512 : i32
      %dma_wait3A_620 = arith.constant 0 : i32
      %dma_wait3A_621 = tpu.memref_slice %arg8[%dma_wait3A_619, %dma_wait3A_620] : memref<640x16xf32, #tpu.memory_space<vmem>> -> memref<128x16xf32, #tpu.memory_space<vmem>>
      %dma_wait3A_622 = arith.constant 0 : i32
      %dma_wait3A_623 = tpu.memref_slice %arg6[%dma_wait3A_617, %dma_wait3A_618, %dma_wait3A_622] : memref<5x2x128xi32, #tpu.memory_space<vmem>> -> memref<1x1x128xi32, #tpu.memory_space<vmem>>
      %dma_wait3A_624 = tpu.memref_squeeze %dma_wait3A_623 : memref<1x1x128xi32, #tpu.memory_space<vmem>> -> memref<128xi32, #tpu.memory_space<vmem>>
      %dma_wait3A_625 = arith.constant 0 : i32
      %dma_wait3A_626 = arith.constant 0 : i32
      %dma_wait3A_627 = tpu.memref_slice %arg2[%dma_wait3A_625, %dma_wait3A_626] : memref<100000x16xf32, #tpu.memory_space<hbm>> -> memref<100000x16xf32, #tpu.memory_space<hbm>>
      tpu.wait_indirect_dma semaphore(%arg11 : memref<!tpu.dma_semaphore, #tpu.memory_space<semaphore_mem>>) src(%dma_wait3A_627 : memref<100000x16xf32, #tpu.memory_space<hbm>>) dst(%dma_wait3A_621 : memref<128x16xf32, #tpu.memory_space<vmem>>)
      %dma_start3A_628 = arith.constant 0 : i32
      %dma_start3A_629 = arith.constant 1 : i32
      %dma_start3A_630 = arith.constant 0 : i32
      %dma_start3A_631 = arith.constant 0 : i32
      %dma_start3A_632 = tpu.memref_slice %arg8[%dma_start3A_630, %dma_start3A_631] : memref<640x16xf32, #tpu.memory_space<vmem>> -> memref<128x16xf32, #tpu.memory_space<vmem>>
      %dma_start3A_633 = arith.constant 0 : i32
      %dma_start3A_634 = tpu.memref_slice %arg6[%dma_start3A_628, %dma_start3A_629, %dma_start3A_633] : memref<5x2x128xi32, #tpu.memory_space<vmem>> -> memref<1x1x128xi32, #tpu.memory_space<vmem>>
      %dma_start3A_635 = tpu.memref_squeeze %dma_start3A_634 : memref<1x1x128xi32, #tpu.memory_space<vmem>> -> memref<128xi32, #tpu.memory_space<vmem>>
      %dma_start3A_636 = arith.constant 0 : i32
      %dma_start3A_637 = arith.constant 0 : i32
      %dma_start3A_638 = tpu.memref_slice %arg10[%dma_start3A_636, %dma_start3A_637] : memref<100000x16xf32, #tpu.memory_space<vmem_shared>> -> memref<100000x16xf32, #tpu.memory_space<vmem_shared>>
      tpu.enqueue_indirect_dma source(%dma_start3A_632 : memref<128x16xf32, #tpu.memory_space<vmem>>) target(%dma_start3A_638 : memref<100000x16xf32, #tpu.memory_space<vmem_shared>>) offsets(%dma_start3A_635 : memref<128xi32, #tpu.memory_space<vmem>>) semaphore(%arg12 : memref<!tpu.dma_semaphore, #tpu.memory_space<semaphore_mem>>) {add = true}
      %dma_start3A_639 = arith.constant 1 : i32
      %dma_start3A_640 = arith.constant 1 : i32
      %dma_start3A_641 = arith.constant 128 : i32
      %dma_start3A_642 = arith.constant 0 : i32
      %dma_start3A_643 = tpu.memref_slice %arg8[%dma_start3A_641, %dma_start3A_642] : memref<640x16xf32, #tpu.memory_space<vmem>> -> memref<128x16xf32, #tpu.memory_space<vmem>>
      %dma_start3A_644 = arith.constant 0 : i32
      %dma_start3A_645 = tpu.memref_slice %arg6[%dma_start3A_639, %dma_start3A_640, %dma_start3A_644] : memref<5x2x128xi32, #tpu.memory_space<vmem>> -> memref<1x1x128xi32, #tpu.memory_space<vmem>>
      %dma_start3A_646 = tpu.memref_squeeze %dma_start3A_645 : memref<1x1x128xi32, #tpu.memory_space<vmem>> -> memref<128xi32, #tpu.memory_space<vmem>>
      %dma_start3A_647 = arith.constant 0 : i32
      %dma_start3A_648 = arith.constant 0 : i32
      %dma_start3A_649 = tpu.memref_slice %arg10[%dma_start3A_647, %dma_start3A_648] : memref<100000x16xf32, #tpu.memory_space<vmem_shared>> -> memref<100000x16xf32, #tpu.memory_space<vmem_shared>>
      tpu.enqueue_indirect_dma source(%dma_start3A_643 : memref<128x16xf32, #tpu.memory_space<vmem>>) target(%dma_start3A_649 : memref<100000x16xf32, #tpu.memory_space<vmem_shared>>) offsets(%dma_start3A_646 : memref<128xi32, #tpu.memory_space<vmem>>) semaphore(%arg12 : memref<!tpu.dma_semaphore, #tpu.memory_space<semaphore_mem>>) {add = true}
      %dma_start3A_650 = arith.constant 2 : i32
      %dma_start3A_651 = arith.constant 1 : i32
      %dma_start3A_652 = arith.constant 256 : i32
      %dma_start3A_653 = arith.constant 0 : i32
      %dma_start3A_654 = tpu.memref_slice %arg8[%dma_start3A_652, %dma_start3A_653] : memref<640x16xf32, #tpu.memory_space<vmem>> -> memref<128x16xf32, #tpu.memory_space<vmem>>
      %dma_start3A_655 = arith.constant 0 : i32
      %dma_start3A_656 = tpu.memref_slice %arg6[%dma_start3A_650, %dma_start3A_651, %dma_start3A_655] : memref<5x2x128xi32, #tpu.memory_space<vmem>> -> memref<1x1x128xi32, #tpu.memory_space<vmem>>
      %dma_start3A_657 = tpu.memref_squeeze %dma_start3A_656 : memref<1x1x128xi32, #tpu.memory_space<vmem>> -> memref<128xi32, #tpu.memory_space<vmem>>
      %dma_start3A_658 = arith.constant 0 : i32
      %dma_start3A_659 = arith.constant 0 : i32
      %dma_start3A_660 = tpu.memref_slice %arg10[%dma_start3A_658, %dma_start3A_659] : memref<100000x16xf32, #tpu.memory_space<vmem_shared>> -> memref<100000x16xf32, #tpu.memory_space<vmem_shared>>
      tpu.enqueue_indirect_dma source(%dma_start3A_654 : memref<128x16xf32, #tpu.memory_space<vmem>>) target(%dma_start3A_660 : memref<100000x16xf32, #tpu.memory_space<vmem_shared>>) offsets(%dma_start3A_657 : memref<128xi32, #tpu.memory_space<vmem>>) semaphore(%arg12 : memref<!tpu.dma_semaphore, #tpu.memory_space<semaphore_mem>>) {add = true}
      %dma_start3A_661 = arith.constant 3 : i32
      %dma_start3A_662 = arith.constant 1 : i32
      %dma_start3A_663 = arith.constant 384 : i32
      %dma_start3A_664 = arith.constant 0 : i32
      %dma_start3A_665 = tpu.memref_slice %arg8[%dma_start3A_663, %dma_start3A_664] : memref<640x16xf32, #tpu.memory_space<vmem>> -> memref<128x16xf32, #tpu.memory_space<vmem>>
      %dma_start3A_666 = arith.constant 0 : i32
      %dma_start3A_667 = tpu.memref_slice %arg6[%dma_start3A_661, %dma_start3A_662, %dma_start3A_666] : memref<5x2x128xi32, #tpu.memory_space<vmem>> -> memref<1x1x128xi32, #tpu.memory_space<vmem>>
      %dma_start3A_668 = tpu.memref_squeeze %dma_start3A_667 : memref<1x1x128xi32, #tpu.memory_space<vmem>> -> memref<128xi32, #tpu.memory_space<vmem>>
      %dma_start3A_669 = arith.constant 0 : i32
      %dma_start3A_670 = arith.constant 0 : i32
      %dma_start3A_671 = tpu.memref_slice %arg10[%dma_start3A_669, %dma_start3A_670] : memref<100000x16xf32, #tpu.memory_space<vmem_shared>> -> memref<100000x16xf32, #tpu.memory_space<vmem_shared>>
      tpu.enqueue_indirect_dma source(%dma_start3A_665 : memref<128x16xf32, #tpu.memory_space<vmem>>) target(%dma_start3A_671 : memref<100000x16xf32, #tpu.memory_space<vmem_shared>>) offsets(%dma_start3A_668 : memref<128xi32, #tpu.memory_space<vmem>>) semaphore(%arg12 : memref<!tpu.dma_semaphore, #tpu.memory_space<semaphore_mem>>) {add = true}
      %dma_start3A_672 = arith.constant 4 : i32
      %dma_start3A_673 = arith.constant 1 : i32
      %dma_start3A_674 = arith.constant 512 : i32
      %dma_start3A_675 = arith.constant 0 : i32
      %dma_start3A_676 = tpu.memref_slice %arg8[%dma_start3A_674, %dma_start3A_675] : memref<640x16xf32, #tpu.memory_space<vmem>> -> memref<128x16xf32, #tpu.memory_space<vmem>>
      %dma_start3A_677 = arith.constant 0 : i32
      %dma_start3A_678 = tpu.memref_slice %arg6[%dma_start3A_672, %dma_start3A_673, %dma_start3A_677] : memref<5x2x128xi32, #tpu.memory_space<vmem>> -> memref<1x1x128xi32, #tpu.memory_space<vmem>>
      %dma_start3A_679 = tpu.memref_squeeze %dma_start3A_678 : memref<1x1x128xi32, #tpu.memory_space<vmem>> -> memref<128xi32, #tpu.memory_space<vmem>>
      %dma_start3A_680 = arith.constant 0 : i32
      %dma_start3A_681 = arith.constant 0 : i32
      %dma_start3A_682 = tpu.memref_slice %arg10[%dma_start3A_680, %dma_start3A_681] : memref<100000x16xf32, #tpu.memory_space<vmem_shared>> -> memref<100000x16xf32, #tpu.memory_space<vmem_shared>>
      tpu.enqueue_indirect_dma source(%dma_start3A_676 : memref<128x16xf32, #tpu.memory_space<vmem>>) target(%dma_start3A_682 : memref<100000x16xf32, #tpu.memory_space<vmem_shared>>) offsets(%dma_start3A_679 : memref<128xi32, #tpu.memory_space<vmem>>) semaphore(%arg12 : memref<!tpu.dma_semaphore, #tpu.memory_space<semaphore_mem>>) {add = true}
      %dma_wait3A_683 = arith.constant 0 : i32
      %dma_wait3A_684 = arith.constant 1 : i32
      %dma_wait3A_685 = arith.constant 0 : i32
      %dma_wait3A_686 = arith.constant 0 : i32
      %dma_wait3A_687 = tpu.memref_slice %arg8[%dma_wait3A_685, %dma_wait3A_686] : memref<640x16xf32, #tpu.memory_space<vmem>> -> memref<128x16xf32, #tpu.memory_space<vmem>>
      %dma_wait3A_688 = arith.constant 0 : i32
      %dma_wait3A_689 = tpu.memref_slice %arg6[%dma_wait3A_683, %dma_wait3A_684, %dma_wait3A_688] : memref<5x2x128xi32, #tpu.memory_space<vmem>> -> memref<1x1x128xi32, #tpu.memory_space<vmem>>
      %dma_wait3A_690 = tpu.memref_squeeze %dma_wait3A_689 : memref<1x1x128xi32, #tpu.memory_space<vmem>> -> memref<128xi32, #tpu.memory_space<vmem>>
      %dma_wait3A_691 = arith.constant 0 : i32
      %dma_wait3A_692 = arith.constant 0 : i32
      %dma_wait3A_693 = tpu.memref_slice %arg10[%dma_wait3A_691, %dma_wait3A_692] : memref<100000x16xf32, #tpu.memory_space<vmem_shared>> -> memref<100000x16xf32, #tpu.memory_space<vmem_shared>>
      tpu.wait_indirect_dma semaphore(%arg12 : memref<!tpu.dma_semaphore, #tpu.memory_space<semaphore_mem>>) src(%dma_wait3A_687 : memref<128x16xf32, #tpu.memory_space<vmem>>) dst(%dma_wait3A_693 : memref<100000x16xf32, #tpu.memory_space<vmem_shared>>)
      %dma_wait3A_694 = arith.constant 1 : i32
      %dma_wait3A_695 = arith.constant 1 : i32
      %dma_wait3A_696 = arith.constant 128 : i32
      %dma_wait3A_697 = arith.constant 0 : i32
      %dma_wait3A_698 = tpu.memref_slice %arg8[%dma_wait3A_696, %dma_wait3A_697] : memref<640x16xf32, #tpu.memory_space<vmem>> -> memref<128x16xf32, #tpu.memory_space<vmem>>
      %dma_wait3A_699 = arith.constant 0 : i32
      %dma_wait3A_700 = tpu.memref_slice %arg6[%dma_wait3A_694, %dma_wait3A_695, %dma_wait3A_699] : memref<5x2x128xi32, #tpu.memory_space<vmem>> -> memref<1x1x128xi32, #tpu.memory_space<vmem>>
      %dma_wait3A_701 = tpu.memref_squeeze %dma_wait3A_700 : memref<1x1x128xi32, #tpu.memory_space<vmem>> -> memref<128xi32, #tpu.memory_space<vmem>>
      %dma_wait3A_702 = arith.constant 0 : i32
      %dma_wait3A_703 = arith.constant 0 : i32
      %dma_wait3A_704 = tpu.memref_slice %arg10[%dma_wait3A_702, %dma_wait3A_703] : memref<100000x16xf32, #tpu.memory_space<vmem_shared>> -> memref<100000x16xf32, #tpu.memory_space<vmem_shared>>
      tpu.wait_indirect_dma semaphore(%arg12 : memref<!tpu.dma_semaphore, #tpu.memory_space<semaphore_mem>>) src(%dma_wait3A_698 : memref<128x16xf32, #tpu.memory_space<vmem>>) dst(%dma_wait3A_704 : memref<100000x16xf32, #tpu.memory_space<vmem_shared>>)
      %dma_wait3A_705 = arith.constant 2 : i32
      %dma_wait3A_706 = arith.constant 1 : i32
      %dma_wait3A_707 = arith.constant 256 : i32
      %dma_wait3A_708 = arith.constant 0 : i32
      %dma_wait3A_709 = tpu.memref_slice %arg8[%dma_wait3A_707, %dma_wait3A_708] : memref<640x16xf32, #tpu.memory_space<vmem>> -> memref<128x16xf32, #tpu.memory_space<vmem>>
      %dma_wait3A_710 = arith.constant 0 : i32
      %dma_wait3A_711 = tpu.memref_slice %arg6[%dma_wait3A_705, %dma_wait3A_706, %dma_wait3A_710] : memref<5x2x128xi32, #tpu.memory_space<vmem>> -> memref<1x1x128xi32, #tpu.memory_space<vmem>>
      %dma_wait3A_712 = tpu.memref_squeeze %dma_wait3A_711 : memref<1x1x128xi32, #tpu.memory_space<vmem>> -> memref<128xi32, #tpu.memory_space<vmem>>
      %dma_wait3A_713 = arith.constant 0 : i32
      %dma_wait3A_714 = arith.constant 0 : i32
      %dma_wait3A_715 = tpu.memref_slice %arg10[%dma_wait3A_713, %dma_wait3A_714] : memref<100000x16xf32, #tpu.memory_space<vmem_shared>> -> memref<100000x16xf32, #tpu.memory_space<vmem_shared>>
      tpu.wait_indirect_dma semaphore(%arg12 : memref<!tpu.dma_semaphore, #tpu.memory_space<semaphore_mem>>) src(%dma_wait3A_709 : memref<128x16xf32, #tpu.memory_space<vmem>>) dst(%dma_wait3A_715 : memref<100000x16xf32, #tpu.memory_space<vmem_shared>>)
      %dma_wait3A_716 = arith.constant 3 : i32
      %dma_wait3A_717 = arith.constant 1 : i32
      %dma_wait3A_718 = arith.constant 384 : i32
      %dma_wait3A_719 = arith.constant 0 : i32
      %dma_wait3A_720 = tpu.memref_slice %arg8[%dma_wait3A_718, %dma_wait3A_719] : memref<640x16xf32, #tpu.memory_space<vmem>> -> memref<128x16xf32, #tpu.memory_space<vmem>>
      %dma_wait3A_721 = arith.constant 0 : i32
      %dma_wait3A_722 = tpu.memref_slice %arg6[%dma_wait3A_716, %dma_wait3A_717, %dma_wait3A_721] : memref<5x2x128xi32, #tpu.memory_space<vmem>> -> memref<1x1x128xi32, #tpu.memory_space<vmem>>
      %dma_wait3A_723 = tpu.memref_squeeze %dma_wait3A_722 : memref<1x1x128xi32, #tpu.memory_space<vmem>> -> memref<128xi32, #tpu.memory_space<vmem>>
      %dma_wait3A_724 = arith.constant 0 : i32
      %dma_wait3A_725 = arith.constant 0 : i32
      %dma_wait3A_726 = tpu.memref_slice %arg10[%dma_wait3A_724, %dma_wait3A_725] : memref<100000x16xf32, #tpu.memory_space<vmem_shared>> -> memref<100000x16xf32, #tpu.memory_space<vmem_shared>>
      tpu.wait_indirect_dma semaphore(%arg12 : memref<!tpu.dma_semaphore, #tpu.memory_space<semaphore_mem>>) src(%dma_wait3A_720 : memref<128x16xf32, #tpu.memory_space<vmem>>) dst(%dma_wait3A_726 : memref<100000x16xf32, #tpu.memory_space<vmem_shared>>)
      %dma_wait3A_727 = arith.constant 4 : i32
      %dma_wait3A_728 = arith.constant 1 : i32
      %dma_wait3A_729 = arith.constant 512 : i32
      %dma_wait3A_730 = arith.constant 0 : i32
      %dma_wait3A_731 = tpu.memref_slice %arg8[%dma_wait3A_729, %dma_wait3A_730] : memref<640x16xf32, #tpu.memory_space<vmem>> -> memref<128x16xf32, #tpu.memory_space<vmem>>
      %dma_wait3A_732 = arith.constant 0 : i32
      %dma_wait3A_733 = tpu.memref_slice %arg6[%dma_wait3A_727, %dma_wait3A_728, %dma_wait3A_732] : memref<5x2x128xi32, #tpu.memory_space<vmem>> -> memref<1x1x128xi32, #tpu.memory_space<vmem>>
      %dma_wait3A_734 = tpu.memref_squeeze %dma_wait3A_733 : memref<1x1x128xi32, #tpu.memory_space<vmem>> -> memref<128xi32, #tpu.memory_space<vmem>>
      %dma_wait3A_735 = arith.constant 0 : i32
      %dma_wait3A_736 = arith.constant 0 : i32
      %dma_wait3A_737 = tpu.memref_slice %arg10[%dma_wait3A_735, %dma_wait3A_736] : memref<100000x16xf32, #tpu.memory_space<vmem_shared>> -> memref<100000x16xf32, #tpu.memory_space<vmem_shared>>
      tpu.wait_indirect_dma semaphore(%arg12 : memref<!tpu.dma_semaphore, #tpu.memory_space<semaphore_mem>>) src(%dma_wait3A_731 : memref<128x16xf32, #tpu.memory_space<vmem>>) dst(%dma_wait3A_737 : memref<100000x16xf32, #tpu.memory_space<vmem_shared>>)
    } else {
    }
    %barrier3A_314 = arith.constant 0 : index
    tpu.barrier barrier_id(%barrier3A_314)
    %scan3A_315 = arith.constant 0 : i32
    %scan3A_316 = arith.constant 5 : i32
    %scan3A_317 = arith.addi %scan3A_315, %scan3A_316 : i32
    %scan3A_318 = arith.constant 1 : i32
    scf.for %scan3A_320 = %scan3A_315 to %scan3A_317 step %scan3A_318  : i32 {
      %mul3A_321 = arith.constant 1 : i32
      %mul3A_322 = arith.muli %scan3A_320, %mul3A_321 : i32
      %add3A_323 = arith.constant 0 : i32
      %add3A_324 = arith.addi %add3A_323, %mul3A_322 : i32
      %mul3A_325 = arith.constant 16 : i32
      %mul3A_326 = arith.muli %add3A_324, %mul3A_325 : i32
      %add3A_327 = arith.addi %mul3A_326, %arg1 : i32
      %mul3A_328 = arith.constant 1280 : i32
      %mul3A_329 = arith.muli %add3A_327, %mul3A_328 : i32
      %add3A_330 = arith.constant 1280 : i32
      %add3A_331 = arith.addi %mul3A_329, %add3A_330 : i32
      %le3A = arith.constant 100000 : i32
      %le3A_332 = arith.cmpi sle, %add3A_331, %le3A : i32
      %convert_element_type3A_333 = arith.extui %le3A_332 : i1 to i32
      %cond3A_334 = arith.constant 0 : i32
      %cond3A_335 = arith.cmpi ne, %convert_element_type3A_333, %cond3A_334 : i32
      scf.if %cond3A_335 {
        %mul3A_340 = arith.constant 100000 : i32
        %mul3A_341 = arith.muli %arg0, %mul3A_340 : i32
        %add3A_342 = arith.addi %mul3A_341, %mul3A_329 : i32
        "tpu.region"() ({
          %run_scoped3A = tpu.sem_alloc : memref<!tpu.dma_semaphore, #tpu.memory_space<semaphore_mem>>
          %dma_start3A_343 = arith.constant 0 : i32
          %dma_start3A_344 = tpu.memref_slice %arg5[%add3A_342, %dma_start3A_343] : memref<200000x16xf32, #tpu.memory_space<hbm>> -> memref<1280x16xf32, #tpu.memory_space<hbm>>
          %dma_start3A_345 = arith.constant 0 : i32
          %dma_start3A_346 = tpu.memref_slice %arg10[%mul3A_329, %dma_start3A_345] : memref<100000x16xf32, #tpu.memory_space<vmem_shared>> -> memref<1280x16xf32, #tpu.memory_space<vmem_shared>>
          tpu.enqueue_dma source(%dma_start3A_346 : memref<1280x16xf32, #tpu.memory_space<vmem_shared>>) target(%dma_start3A_344 : memref<1280x16xf32, #tpu.memory_space<hbm>>) target_semaphore(%run_scoped3A : memref<!tpu.dma_semaphore, #tpu.memory_space<semaphore_mem>>)
          %dma_wait3A_347 = arith.constant 0 : i32
          %dma_wait3A_348 = tpu.memref_slice %arg5[%add3A_342, %dma_wait3A_347] : memref<200000x16xf32, #tpu.memory_space<hbm>> -> memref<1280x16xf32, #tpu.memory_space<hbm>>
          %dma_wait3A_349 = arith.constant 0 : i32
          %dma_wait3A_350 = tpu.memref_slice %arg10[%mul3A_329, %dma_wait3A_349] : memref<100000x16xf32, #tpu.memory_space<vmem_shared>> -> memref<1280x16xf32, #tpu.memory_space<vmem_shared>>
          tpu.wait_dma2 semaphore(%run_scoped3A : memref<!tpu.dma_semaphore, #tpu.memory_space<semaphore_mem>>) src(%dma_wait3A_350 : memref<1280x16xf32, #tpu.memory_space<vmem_shared>>) dst(%dma_wait3A_348 : memref<1280x16xf32, #tpu.memory_space<hbm>>)
          tpu.yield
        }) : () -> ()
      } else {
      }
      %eq3A = arith.constant 78 : i32
      %eq3A_336 = arith.cmpi eq, %add3A_327, %eq3A : i32
      %convert_element_type3A_337 = arith.extui %eq3A_336 : i1 to i32
      %cond3A_338 = arith.constant 0 : i32
      %cond3A_339 = arith.cmpi ne, %convert_element_type3A_337, %cond3A_338 : i32
      scf.if %cond3A_339 {
        %mul3A_340 = arith.constant 100000 : i32
        %mul3A_341 = arith.muli %arg0, %mul3A_340 : i32
        %add3A_342 = arith.constant 99840 : i32
        %add3A_343 = arith.addi %mul3A_341, %add3A_342 : i32
        "tpu.region"() ({
          %run_scoped3A = tpu.sem_alloc : memref<!tpu.dma_semaphore, #tpu.memory_space<semaphore_mem>>
          %dma_start3A_344 = arith.constant 0 : i32
          %dma_start3A_345 = tpu.memref_slice %arg5[%add3A_343, %dma_start3A_344] : memref<200000x16xf32, #tpu.memory_space<hbm>> -> memref<160x16xf32, #tpu.memory_space<hbm>>
          %dma_start3A_346 = arith.constant 99840 : i32
          %dma_start3A_347 = arith.constant 0 : i32
          %dma_start3A_348 = tpu.memref_slice %arg10[%dma_start3A_346, %dma_start3A_347] : memref<100000x16xf32, #tpu.memory_space<vmem_shared>> -> memref<160x16xf32, #tpu.memory_space<vmem_shared>>
          tpu.enqueue_dma source(%dma_start3A_348 : memref<160x16xf32, #tpu.memory_space<vmem_shared>>) target(%dma_start3A_345 : memref<160x16xf32, #tpu.memory_space<hbm>>) target_semaphore(%run_scoped3A : memref<!tpu.dma_semaphore, #tpu.memory_space<semaphore_mem>>)
          %dma_wait3A_349 = arith.constant 0 : i32
          %dma_wait3A_350 = tpu.memref_slice %arg5[%add3A_343, %dma_wait3A_349] : memref<200000x16xf32, #tpu.memory_space<hbm>> -> memref<160x16xf32, #tpu.memory_space<hbm>>
          %dma_wait3A_351 = arith.constant 99840 : i32
          %dma_wait3A_352 = arith.constant 0 : i32
          %dma_wait3A_353 = tpu.memref_slice %arg10[%dma_wait3A_351, %dma_wait3A_352] : memref<100000x16xf32, #tpu.memory_space<vmem_shared>> -> memref<160x16xf32, #tpu.memory_space<vmem_shared>>
          tpu.wait_dma2 semaphore(%run_scoped3A : memref<!tpu.dma_semaphore, #tpu.memory_space<semaphore_mem>>) src(%dma_wait3A_353 : memref<160x16xf32, #tpu.memory_space<vmem_shared>>) dst(%dma_wait3A_350 : memref<160x16xf32, #tpu.memory_space<hbm>>)
          tpu.yield
        }) : () -> ()
      } else {
      }
    }
    %scan3A_319 = arith.constant 5 : i32
    return
  }
}

module attributes {stable_mosaic.version = 14 : i64} {
  func.func @_finish_body(%arg0: i32, %arg1: memref<2x512x128xf32, #tpu.memory_space<vmem>>, %arg2: memref<128x128xf32, #tpu.memory_space<vmem>>, %arg3: memref<128x128xf32, #tpu.memory_space<vmem>>, %arg4: memref<512x128xf32, #tpu.memory_space<vmem>>) attributes {dimension_semantics = [#tpu.dimension_semantics<arbitrary>], iteration_bounds = array<i64: 25>, scalar_prefetch = 0 : i64, scratch_operands = 0 : i64, tpu.core_type = #tpu.core_type<tc>, window_params = [{transform_indices = @transform_0, window_bounds = array<i64: 2, 512, 128>}, {pipeline_mode = #tpu.pipeline_mode<synchronous>, transform_indices = @transform_1, window_bounds = array<i64: 128, 128>}, {pipeline_mode = #tpu.pipeline_mode<synchronous>, transform_indices = @transform_2, window_bounds = array<i64: 128, 128>}, {transform_indices = @transform_3, window_bounds = array<i64: 512, 128>}]} {
    %get3A = arith.constant 0 : index
    %get3A_0 = arith.constant 0 : index
    %get3A_1 = arith.constant 0 : index
    %get3A_2 = vector.load %arg1[%get3A, %get3A_0, %get3A_1] : memref<2x512x128xf32, #tpu.memory_space<vmem>>, vector<1x512x128xf32>
    %get3A_3 = vector.shape_cast %get3A_2 : vector<1x512x128xf32> to vector<512x128xf32>
    %get3A_4 = arith.constant 1 : index
    %get3A_5 = arith.constant 0 : index
    %get3A_6 = arith.constant 0 : index
    %get3A_7 = vector.load %arg1[%get3A_4, %get3A_5, %get3A_6] : memref<2x512x128xf32, #tpu.memory_space<vmem>>, vector<1x512x128xf32>
    %get3A_8 = vector.shape_cast %get3A_7 : vector<1x512x128xf32> to vector<512x128xf32>
    %add3A = arith.addf %get3A_3, %get3A_8 : vector<512x128xf32>
    %get3A_9 = arith.constant 0 : index
    %get3A_10 = arith.constant 0 : index
    %get3A_11 = vector.load %arg2[%get3A_9, %get3A_10] : memref<128x128xf32, #tpu.memory_space<vmem>>, vector<128x128xf32>
    %dot_general3A = arith.constant dense<0.000000e+00> : vector<512x128xf32>
    %dot_general3A_12 = tpu.matmul %add3A, %get3A_11, %dot_general3A {dimension_numbers = #tpu.dot_dimension_numbers<[1], [0], [0], [1], [0, 0, 1, 1], [], []>, transpose_lhs_hint = false} : vector<512x128xf32>, vector<128x128xf32>, vector<512x128xf32> -> vector<512x128xf32>
    %div3A = arith.divf %add3A, %dot_general3A_12 : vector<512x128xf32>
    %get3A_13 = arith.constant 0 : index
    %get3A_14 = arith.constant 0 : index
    %get3A_15 = vector.load %arg3[%get3A_13, %get3A_14] : memref<128x128xf32, #tpu.memory_space<vmem>>, vector<128x128xf32>
    %dot_general3A_16 = arith.constant dense<0.000000e+00> : vector<512x128xf32>
    %dot_general3A_17 = tpu.matmul %div3A, %get3A_15, %dot_general3A_16 {dimension_numbers = #tpu.dot_dimension_numbers<[1], [0], [0], [1], [0, 0, 1, 1], [], []>, transpose_lhs_hint = false} : vector<512x128xf32>, vector<128x128xf32>, vector<512x128xf32> -> vector<512x128xf32>
    %max3A = arith.constant 0.000000e+00 : f32
    %max3A_18 = vector.broadcast %max3A : f32 to vector<512x128xf32>
    %max3A_19 = arith.maximumf %dot_general3A_17, %max3A_18 : vector<512x128xf32>
    %swap3A = arith.constant 0 : index
    %swap3A_20 = arith.constant 0 : index
    %swap3A_21 = vector.load %arg4[%swap3A, %swap3A_20] : memref<512x128xf32, #tpu.memory_space<vmem>>, vector<512x128xf32>
    tpu.vector_store %arg4[%swap3A, %swap3A_20], %max3A_19 {strides = array<i32>} : memref<512x128xf32, #tpu.memory_space<vmem>>, vector<512x128xf32>,
    return
  }
  func.func @transform_0(%arg0: i32) -> (i32, i32, i32) {
    %c0_i32 = arith.constant 0 : i32
    %c0_i32_0 = arith.constant 0 : i32
    %c0_i32_1 = arith.constant 0 : i32
    return %c0_i32, %arg0, %c0_i32_0 : i32, i32, i32
  }
  func.func @transform_1(%arg0: i32) -> (i32, i32) {
    %c0_i32 = arith.constant 0 : i32
    %c0_i32_0 = arith.constant 0 : i32
    %c0_i32_1 = arith.constant 0 : i32
    return %c0_i32, %c0_i32_0 : i32, i32
  }
  func.func @transform_2(%arg0: i32) -> (i32, i32) {
    %c0_i32 = arith.constant 0 : i32
    %c0_i32_0 = arith.constant 0 : i32
    %c0_i32_1 = arith.constant 0 : i32
    return %c0_i32, %c0_i32_0 : i32, i32
  }
  func.func @transform_3(%arg0: i32) -> (i32, i32) {
    %c0_i32 = arith.constant 0 : i32
    %c0_i32_0 = arith.constant 0 : i32
    return %arg0, %c0_i32 : i32, i32
  }
}

</mosaic_0001>

<sc_bundles>
// kernel: kernel.4.cloned.1.call-start
scs
__scs_entry_jumppad:
0x0: {  	(pc) =	sbr.rel $0x88, $3  }
0x1: {  	(tag) =	ssettag $0x0;
	lr =	simm.s32 $0x1  }
0x2: {  	[smem:$0x3F9D] =	sst lr;
	_ =	strace $0xD0000000  }
0x3: {  	_ = 	snop  }
0x4: {  	_ = 	snop  }
0x5: {  	_ = 	snop  }
0x6: {  	_ = 	snop  }
0x7: {  	_ = 	snop  }
__scs_overlays_trampoline_lowered:
0x8: {  	[smem:$0x3FAC] =	sst s0  }
0x9: {  	[smem:$0x3FAD] =	sst s1  }
0xa: {  	[smem:$0x3FAE] =	sst s2  }
0xb: {  	[smem:$0x3FAF] =	sst s3  }
0xc: {  	[smem:$0x3FB0] =	sst s4  }
0xd: {  	[smem:$0x3FB1] =	sst s5  }
0xe: {  	[smem:$0x3FB2] =	sst s6  }
0xf: {  	[smem:$0x3FB3] =	sst s7  }
0x10: {  	[smem:$0x3FB4] =	sst s8  }
0x11: {  	[smem:$0x3FB5] =	sst s9;
	s0 =	simm.s32 @!p0 $0x0  }
0x12: {  	s1 =	sld [smem:$0x3F9B];
	s0 =	simm.s32 @p0 $0x1  }
0x13: {  	[smem:$0x3FB6] =	sst s0;
	s0 =	simm.s32 @!p1 $0x0  }
0x14: {  	s2 =	sld [smem:$0x3F9A];
	s0 =	simm.s32 @p1 $0x1  }
0x15: {  	[smem:$0x3FB7] =	sst s0;
	s0 =	simm.s32 @!p2 $0x0  }
0x16: {  	s3 =	sld [smem:$0x3FDB];
	s0 =	simm.s32 @p2 $0x1  }
0x17: {  	s4 =	simm.s32 $0x1BF5;
	[smem:$0x3FB9] =	sst s0  }
0x18: {  	s0 =	sld [smem:$0x3F9C];
	_ =	swait.ge [sflag:s4], $0x0  }
0x19: {  	s7 =	sld [smem:$0x3F9D]  }
0x1a: {  	s8 =	sadd.s32 $0xFFFFE003, lr  }
0x1b: {  	s9 =	sadd.s32 $0xFFFFFEF7, lr;
	s5 =	simm.s32 $0xFFFFFFFF;
	p2 =	slt.u32 s8, $0xFFFFF086  }
0x1c: {  	p1 =	slt.u32 s9, $0xF7A;
	s5 =	simm.s32 @!p2 $0x0  }
0x1d: {  	s5 =	simm.s32 @p1 $0x1;
	p0 =	seq.s32 s7, s2  }
0x1e: {  	s7 =	smul.u32 @!p0 $0xF7A, s2;
	p2 =	seq.s32 @!p0 s5, $0x0  }
0x1f: {  	s9 =	smul.u32 $0xF7A, s1;
	s8 =	simm.s32 @!p0 $0x1BF5;
	p2 =	por !p2, p0  }
0x20: {  	[sflag:s8] =	ssyncset.s32 @!p0 $0xFFFFF086;
	s6 =	sadd.s32 @!p0 s3, s7;
	s7 =	simm.s32 @!p0 $0x108  }
0x21: {  	s3 =	sadd.s32 s3, s9;
	s6 =	sadd.s32 @!p0 $0x88, s6;
	s7 =	simm.s32 @p2 $0x1082  }
0x22: {  	[simem:s7], [sflag:s8] =	dma.local @!p0 [hbm:s6], $0xF7A  }
0x23: {  	s9 =	sor.u32 $0xD0000000, s2;
	s6 =	simm.s32 $0x108;
	_ =	swait.ge @!p0 [sflag:s8], $0x0  }
0x24: {  	s3 =	sadd.s32 $0x88, s3;
	s6 =	simm.s32 @!p1 $0x1082;
	[sflag:s4] =	ssyncset.s32 $0xFFFFF086  }
0x25: {  	[simem:s6], [sflag:s4] =	dma.local [hbm:s3], $0xF7A  }
0x26: {  	[smem:$0x3F9D] =	sst s1;
	(tag) =	ssettag s2;
	_ =	strace s9  }
0x27: {  	s1 =	sld [smem:$0x3FAD]  }
0x28: {  	s2 =	sld [smem:$0x3FAE]  }
0x29: {  	s4 =	sld [smem:$0x3FB0]  }
0x2a: {  	p0 =	seq.s32 s5, $0x0;
	s5 =	sld [smem:$0x3FB1]  }
0x2b: {  	s6 =	sld [smem:$0x3FB2]  }
0x2c: {  	s7 =	sld [smem:$0x3FB3]  }
0x2d: {  	s3 =	simm.s32 $0x108;
	s8 =	sld [smem:$0x3FB4]  }
0x2e: {  	s3 =	simm.s32 @!p0 $0x1082;
	s9 =	sld [smem:$0x3FB5]  }
0x2f: {  	lr =	sadd.s32 s0, s3;
	s0 =	sld [smem:$0x3FAC]  }
0x30: {  	s3 =	sld [smem:$0x3FAF]  }
0x31: {  	[smem:$0x3FB8] =	sst s10  }
0x32: {  	s10 =	sld [smem:$0x3FB6];
	_ =	sdelay $0x3  }
0x33: {  	p0 =	seq.s32 s10, $0x1;
	s10 =	sld [smem:$0x3FB8];
	_ =	sdelay $0x3  }
0x34: {  	[smem:$0x3FB8] =	sst s10  }
0x35: {  	s10 =	sld [smem:$0x3FB7];
	_ =	sdelay $0x3  }
0x36: {  	p1 =	seq.s32 s10, $0x1;
	s10 =	sld [smem:$0x3FB8];
	_ =	sdelay $0x3  }
0x37: {  	[smem:$0x3FB8] =	sst s10  }
0x38: {  	s10 =	sld [smem:$0x3FB9]  }
0x39: {  	_ = 	snop;
	(pc) =	sbr.ind lr, $3  }
0x3a: {  	_ = 	snop  }
0x3b: {  	_ = 	snop  }
0x3c: {  	p2 =	seq.s32 s10, $0x1;
	s10 =	sld [smem:$0x3FB8]  }
0x3d: {  	_ =	shalt  }
0x3e: {  	_ =	shalt  }
0x3f: {  	_ =	shalt  }
0x40: {  	_ =	shalt  }
0x41: {  	_ =	shalt  }
0x42: {  	_ =	shalt  }
0x43: {  	_ =	shalt  }
0x44: {  	_ =	shalt  }
0x45: {  	_ =	shalt  }
0x46: {  	_ =	shalt  }
0x47: {  	_ =	shalt  }
0x48: {  	_ =	shalt  }
0x49: {  	_ =	shalt  }
0x4a: {  	_ =	shalt  }
0x4b: {  	_ =	shalt  }
0x4c: {  	_ =	shalt  }
0x4d: {  	_ =	shalt  }
0x4e: {  	_ =	shalt  }
0x4f: {  	_ =	shalt  }
0x50: {  	_ =	shalt  }
0x51: {  	_ =	shalt  }
0x52: {  	_ =	shalt  }
0x53: {  	_ =	shalt  }
0x54: {  	_ =	shalt  }
0x55: {  	_ =	shalt  }
0x56: {  	_ =	shalt  }
0x57: {  	_ =	shalt  }
0x58: {  	_ =	shalt  }
0x59: {  	_ =	shalt  }
0x5a: {  	_ =	shalt  }
0x5b: {  	_ =	shalt  }
0x5c: {  	_ =	shalt  }
0x5d: {  	_ =	shalt  }
0x5e: {  	_ =	shalt  }
0x5f: {  	_ =	shalt  }
0x60: {  	_ =	shalt  }
0x61: {  	_ =	shalt  }
0x62: {  	_ =	shalt  }
0x63: {  	_ =	shalt  }
0x64: {  	_ =	shalt  }
0x65: {  	_ =	shalt  }
0x66: {  	_ =	shalt  }
0x67: {  	_ =	shalt  }
0x68: {  	_ =	shalt  }
0x69: {  	_ =	shalt  }
0x6a: {  	_ =	shalt  }
0x6b: {  	_ =	shalt  }
0x6c: {  	_ =	shalt  }
0x6d: {  	_ =	shalt  }
0x6e: {  	_ =	shalt  }
0x6f: {  	_ =	shalt  }
0x70: {  	_ =	shalt  }
0x71: {  	_ =	shalt  }
0x72: {  	_ =	shalt  }
0x73: {  	_ =	shalt  }
0x74: {  	_ =	shalt  }
0x75: {  	_ =	shalt  }
0x76: {  	_ =	shalt  }
0x77: {  	_ =	shalt  }
0x78: {  	_ =	shalt  }
0x79: {  	_ =	shalt  }
0x7a: {  	_ =	shalt  }
0x7b: {  	_ =	shalt  }
0x7c: {  	_ =	shalt  }
0x7d: {  	_ =	shalt  }
0x7e: {  	_ =	shalt  }
0x7f: {  	_ =	shalt  }
0x80: {  	_ =	shalt  }
0x81: {  	_ =	shalt  }
0x82: {  	_ =	shalt  }
0x83: {  	_ =	shalt  }
0x84: {  	_ =	shalt  }
0x85: {  	_ =	shalt  }
0x86: {  	_ =	shalt  }
0x87: {  	_ =	shalt  }
.Lfunc_end0:
.L_simem_size_0:
called_computation_lowered:
.L_overlay_start_0:
0x88: {  	s2 =	sld [smem:$0x3FD9]  }
0x89: {  	s3 =	sld [smem:$0x3FFE];
	_ =	sdelay $0x1  }
0x8a: {  	s1 =	srdreg.scid  }
0x8b: {  	s0 =	sand.u32 $0x1, s1  }
0x8c: {  	s17 =	sshll.u32 s0, $0xA;
	s2 =	sadd.s32 s3, s2  }
0x8d: {  	s2 =	sadd.s32 s2, s17  }
0x8e: {  	[smem:$0x3FC4] =	sst s2  }
0x8f: {  	_ = 	snop  }
0x90: {  	s2 =	sld [smem:$0x3FC8]  }
0x91: {  	s18 =	sld [smem:$0x3FD0];
	(tm) =	ssettm $0x1  }
0x92: {  	s4 =	sld [smem:$0x3FFB];
	_ =	sdelay $0x3  }
0x93: {  	_ =	strace s4  }
0x94: {  	s4 =	sld [smem:$0x3FFC];
	_ =	sdelay $0x3  }
0x95: {  	_ =	strace s4  }
0x96: {  	s4 =	sld [smem:$0x3FFD];
	_ =	sdelay $0x3  }
0x97: {  	_ =	strace s4  }
0x98: {  	_ =	strace $0x8FFFFFFF  }
0x99: {  	s19 =	sld [smem:$0x3FDB];
	_ =	sdelay $0x1  }
0x9a: {  	s5 =	simm.s32 $_scs_section_size  }
0x9b: {  	s6 =	simm.s32 $_size__tile_overlayer_lowered;
	s7 =	simm.s32 $_tile_overlayer_lowered  }
0x9c: {  	s22 =	simm.s32 $0x1BFF;
	s21 =	sshll.u32 s7, $0x1;
	s4 =	sadd.s32 s5, s19  }
0x9d: {  	s8 =	simm.s32 $0x0;
	s20 =	sshll.u32 s6, $0x1;
	s6 =	sadd.s32 s21, s4  }
0x9e: {  	[timem:s8], [sflag:s22] =	dma.local [hbm:s6], s20  }
0x9f: {  	_ =	swait.ge [sflag:s22], s20  }
0xa0: {  	s5 =	ssub.s32 $0x0, s20;
	[sflag:s22] =	ssyncset.done $0x0  }
0xa1: {  	[sflag:s22] =	ssyncadd.s32 s5;
	_ =	sdelay $0x1  }
0xa2: {  	s23 =	simm.s32 $0x1B8B  }
0xa3: {  	_ =	swait.ge [sflag:s23], $0x1  }
0xa4: {  	[sflag:s23] =	ssyncset.done $0x0  }
0xa5: {  	s25 =	simm.s32 $0x1B8E;
	s24 =	sld [smem:$0x3FFE];
	[sflag:s23] =	ssyncadd.s32 $0xFFFFFFFF  }
0xa6: {  	s26 =	simm.s32 $execute0_lowered;
	[smem:$0x3FD2] =	sst s25  }
0xa7: {  	s6 =	sshll.u32 s26, $0x1;
	_ =	strace $0x80000046;
	[dreg:$0x1] =	wrdreg $0xFFFFFFFF  }
0xa8: {  	s28 =	simm.s32 $_size_execute0_lowered;
	s4 =	sadd.s32 s4, s6;
	[dreg:$0x0] =	wrdreg $0x0  }
0xa9: {  	s6 =	sshll.u32 s28, $0x1;
	[dreg:$0x2] =	wrdreg s4  }
0xaa: {  	[dreg:$0x3] =	wrdreg s6  }
0xab: {  	[dreg:$0x4] =	wrdreg $0xC0  }
0xac: {  	_ =	task [dreg:s8], $0x5FFFF  }
0xad: {  	[dreg:$0x1] =	wrdreg $0xFFFFFFFF  }
0xae: {  	[dreg:$0x0] =	wrdreg $0x60  }
0xaf: {  	[dreg:$0x2] =	wrdreg s18  }
0xb0: {  	[dreg:$0x3] =	wrdreg s2  }
0xb1: {  	[dreg:$0x4] =	wrdreg s24  }
0xb2: {  	[dreg:$0x5] =	wrdreg $0x5A000  }
0xb3: {  	[dreg:$0x6] =	wrdreg $0x9  }
0xb4: {  	_ =	task.clear_ibuf [dreg:s8], $0x7FFFF;
	_ =	strace $0x90000046  }
0xb5: {  	s29 =	simm.s32 $0x9;
	_ =	strace $0x80000048  }
0xb6: {  	_ =	swait.ge [sflag:s29], $0x1  }
0xb7: {  	[sflag:s29] =	ssyncadd.s32 $0xFFFFFFFF  }
0xb8: {  	_ =	strace $0x90000048  }
0xb9: {  	_ =	sfence  }
0xba: {  	s30 =	sld [smem:$0x0];
	_ =	sdelay $0x2  }
0xbb: {  	s31 =	sshll.u32 s1, $0xD;
	s1 =	sshrl.u32 s1, $0x2  }
0xbc: {  	s3 =	sand.u32 $0x4000, s31;
	s1 =	sadd.s32 s1, s30  }
0xbd: {  	s0 =	sor.u32 s3, s0;
	s1 =	sshll.u32 s1, $0x11  }
0xbe: {  	s0 =	sor.u32 s1, s0  }
0xbf: {  	s0 =	sadd.s32 $0x8F2B, s0  }
0xc0: {  	[sflag:s0] =	ssyncadd.remote.s32 $0x1  }
0xc1: {  	_ =	sfence.sel $0xFFFF  }
0xc2: {  	[dreg:$0x0] =	wrdreg $0xFFFFFFFF;
	(pc) =	sbr.abs _section_cstart, $3  }
0xc3: {  	[dreg:$0x1] =	wrdreg $0xFFFFFFFF  }
0xc4: {  	_ =	task.clear_ibuf [dreg:s8], $0x2FFFF;
	_ =	strace $0x9FFFFFFF  }
0xc5: {  	(tm) =	ssettm $0x7FFFFFFF  }
tec
execute0_lowered:
.L_overlay_start_1:
0x0: {  	(tag) =	ssettag $0x1  }
0x1: {  	s0 =	srdreg.scid;
	s23 =	stileid.u32  }
0x2: {  	s4 =	rddreg [dreg:$0x1];
	s10 =	smul.u32 $0xA00, s23  }
0x3: {  	s3 =	rddreg [dreg:$0x2];
	s2 =	sand.u32 $0x1, s0;
	s18 =	smul.u32 $0x500, s23  }
0x4: {  	s1 =	simm.s32 $0x0;
	s30 =	simm.s32 $0x1A00;
	s8 =	smul.u32 $0x30D40, s2  }
0x5: {  	s31 =	simm.s32 $0x2200;
	s16 =	sor.u32 $0x10, s23;
	s14 =	smul.u32 $0x186A00, s2  }
0x6: {  	s28 =	simm.s32 $0x600;
	s29 =	simm.s32 $0x700;
	s17 =	smul.u32 $0xA00, s16  }
0x7: {  	[smem:$0x7FF] =	sst s1;
	s21 =	sor.u32 $0x20, s23;
	s11 =	smul.u32 $0x5000, s2  }
0x8: {  	s22 =	sor.u32 $0x30, s23;
	s0 =	sshll.u32 s2, $0x4;
	s12 =	smul.u32 $0xA00, s21  }
0x9: {  	s6 =	ssub.s32 $0x2, s2;
	s19 =	smul.u32 $0xA00, s22;
	s0 =	sor.u32 s23, s0  }
0xa: {  	s9 =	sadd.s32 $0x1400, s3;
	s13 =	sshrl.u32 s6, $0x1;
	s5 =	smul.u32 $0xA0, s0  }
0xb: {  	s7 =	smul.u32 $0x500, s0;
	s0 =	ssub.s32 s6, s13;
	s6 =	sshrl.u32 s14, $0x3  }
0xc: {  	p0 =	sne.s32 s2, $0x0;
	s8 =	sadd.s32 s9, s8;
	s6 =	sadd.s32 s9, s6  }
0xd: {  	s10 =	sadd.s32 s8, s10;
	s26 =	sadd.s32 s8, s12;
	s0 =	smax.u32 s0, $0x1  }
0xe: {  	s24 =	sadd.s32 s4, s5;
	s15 =	sshrl.u32 s7, $0x3;
	[dreg:$0x6] =	wrdreg s10  }
0xf: {  	s5 =	sor.u32 $0x40, s23;
	s7 =	sadd.s32 s8, s17;
	[dreg:$0x8] =	wrdreg s26  }
0x10: {  	s10 =	sadd.s32 s8, s19;
	s6 =	sadd.s32 $0x30C00, s6;
	s20 =	sadd.s32 s4, s15  }
0x11: {  	s15 =	sadd.s32 s18, s11;
	[dreg:$0x7] =	wrdreg s7;
	s25 =	smul.u32 $0xA00, s5  }
0x12: {  	[dreg:$0x9] =	wrdreg s10;
	p1 =	slt.u32 s5, $0x4E;
	s9 =	sadd.s32 $0x14400, s15  }
0x13: {  	s10 =	sadd.s32 $0x14300, s15;
	s11 =	sadd.s32 $0x14200, s15;
	s12 =	sadd.s32 $0x14100, s15  }
0x14: {  	s18 =	sadd.s32 $0xA400, s15;
	s9 =	sshrl.u32 s9, $0x3;
	s7 =	sadd.s32 s8, s25  }
0x15: {  	s14 =	sshrl.u32 s12, $0x3;
	[dreg:$0xa] =	wrdreg s7;
	s9 =	sadd.s32 s9, s4  }
0x16: {  	s19 =	sadd.s32 $0xA300, s15;
	s17 =	sadd.s32 s14, s4;
	[dreg:$0xb] =	wrdreg s9  }
0x17: {  	s13 =	sshrl.u32 s11, $0x3;
	s7 =	sshrl.u32 s10, $0x3;
	[dreg:$0xe] =	wrdreg s17  }
0x18: {  	s25 =	sshrl.u32 s19, $0x3;
	s7 =	sadd.s32 s7, s4;
	s17 =	rddreg [dreg:$0x3]  }
0x19: {  	s10 =	sadd.s32 $0xA100, s15;
	[dreg:$0xc] =	wrdreg s7;
	s7 =	sadd.s32 s13, s4  }
0x1a: {  	s13 =	sadd.s32 $0xA200, s15;
	[dreg:$0xd] =	wrdreg s7;
	s7 =	sshrl.u32 s18, $0x3  }
0x1b: {  	s15 =	rddreg [dreg:$0x0];
	s26 =	sshrl.u32 s13, $0x3;
	s7 =	sadd.s32 s7, s4  }
0x1c: {  	s9 =	smul.u32 $0xA00, s2;
	s8 =	sadd.s32 s26, s4;
	[smem:$0x7F8] =	sst s7  }
0x1d: {  	s7 =	sadd.s32 s25, s4;
	[smem:$0x7FA] =	sst s8;
	s8 =	sshrl.u32 s10, $0x3  }
0x1e: {  	[smem:$0x7F9] =	sst s7;
	s7 =	sadd.s32 s9, s4;
	s4 =	sadd.s32 s8, s4  }
0x1f: {  	p2 =	sne.s32 @!p1 s23, $0xE;
	s11 =	sadd.s32 $0xA00, s3;
	[smem:$0x7FB] =	sst s4  }
0x20: {  	s13 =	sadd.s32 $0x20, s20;
	_ =	strace $0x80000047;
	[dreg:$0xf] =	wrdreg s11  }
0x21: {  	s19 =	smul.u32 $0xA0, s23;
	s14 =	sadd.s32 $0x40, s20;
	[dreg:$0x10] =	wrdreg s13  }
0x22: {  	s12 =	smul.u32 $0x14000, s16;
	s16 =	sadd.s32 $0x60, s20;
	[dreg:$0x11] =	wrdreg s14  }
0x23: {  	p2 =	por p2, p1;
	s18 =	sadd.s32 $0x186020, s20;
	[dreg:$0x12] =	wrdreg s16  }
0x24: {  	s12 =	sshrl.u32 s12, $0x2;
	s26 =	sadd.s32 $0x80, s20;
	[dreg:$0x13] =	wrdreg s18  }
0x25: {  	s19 =	sadd.s32 s19, s7;
	s7 =	sadd.s32 $0x186040, s20;
	[dreg:$0x14] =	wrdreg s26  }
0x26: {  	s25 =	smul.u32 $0x14000, s23;
	s8 =	sadd.s32 $0x186060, s20;
	[dreg:$0x15] =	wrdreg s7  }
0x27: {  	s2 =	simm.s32 $0x900;
	s9 =	sadd.s32 $0x186080, s20;
	[dreg:$0x16] =	wrdreg s8  }
0x28: {  	s10 =	smul.u32 $0x14000, s21;
	s3 =	sshrl.u32 s25, $0x2;
	[dreg:$0x17] =	wrdreg s9  }
0x29: {  	s25 =	sadd.s32 $0x186000, s17;
	s4 =	simm.s32 $0x4A00;
	[dreg:$0x18] =	wrdreg s6  }
0x2a: {  	[dreg:$0x19] =	wrdreg s0;
	s11 =	sadd.s32 s3, s17;
	s14 =	smul.u32 $0x14000, s22  }
0x2b: {  	s13 =	sshrl.u32 s10, $0x2;
	s16 =	smul.u32 $0x14000, s5;
	[smem:$0x7FC] =	sst s25  }
0x2c: {  	s18 =	sshll.u32 s23, $0x6;
	s0 =	sadd.s32 s12, s17;
	[dreg:$0x5] =	wrdreg s24  }
0x2d: {  	s26 =	sadd.s32 $0x186000, s24;
	s25 =	simm.s32 $0x1200;
	s5 =	simm.s32 $0x3200  }
0x2e: {  	s3 =	simm.s32 $0x3A00;
	s6 =	simm.s32 $0x4200;
	[dreg:$0x1a] =	wrdreg s11  }
0x2f: {  	s7 =	simm.s32 $0x5200;
	s24 =	simm.s32 $0x2;
	[dreg:$0x1c] =	wrdreg s0  }
0x30: {  	s10 =	sor.u32 $0x1C05, s18;
	s20 =	sadd.s32 s13, s17;
	[smem:$0x7FD] =	sst s26  }
0x31: {  	s11 =	simm.s32 $0x5;
	s26 =	simm.s32 $0x500;
	s18 =	simm.s32 $0x0  }
.Ltmp0:
0x32: {  	[dreg:$0x1d] =	wrdreg s20;
	s21 =	sshrl.u32 s14, $0x2;
	(pc) =	sbr.rel .LBB2_1-.Ltmp0, $4  }
0x33: {  	s22 =	sshrl.u32 s16, $0x2;
	s16 =	simm.s32 $0x2A00;
	s20 =	simm.s32 $0x1  }
0x34: {  	[dreg:$0x1b] =	wrdreg s10;
	s0 =	sadd.s32 s21, s17;
	s23 =	sadd.s32 s22, s17  }
0x35: {  	s21 =	simm.s32 $0x3;
	s22 =	simm.s32 $0x80;
	[dreg:$0x1e] =	wrdreg s0  }
0x36: {  	[dreg:$0x1f] =	wrdreg s23;
	s23 =	simm.s32 $0xA00;
	s0 =	simm.s32 $0x800  }
.LBB2_6:
0x37: {  	[bflag:$0x0] =	sbarrier.arrive $0xFFFF  }
0x38: {  	s9 =	sld [smem:$0x7F1];
	_ =	sdelay $0x1  }
0x39: {  	s8 =	rddreg [dreg:$0x6]  }
0x3a: {  	[hbm:s8], [sflag:s10] =	dma.local [spmem:s9], $0xA00  }
0x3b: {  	_ =	swait.ge [sflag:s11], $0xA00  }
0x3c: {  	s12 =	sld [smem:$0x7F2]  }
0x3d: {  	[sflag:s11] =	ssyncset.done $0x0  }
0x3e: {  	s9 =	rddreg [dreg:$0x7];
	[sflag:s11] =	ssyncadd.s32 $0xFFFFF600  }
0x3f: {  	[hbm:s9], [sflag:s10] =	dma.local [spmem:s12], $0xA00  }
0x40: {  	_ =	swait.ge [sflag:s11], $0xA00  }
0x41: {  	s14 =	sld [smem:$0x7F3]  }
0x42: {  	[sflag:s11] =	ssyncset.done $0x0  }
0x43: {  	s13 =	rddreg [dreg:$0x8];
	[sflag:s11] =	ssyncadd.s32 $0xFFFFF600  }
0x44: {  	[hbm:s13], [sflag:s10] =	dma.local [spmem:s14], $0xA00  }
0x45: {  	_ =	swait.ge [sflag:s11], $0xA00  }
0x46: {  	s13 =	sld [smem:$0x7F4]  }
0x47: {  	[sflag:s11] =	ssyncset.done $0x0  }
0x48: {  	s12 =	rddreg [dreg:$0x9];
	[sflag:s11] =	ssyncadd.s32 $0xFFFFF600  }
0x49: {  	[hbm:s12], [sflag:s10] =	dma.local [spmem:s13], $0xA00  }
0x4a: {  	_ =	swait.ge [sflag:s11], $0xA00  }
0x4b: {  	s9 =	sld [smem:$0x7F5]  }
0x4c: {  	[sflag:s11] =	ssyncset.done $0x0  }
0x4d: {  	s8 =	rddreg [dreg:$0xa];
	[sflag:s11] =	ssyncadd.s32 $0xFFFFF600  }
0x4e: {  	[hbm:s8], [sflag:s10] =	dma.local @p1 [spmem:s9], $0xA00  }
0x4f: {  	s8 =	simm.s32 @p1 $0x5  }
0x50: {  	_ =	swait.ge @p1 [sflag:s8], $0xA00  }
0x51: {  	s9 =	sld [smem:$0x7F6]  }
0x52: {  	s12 =	sld [smem:$0x7F7]  }
0x53: {  	[sflag:s8] =	ssyncset.done @p1 $0x0  }
0x54: {  	[sflag:s8] =	ssyncadd.s32 @p1 $0xFFFFF600;
	s8 =	rddreg [dreg:$0x18]  }
0x55: {  	[hbm:s8], [sflag:s9] =	dma.local @!p2 [spmem:s12], $0x140  }
0x56: {  	s8 =	simm.s32 @!p2 $0x4  }
0x57: {  	_ =	swait.ge @!p2 [sflag:s8], $0x140  }
0x58: {  	s18 =	sadd.s32 $0x1, s18;
	s14 =	rddreg [dreg:$0x19]  }
0x59: {  	p3 =	sne.s32 s18, s14  }
.Ltmp1:
0x5a: {  	_ = 	snop;
	(pc) =	sbr.rel @!p3 .LBB2_7-.Ltmp1, $3  }
0x5b: {  	_ =	sdelay $0x1  }
0x5c: {  	[sflag:s8] =	ssyncset.done @!p2 $0x0  }
0x5d: {  	[sflag:s8] =	ssyncadd.s32 @!p2 $0xFFFFFEC0  }
.LBB2_1:
0x5e: {  	[smem:$0x7F0] =	sst s18  }
0x5f: {  	s8 =	rddreg [dreg:$0x1a]  }
0x60: {  	s9 =	rddreg [dreg:$0xf];
	s8 =	sshrl.u32 s8, $0x3  }
0x61: {  	[smem:$0x7F1] =	sst s8  }
0x62: {  	[spmem:s8], [sflag:s10] =	dma.local [hbm:s9], $0xA00  }
0x63: {  	_ =	swait.ge [sflag:s11], $0xA00  }
0x64: {  	s13 =	rddreg [dreg:$0x1c]  }
0x65: {  	[sflag:s11] =	ssyncset.done $0x0;
	s8 =	sshrl.u32 s13, $0x3  }
0x66: {  	[sflag:s11] =	ssyncadd.s32 $0xFFFFF600;
	[smem:$0x7F2] =	sst s8  }
0x67: {  	[spmem:s8], [sflag:s10] =	dma.local [hbm:s9], $0xA00  }
0x68: {  	_ =	swait.ge [sflag:s11], $0xA00  }
0x69: {  	s14 =	rddreg [dreg:$0x1d]  }
0x6a: {  	[sflag:s11] =	ssyncset.done $0x0;
	s8 =	sshrl.u32 s14, $0x3  }
0x6b: {  	[sflag:s11] =	ssyncadd.s32 $0xFFFFF600;
	[smem:$0x7F3] =	sst s8  }
0x6c: {  	[spmem:s8], [sflag:s10] =	dma.local [hbm:s9], $0xA00  }
0x6d: {  	_ =	swait.ge [sflag:s11], $0xA00  }
0x6e: {  	s18 =	rddreg [dreg:$0x1e]  }
0x6f: {  	[sflag:s11] =	ssyncset.done $0x0;
	s8 =	sshrl.u32 s18, $0x3  }
0x70: {  	[sflag:s11] =	ssyncadd.s32 $0xFFFFF600;
	[smem:$0x7F4] =	sst s8  }
0x71: {  	[spmem:s8], [sflag:s10] =	dma.local [hbm:s9], $0xA00  }
0x72: {  	_ =	swait.ge [sflag:s11], $0xA00  }
0x73: {  	s8 =	rddreg [dreg:$0x1f]  }
0x74: {  	[sflag:s11] =	ssyncset.done $0x0;
	s8 =	sshrl.u32 @p1 s8, $0x3  }
0x75: {  	[sflag:s11] =	ssyncadd.s32 $0xFFFFF600;
	[smem:$0x7F5] =	sst s8  }
0x76: {  	[spmem:s8], [sflag:s10] =	dma.local @p1 [hbm:s9], $0xA00  }
0x77: {  	s10 =	simm.s32 @p1 $0x5  }
0x78: {  	s8 =	stileid.u32;
	_ =	swait.ge @p1 [sflag:s10], $0xA00  }
0x79: {  	s8 =	sshll.u32 @!p2 s8, $0x6;
	[sflag:s10] =	ssyncset.done @p1 $0x0  }
0x7a: {  	[sflag:s10] =	ssyncadd.s32 @p1 $0xFFFFF600;
	s10 =	sor.u32 @!p2 $0x1C04, s8;
	s8 =	sld [smem:$0x7FC]  }
0x7b: {  	_ =	sdelay $0x1  }
0x7c: {  	[smem:$0x7F6] =	sst s10;
	s8 =	sshrl.u32 @!p2 s8, $0x3  }
0x7d: {  	[smem:$0x7F7] =	sst s8  }
0x7e: {  	[spmem:s8], [sflag:s10] =	dma.local @!p2 [hbm:s9], $0x140  }
0x7f: {  	s8 =	simm.s32 @!p2 $0x4  }
0x80: {  	_ =	swait.ge @!p2 [sflag:s8], $0x140  }
0x81: {  	[sflag:s8] =	ssyncset.done @!p2 $0x0  }
0x82: {  	[sflag:s8] =	ssyncadd.s32 @!p2 $0xFFFFFEC0  }
0x83: {  	[bflag:$0x0] =	sbarrier.arrive $0xFFFF  }
0x84: {  	s11 =	rddreg [dreg:$0x5]  }
0x85: {  	[tilespmem:s1], [sflag:$0x3] =	stream.linear.gather [hbm4b:s11+s1], $0x100, $0x38;
	[tilespmem:$0x1E0A0] =	vst v63  }
0x86: {  	s9 =	simm.s32 $0x100;
	s12 =	rddreg [dreg:$0x10]  }
0x87: {  	[tilespmem:s9], [sflag:$0x3] =	stream.linear.gather [hbm4b:s12+s1], $0x100, $0x38;
	[tilespmem:$0x1E0A0] =	vst v63  }
0x88: {  	s10 =	simm.s32 $0x200;
	s13 =	rddreg [dreg:$0x11]  }
0x89: {  	[tilespmem:s10], [sflag:$0x3] =	stream.linear.gather [hbm4b:s13+s1], $0x100, $0x38;
	[tilespmem:$0x1E0A0] =	vst v63  }
0x8a: {  	s14 =	rddreg [dreg:$0x12];
	s11 =	simm.s32 $0x300  }
0x8b: {  	[tilespmem:s11], [sflag:$0x3] =	stream.linear.gather [hbm4b:s14+s1], $0x100, $0x38;
	[tilespmem:$0x1E0A0] =	vst v63  }
0x8c: {  	s18 =	rddreg [dreg:$0x14];
	s12 =	simm.s32 $0x400  }
0x8d: {  	[tilespmem:s12], [sflag:$0x3] =	stream.linear.gather [hbm4b:s18+s1], $0x100, $0x38;
	[tilespmem:$0x1E0A0] =	vst v63  }
0x8e: {  	_ =	swait.ge [sflag:s21], $0x100  }
0x8f: {  	[sflag:s21] =	ssyncset.done $0x0  }
0x90: {  	[sflag:s21] =	ssyncadd.s32 $0xFFFFFF00  }
0x91: {  	_ =	swait.ge [sflag:s21], $0x100  }
0x92: {  	[sflag:s21] =	ssyncset.done $0x0  }
0x93: {  	[sflag:s21] =	ssyncadd.s32 $0xFFFFFF00  }
0x94: {  	_ =	swait.ge [sflag:s21], $0x100  }
0x95: {  	[sflag:s21] =	ssyncset.done $0x0  }
0x96: {  	[sflag:s21] =	ssyncadd.s32 $0xFFFFFF00  }
0x97: {  	_ =	swait.ge [sflag:s21], $0x100  }
0x98: {  	[sflag:s21] =	ssyncset.done $0x0  }
0x99: {  	[sflag:s21] =	ssyncadd.s32 $0xFFFFFF00  }
0x9a: {  	_ =	swait.ge [sflag:s21], $0x100  }
0x9b: {  	[sflag:s21] =	ssyncset.done $0x0  }
0x9c: {  	[sflag:s21] =	ssyncadd.s32 $0xFFFFFF00  }
0x9d: {  	[tilespmem:s23], [sflag:$0x1] =	stream.indirect.gather [hbm4b:s15+s22], $0x10, s1, s22, $0xb8;
	[tilespmem:$0x1E0A0] =	vst v63  }
0x9e: {  	_ = 	snop  }
0x9f: {  	[tilespmem:s25], [sflag:$0x1] =	stream.indirect.gather [hbm4b:s15+s22], $0x10, s9, s22, $0xb8;
	[tilespmem:$0x1E0A0] =	vst v63  }
0xa0: {  	_ = 	snop  }
0xa1: {  	[tilespmem:s30], [sflag:$0x1] =	stream.indirect.gather [hbm4b:s15+s22], $0x10, s10, s22, $0xb8;
	[tilespmem:$0x1E0A0] =	vst v63  }
0xa2: {  	_ = 	snop  }
0xa3: {  	[tilespmem:s31], [sflag:$0x1] =	stream.indirect.gather [hbm4b:s15+s22], $0x10, s11, s22, $0xb8;
	[tilespmem:$0x1E0A0] =	vst v63  }
0xa4: {  	s8 =	simm.s32 $0x400;
	s13 =	simm.s32 $0x200;
	s14 =	simm.s32 $0x300  }
0xa5: {  	[tilespmem:s16], [sflag:$0x1] =	stream.indirect.gather [hbm4b:s15+s22], $0x10, s8, s22, $0xb8;
	[tilespmem:$0x1E0A0] =	vst v63  }
0xa6: {  	s12 =	simm.s32 $0x100;
	s18 =	simm.s32 $0x400;
	s8 =	simm.s32 $0x0  }
.LBB2_2:
0xa7: {  	p3 =	seq.s32 s8, $0x0  }
0xa8: {  	s9 =	simm.s32 @!p3 $0x2  }
0xa9: {  	_ =	swait.ge @!p3 [sflag:s9], $0x800  }
0xaa: {  	[sflag:s9] =	ssyncset.done @!p3 $0x0  }
0xab: {  	[sflag:s9] =	ssyncadd.s32 @!p3 $0xFFFFF800  }
0xac: {  	_ =	swait.ge @!p3 [sflag:s9], $0x800  }
0xad: {  	[sflag:s9] =	ssyncset.done @!p3 $0x0  }
0xae: {  	[sflag:s9] =	ssyncadd.s32 @!p3 $0xFFFFF800  }
0xaf: {  	_ =	swait.ge @!p3 [sflag:s9], $0x800  }
0xb0: {  	[sflag:s9] =	ssyncset.done @!p3 $0x0  }
0xb1: {  	[sflag:s9] =	ssyncadd.s32 @!p3 $0xFFFFF800  }
0xb2: {  	_ =	swait.ge @!p3 [sflag:s9], $0x800  }
0xb3: {  	[sflag:s9] =	ssyncset.done @!p3 $0x0  }
0xb4: {  	[sflag:s9] =	ssyncadd.s32 @!p3 $0xFFFFF800  }
0xb5: {  	_ =	swait.ge @!p3 [sflag:s9], $0x800  }
0xb6: {  	s10 =	sadd.s32 s8, s19;
	[sflag:s9] =	ssyncset.done @!p3 $0x0  }
0xb7: {  	s10 =	sadd.s32 $0x1400, s10;
	s11 =	sld [smem:$0x7FB];
	[sflag:s9] =	ssyncadd.s32 @!p3 $0xFFFFF800  }
0xb8: {  	[tilespmem:s26], [sflag:$0x3] =	stream.linear.gather [hbm4b:s10+s1], $0x100, $0x38;
	[tilespmem:$0x1E0A0] =	vst v63  }
0xb9: {  	s10 =	sld [smem:$0x7FA]  }
0xba: {  	s9 =	sadd.s32 s8, s11;
	s11 =	sld [smem:$0x7F9]  }
0xbb: {  	[tilespmem:s28], [sflag:$0x3] =	stream.linear.gather [hbm4b:s9+s1], $0x100, $0x38;
	[tilespmem:$0x1E0A0] =	vst v63  }
0xbc: {  	s9 =	sadd.s32 s8, s10;
	s10 =	sld [smem:$0x7F8]  }
0xbd: {  	[tilespmem:s29], [sflag:$0x3] =	stream.linear.gather [hbm4b:s9+s1], $0x100, $0x38;
	[tilespmem:$0x1E0A0] =	vst v63  }
0xbe: {  	s9 =	sadd.s32 s8, s11  }
0xbf: {  	[tilespmem:s0], [sflag:$0x3] =	stream.linear.gather [hbm4b:s9+s1], $0x100, $0x38;
	[tilespmem:$0x1E0A0] =	vst v63  }
0xc0: {  	s9 =	sadd.s32 s8, s10  }
0xc1: {  	[tilespmem:s2], [sflag:$0x3] =	stream.linear.gather [hbm4b:s9+s1], $0x100, $0x38;
	[tilespmem:$0x1E0A0] =	vst v63  }
0xc2: {  	_ =	swait.ge [sflag:s20], $0x800  }
0xc3: {  	[sflag:s20] =	ssyncset.done $0x0  }
0xc4: {  	[sflag:s20] =	ssyncadd.s32 $0xFFFFF800  }
0xc5: {  	_ =	swait.ge [sflag:s20], $0x800  }
0xc6: {  	[sflag:s20] =	ssyncset.done $0x0  }
0xc7: {  	[sflag:s20] =	ssyncadd.s32 $0xFFFFF800  }
0xc8: {  	_ =	swait.ge [sflag:s20], $0x800  }
0xc9: {  	[sflag:s20] =	ssyncset.done $0x0  }
0xca: {  	[sflag:s20] =	ssyncadd.s32 $0xFFFFF800  }
0xcb: {  	_ =	swait.ge [sflag:s20], $0x800  }
0xcc: {  	[sflag:s20] =	ssyncset.done $0x0  }
0xcd: {  	[sflag:s20] =	ssyncadd.s32 $0xFFFFF800  }
0xce: {  	_ =	swait.ge [sflag:s20], $0x800  }
0xcf: {  	[sflag:s20] =	ssyncset.done $0x0  }
0xd0: {  	[sflag:s20] =	ssyncadd.s32 $0xFFFFF800  }
0xd1: {  	[spmem:s17] =	stream.indirect.scatter.add.f32 [tilespmem:s23], [sflag:$0x2], $0x10, s22, s22, $0xb8;
	[tilespmem:$0x1E0A0] =	vst v63  }
0xd2: {  	s11 =	simm.s32 $0x180  }
0xd3: {  	[spmem:s17] =	stream.indirect.scatter.add.f32 [tilespmem:s25], [sflag:$0x2], $0x10, s11, s22, $0xb8;
	[tilespmem:$0x1E0A0] =	vst v63  }
0xd4: {  	s10 =	simm.s32 $0x280  }
0xd5: {  	[spmem:s17] =	stream.indirect.scatter.add.f32 [tilespmem:s30], [sflag:$0x2], $0x10, s10, s22, $0xb8;
	[tilespmem:$0x1E0A0] =	vst v63  }
0xd6: {  	s11 =	simm.s32 $0x380  }
0xd7: {  	[spmem:s17] =	stream.indirect.scatter.add.f32 [tilespmem:s31], [sflag:$0x2], $0x10, s11, s22, $0xb8;
	[tilespmem:$0x1E0A0] =	vst v63  }
0xd8: {  	s10 =	simm.s32 $0x480  }
0xd9: {  	[spmem:s17] =	stream.indirect.scatter.add.f32 [tilespmem:s16], [sflag:$0x2], $0x10, s10, s22, $0xb8;
	[tilespmem:$0x1E0A0] =	vst v63  }
0xda: {  	_ =	swait.ge [sflag:s21], $0x100  }
0xdb: {  	[sflag:s21] =	ssyncset.done $0x0  }
0xdc: {  	[sflag:s21] =	ssyncadd.s32 $0xFFFFFF00  }
0xdd: {  	_ =	swait.ge [sflag:s21], $0x100  }
0xde: {  	[sflag:s21] =	ssyncset.done $0x0  }
0xdf: {  	[sflag:s21] =	ssyncadd.s32 $0xFFFFFF00  }
0xe0: {  	_ =	swait.ge [sflag:s21], $0x100  }
0xe1: {  	[sflag:s21] =	ssyncset.done $0x0  }
0xe2: {  	[sflag:s21] =	ssyncadd.s32 $0xFFFFFF00  }
0xe3: {  	_ =	swait.ge [sflag:s21], $0x100  }
0xe4: {  	[sflag:s21] =	ssyncset.done $0x0  }
0xe5: {  	[sflag:s21] =	ssyncadd.s32 $0xFFFFFF00  }
0xe6: {  	_ =	swait.ge [sflag:s21], $0x100  }
0xe7: {  	[sflag:s21] =	ssyncset.done $0x0  }
0xe8: {  	[sflag:s21] =	ssyncadd.s32 $0xFFFFFF00  }
0xe9: {  	[tilespmem:s5], [sflag:$0x1] =	stream.indirect.gather [hbm4b:s15+s22], $0x10, s26, s22, $0xb8;
	[tilespmem:$0x1E0A0] =	vst v63  }
0xea: {  	_ = 	snop  }
0xeb: {  	[tilespmem:s3], [sflag:$0x1] =	stream.indirect.gather [hbm4b:s15+s22], $0x10, s28, s22, $0xb8;
	[tilespmem:$0x1E0A0] =	vst v63  }
0xec: {  	_ = 	snop  }
0xed: {  	[tilespmem:s6], [sflag:$0x1] =	stream.indirect.gather [hbm4b:s15+s22], $0x10, s29, s22, $0xb8;
	[tilespmem:$0x1E0A0] =	vst v63  }
0xee: {  	_ = 	snop  }
0xef: {  	[tilespmem:s4], [sflag:$0x1] =	stream.indirect.gather [hbm4b:s15+s22], $0x10, s0, s22, $0xb8;
	[tilespmem:$0x1E0A0] =	vst v63  }
0xf0: {  	_ = 	snop  }
0xf1: {  	[tilespmem:s7], [sflag:$0x1] =	stream.indirect.gather [hbm4b:s15+s22], $0x10, s2, s22, $0xb8;
	[tilespmem:$0x1E0A0] =	vst v63  }
0xf2: {  	_ =	swait.ge [sflag:s24], $0x800  }
0xf3: {  	[sflag:s24] =	ssyncset.done $0x0  }
0xf4: {  	[sflag:s24] =	ssyncadd.s32 $0xFFFFF800  }
0xf5: {  	_ =	swait.ge [sflag:s24], $0x800  }
0xf6: {  	[sflag:s24] =	ssyncset.done $0x0  }
0xf7: {  	[sflag:s24] =	ssyncadd.s32 $0xFFFFF800  }
0xf8: {  	_ =	swait.ge [sflag:s24], $0x800  }
0xf9: {  	[sflag:s24] =	ssyncset.done $0x0  }
0xfa: {  	[sflag:s24] =	ssyncadd.s32 $0xFFFFF800  }
0xfb: {  	_ =	swait.ge [sflag:s24], $0x800  }
0xfc: {  	[sflag:s24] =	ssyncset.done $0x0  }
0xfd: {  	[sflag:s24] =	ssyncadd.s32 $0xFFFFF800  }
0xfe: {  	p3 =	seq.s32 s8, $0x183800;
	_ =	swait.ge [sflag:s24], $0x800  }
0xff: {  	s9 =	sadd.s32 @!p3 s8, s19;
	[sflag:s24] =	ssyncset.done $0x0  }
0x100: {  	s9 =	sadd.s32 @!p3 $0x2800, s9;
	s10 =	simm.s32 @!p3 $0x0;
	[sflag:s24] =	ssyncadd.s32 $0xFFFFF800  }
0x101: {  	[tilespmem:s10], [sflag:$0x3] =	stream.linear.gather @!p3 [hbm4b:s9+s10], $0x100, $0x38;
	[tilespmem:$0x1E0A0] =	vst v63  }
0x102: {  	s9 =	rddreg [dreg:$0xe]  }
0x103: {  	s11 =	simm.s32 @!p3 $0x100;
	s9 =	sadd.s32 @!p3 s8, s9  }
0x104: {  	[tilespmem:s11], [sflag:$0x3] =	stream.linear.gather @!p3 [hbm4b:s9+s10], $0x100, $0x38;
	[tilespmem:$0x1E0A0] =	vst v63  }
0x105: {  	s9 =	rddreg [dreg:$0xd]  }
0x106: {  	s11 =	simm.s32 @!p3 $0x200;
	s9 =	sadd.s32 @!p3 s8, s9  }
0x107: {  	[tilespmem:s11], [sflag:$0x3] =	stream.linear.gather @!p3 [hbm4b:s9+s10], $0x100, $0x38;
	[tilespmem:$0x1E0A0] =	vst v63  }
0x108: {  	s9 =	rddreg [dreg:$0xc]  }
0x109: {  	s11 =	simm.s32 @!p3 $0x300;
	s9 =	sadd.s32 @!p3 s8, s9  }
0x10a: {  	[tilespmem:s11], [sflag:$0x3] =	stream.linear.gather @!p3 [hbm4b:s9+s10], $0x100, $0x38;
	[tilespmem:$0x1E0A0] =	vst v63  }
0x10b: {  	s9 =	rddreg [dreg:$0xb]  }
0x10c: {  	s11 =	simm.s32 @!p3 $0x400;
	s9 =	sadd.s32 @!p3 s8, s9  }
0x10d: {  	[tilespmem:s11], [sflag:$0x3] =	stream.linear.gather @!p3 [hbm4b:s9+s10], $0x100, $0x38;
	[tilespmem:$0x1E0A0] =	vst v63  }
0x10e: {  	_ =	swait.ge [sflag:s20], $0x800  }
0x10f: {  	[sflag:s20] =	ssyncset.done $0x0  }
0x110: {  	[sflag:s20] =	ssyncadd.s32 $0xFFFFF800  }
0x111: {  	_ =	swait.ge [sflag:s20], $0x800  }
0x112: {  	[sflag:s20] =	ssyncset.done $0x0  }
0x113: {  	[sflag:s20] =	ssyncadd.s32 $0xFFFFF800  }
0x114: {  	_ =	swait.ge [sflag:s20], $0x800  }
0x115: {  	[sflag:s20] =	ssyncset.done $0x0  }
0x116: {  	[sflag:s20] =	ssyncadd.s32 $0xFFFFF800  }
0x117: {  	_ =	swait.ge [sflag:s20], $0x800  }
0x118: {  	[sflag:s20] =	ssyncset.done $0x0  }
0x119: {  	[sflag:s20] =	ssyncadd.s32 $0xFFFFF800  }
0x11a: {  	_ =	swait.ge [sflag:s20], $0x800  }
0x11b: {  	[sflag:s20] =	ssyncset.done $0x0  }
0x11c: {  	s11 =	simm.s32 $0x580;
	[sflag:s20] =	ssyncadd.s32 $0xFFFFF800  }
0x11d: {  	[spmem:s17] =	stream.indirect.scatter.add.f32 [tilespmem:s5], [sflag:$0x2], $0x10, s11, s22, $0xb8;
	[tilespmem:$0x1E0A0] =	vst v63  }
0x11e: {  	s10 =	simm.s32 $0x680  }
0x11f: {  	[spmem:s17] =	stream.indirect.scatter.add.f32 [tilespmem:s3], [sflag:$0x2], $0x10, s10, s22, $0xb8;
	[tilespmem:$0x1E0A0] =	vst v63  }
0x120: {  	s11 =	simm.s32 $0x780  }
0x121: {  	[spmem:s17] =	stream.indirect.scatter.add.f32 [tilespmem:s6], [sflag:$0x2], $0x10, s11, s22, $0xb8;
	[tilespmem:$0x1E0A0] =	vst v63  }
.Ltmp2:
0x122: {  	_ = 	snop;
	(pc) =	sbr.rel @p3 .LBB2_4-.Ltmp2, $4  }
0x123: {  	s10 =	simm.s32 $0x880  }
0x124: {  	[spmem:s17] =	stream.indirect.scatter.add.f32 [tilespmem:s4], [sflag:$0x2], $0x10, s10, s22, $0xb8;
	[tilespmem:$0x1E0A0] =	vst v63  }
0x125: {  	s11 =	simm.s32 $0x980  }
0x126: {  	[spmem:s17] =	stream.indirect.scatter.add.f32 [tilespmem:s7], [sflag:$0x2], $0x10, s11, s22, $0xb8;
	[tilespmem:$0x1E0A0] =	vst v63  }
0x127: {  	_ =	swait.ge [sflag:s21], $0x100  }
0x128: {  	[sflag:s21] =	ssyncset.done $0x0  }
0x129: {  	[sflag:s21] =	ssyncadd.s32 $0xFFFFFF00  }
0x12a: {  	_ =	swait.ge [sflag:s21], $0x100  }
0x12b: {  	[sflag:s21] =	ssyncset.done $0x0  }
0x12c: {  	[sflag:s21] =	ssyncadd.s32 $0xFFFFFF00  }
0x12d: {  	_ =	swait.ge [sflag:s21], $0x100  }
0x12e: {  	[sflag:s21] =	ssyncset.done $0x0  }
0x12f: {  	[sflag:s21] =	ssyncadd.s32 $0xFFFFFF00  }
0x130: {  	_ =	swait.ge [sflag:s21], $0x100  }
0x131: {  	[sflag:s21] =	ssyncset.done $0x0  }
0x132: {  	[sflag:s21] =	ssyncadd.s32 $0xFFFFFF00  }
0x133: {  	_ =	swait.ge [sflag:s21], $0x100  }
0x134: {  	[sflag:s21] =	ssyncset.done $0x0  }
0x135: {  	[sflag:s21] =	ssyncadd.s32 $0xFFFFFF00  }
0x136: {  	[tilespmem:s23], [sflag:$0x1] =	stream.indirect.gather [hbm4b:s15+s22], $0x10, s1, s22, $0xb8;
	[tilespmem:$0x1E0A0] =	vst v63  }
0x137: {  	_ = 	snop  }
0x138: {  	[tilespmem:s25], [sflag:$0x1] =	stream.indirect.gather [hbm4b:s15+s22], $0x10, s12, s22, $0xb8;
	[tilespmem:$0x1E0A0] =	vst v63  }
0x139: {  	_ = 	snop  }
0x13a: {  	[tilespmem:s30], [sflag:$0x1] =	stream.indirect.gather [hbm4b:s15+s22], $0x10, s13, s22, $0xb8;
	[tilespmem:$0x1E0A0] =	vst v63  }
.Ltmp3:
0x13b: {  	_ = 	snop;
	(pc) =	sbr.rel .LBB2_2-.Ltmp3, $4  }
0x13c: {  	_ = 	snop  }
0x13d: {  	[tilespmem:s31], [sflag:$0x1] =	stream.indirect.gather [hbm4b:s15+s22], $0x10, s14, s22, $0xb8;
	[tilespmem:$0x1E0A0] =	vst v63  }
0x13e: {  	s8 =	sadd.s32 $0x2800, s8  }
0x13f: {  	[tilespmem:s16], [sflag:$0x1] =	stream.indirect.gather [hbm4b:s15+s22], $0x10, s18, s22, $0xb8;
	[tilespmem:$0x1E0A0] =	vst v63  }
.LBB2_4:
0x140: {  	_ =	swait.ge [sflag:s24], $0x800  }
0x141: {  	[sflag:s24] =	ssyncset.done $0x0  }
0x142: {  	[sflag:s24] =	ssyncadd.s32 $0xFFFFF800  }
0x143: {  	_ =	swait.ge [sflag:s24], $0x800  }
0x144: {  	[sflag:s24] =	ssyncset.done $0x0  }
0x145: {  	[sflag:s24] =	ssyncadd.s32 $0xFFFFF800  }
0x146: {  	_ =	swait.ge [sflag:s24], $0x800  }
0x147: {  	[sflag:s24] =	ssyncset.done $0x0  }
0x148: {  	[sflag:s24] =	ssyncadd.s32 $0xFFFFF800  }
0x149: {  	_ =	swait.ge [sflag:s24], $0x800  }
.Ltmp4:
0x14a: {  	[sflag:s24] =	ssyncset.done $0x0;
	(pc) =	sbr.rel @p0 .LBB2_6-.Ltmp4, $4  }
0x14b: {  	[sflag:s24] =	ssyncadd.s32 $0xFFFFF800  }
0x14c: {  	_ =	swait.ge [sflag:s24], $0x800  }
0x14d: {  	[sflag:s24] =	ssyncset.done $0x0;
	s10 =	rddreg [dreg:$0x1b]  }
0x14e: {  	s11 =	simm.s32 $0x5;
	s18 =	sld [smem:$0x7F0];
	[sflag:s24] =	ssyncadd.s32 $0xFFFFF800  }
0x14f: {  	s8 =	sld [smem:$0x7FD];
	_ =	sdelay $0x2  }
0x150: {  	[tilespmem:s1], [sflag:$0x3] =	stream.linear.gather [hbm4b:s8+s1], $0x100, $0x38;
	[tilespmem:$0x1E0A0] =	vst v63  }
0x151: {  	s12 =	rddreg [dreg:$0x13];
	s9 =	simm.s32 $0x100  }
0x152: {  	[tilespmem:s9], [sflag:$0x3] =	stream.linear.gather [hbm4b:s12+s1], $0x100, $0x38;
	[tilespmem:$0x1E0A0] =	vst v63  }
0x153: {  	s13 =	rddreg [dreg:$0x15];
	s12 =	simm.s32 $0x200  }
0x154: {  	[tilespmem:s12], [sflag:$0x3] =	stream.linear.gather [hbm4b:s13+s1], $0x100, $0x38;
	[tilespmem:$0x1E0A0] =	vst v63  }
0x155: {  	s14 =	rddreg [dreg:$0x16];
	s13 =	simm.s32 $0x300  }
0x156: {  	[tilespmem:s13], [sflag:$0x3] =	stream.linear.gather [hbm4b:s14+s1], $0x100, $0x38;
	[tilespmem:$0x1E0A0] =	vst v63  }
0x157: {  	s8 =	rddreg [dreg:$0x17];
	s14 =	simm.s32 $0x400  }
0x158: {  	[tilespmem:s14], [sflag:$0x3] =	stream.linear.gather [hbm4b:s8+s1], $0x100, $0x38;
	[tilespmem:$0x1E0A0] =	vst v63  }
0x159: {  	_ =	swait.ge [sflag:s21], $0x100  }
0x15a: {  	[sflag:s21] =	ssyncset.done $0x0  }
0x15b: {  	[sflag:s21] =	ssyncadd.s32 $0xFFFFFF00  }
0x15c: {  	_ =	swait.ge [sflag:s21], $0x100  }
0x15d: {  	[sflag:s21] =	ssyncset.done $0x0  }
0x15e: {  	[sflag:s21] =	ssyncadd.s32 $0xFFFFFF00  }
0x15f: {  	_ =	swait.ge [sflag:s21], $0x100  }
0x160: {  	[sflag:s21] =	ssyncset.done $0x0  }
0x161: {  	[sflag:s21] =	ssyncadd.s32 $0xFFFFFF00  }
0x162: {  	_ =	swait.ge [sflag:s21], $0x100  }
0x163: {  	[sflag:s21] =	ssyncset.done $0x0  }
0x164: {  	[sflag:s21] =	ssyncadd.s32 $0xFFFFFF00  }
0x165: {  	_ =	swait.ge [sflag:s21], $0x100  }
0x166: {  	[sflag:s21] =	ssyncset.done $0x0  }
0x167: {  	[sflag:s21] =	ssyncadd.s32 $0xFFFFFF00  }
0x168: {  	[tilespmem:s23], [sflag:$0x1] =	stream.indirect.gather [hbm4b:s15+s22], $0x10, s1, s22, $0xb8;
	[tilespmem:$0x1E0A0] =	vst v63  }
0x169: {  	_ = 	snop  }
0x16a: {  	[tilespmem:s25], [sflag:$0x1] =	stream.indirect.gather [hbm4b:s15+s22], $0x10, s9, s22, $0xb8;
	[tilespmem:$0x1E0A0] =	vst v63  }
0x16b: {  	_ = 	snop  }
0x16c: {  	[tilespmem:s30], [sflag:$0x1] =	stream.indirect.gather [hbm4b:s15+s22], $0x10, s12, s22, $0xb8;
	[tilespmem:$0x1E0A0] =	vst v63  }
0x16d: {  	_ = 	snop  }
0x16e: {  	[tilespmem:s31], [sflag:$0x1] =	stream.indirect.gather [hbm4b:s15+s22], $0x10, s13, s22, $0xb8;
	[tilespmem:$0x1E0A0] =	vst v63  }
0x16f: {  	_ = 	snop  }
0x170: {  	[tilespmem:s16], [sflag:$0x1] =	stream.indirect.gather [hbm4b:s15+s22], $0x10, s14, s22, $0xb8;
	[tilespmem:$0x1E0A0] =	vst v63  }
0x171: {  	_ =	swait.ge [sflag:s20], $0x800  }
0x172: {  	[sflag:s20] =	ssyncset.done $0x0  }
0x173: {  	[sflag:s20] =	ssyncadd.s32 $0xFFFFF800  }
0x174: {  	_ =	swait.ge [sflag:s20], $0x800  }
0x175: {  	[sflag:s20] =	ssyncset.done $0x0  }
0x176: {  	[sflag:s20] =	ssyncadd.s32 $0xFFFFF800  }
0x177: {  	_ =	swait.ge [sflag:s20], $0x800  }
0x178: {  	[sflag:s20] =	ssyncset.done $0x0  }
0x179: {  	[sflag:s20] =	ssyncadd.s32 $0xFFFFF800  }
0x17a: {  	_ =	swait.ge [sflag:s20], $0x800  }
0x17b: {  	[sflag:s20] =	ssyncset.done $0x0  }
0x17c: {  	[sflag:s20] =	ssyncadd.s32 $0xFFFFF800  }
0x17d: {  	_ =	swait.ge [sflag:s20], $0x800  }
0x17e: {  	[sflag:s20] =	ssyncset.done $0x0  }
0x17f: {  	[sflag:s20] =	ssyncadd.s32 $0xFFFFF800  }
0x180: {  	[spmem:s17] =	stream.indirect.scatter.add.f32 [tilespmem:s23], [sflag:$0x2], $0x10, s22, s22, $0xb8;
	[tilespmem:$0x1E0A0] =	vst v63  }
0x181: {  	s9 =	simm.s32 $0x180  }
0x182: {  	[spmem:s17] =	stream.indirect.scatter.add.f32 [tilespmem:s25], [sflag:$0x2], $0x10, s9, s22, $0xb8;
	[tilespmem:$0x1E0A0] =	vst v63  }
0x183: {  	s12 =	simm.s32 $0x280  }
0x184: {  	[spmem:s17] =	stream.indirect.scatter.add.f32 [tilespmem:s30], [sflag:$0x2], $0x10, s12, s22, $0xb8;
	[tilespmem:$0x1E0A0] =	vst v63  }
0x185: {  	s13 =	simm.s32 $0x380  }
0x186: {  	[spmem:s17] =	stream.indirect.scatter.add.f32 [tilespmem:s31], [sflag:$0x2], $0x10, s13, s22, $0xb8;
	[tilespmem:$0x1E0A0] =	vst v63  }
0x187: {  	s14 =	simm.s32 $0x480  }
0x188: {  	[spmem:s17] =	stream.indirect.scatter.add.f32 [tilespmem:s16], [sflag:$0x2], $0x10, s14, s22, $0xb8;
	[tilespmem:$0x1E0A0] =	vst v63  }
0x189: {  	_ =	swait.ge [sflag:s24], $0x800  }
0x18a: {  	[sflag:s24] =	ssyncset.done $0x0  }
0x18b: {  	[sflag:s24] =	ssyncadd.s32 $0xFFFFF800  }
0x18c: {  	_ =	swait.ge [sflag:s24], $0x800  }
0x18d: {  	[sflag:s24] =	ssyncset.done $0x0  }
0x18e: {  	[sflag:s24] =	ssyncadd.s32 $0xFFFFF800  }
0x18f: {  	_ =	swait.ge [sflag:s24], $0x800  }
0x190: {  	[sflag:s24] =	ssyncset.done $0x0  }
0x191: {  	[sflag:s24] =	ssyncadd.s32 $0xFFFFF800  }
0x192: {  	_ =	swait.ge [sflag:s24], $0x800  }
.Ltmp5:
0x193: {  	[sflag:s24] =	ssyncset.done $0x0;
	(pc) =	sbr.rel .LBB2_6-.Ltmp5, $4  }
0x194: {  	[sflag:s24] =	ssyncadd.s32 $0xFFFFF800  }
0x195: {  	_ =	swait.ge [sflag:s24], $0x800  }
0x196: {  	[sflag:s24] =	ssyncset.done $0x0  }
0x197: {  	[sflag:s24] =	ssyncadd.s32 $0xFFFFF800  }
.LBB2_7:
0x198: {  	_ =	sfence.sel $0x180000  }
0x199: {  	[bflag:$0x0] =	sbarrier.arrive $0xFFFF  }
0x19a: {  	_ =	strace $0x90000047  }
0x19b: {  	s0 =	stileid.u32;
	[bflag:$0x2] =	sbarrier.arrive $0xFFFF  }
0x19c: {  	p0 =	sne.s32 s0, $0x0;
	s0 =	rddreg [dreg:$0x4]  }
0x19d: {  	s0 =	sadd.s32 @!p0 $0x100000, s0  }
0x19e: {  	[sflag:s0] =	ssyncadd.tile.s32 @!p0 $0x1;
	_ =	shalt  }
.Lfunc_end2:
_tile_overlayer_lowered:
.L_overlay_start_2:
0x19f: {  	(tag) =	ssettag $0x2  }
0x1a0: {  	s0 =	rddreg [dreg:$0x0];
	s2 =	stileid.u32  }
0x1a1: {  	s1 =	rddreg [dreg:$0x1];
	p0 =	sne.s32 s2, $0x0  }
0x1a2: {  	s3 =	rddreg [dreg:$0x2];
	[bflag:$0x3] =	sbarrier.arrive $0xFFFF;
	s2 =	simm.s32 @!p0 $0x1C04  }
0x1a3: {  	[timem:s3], [sflag:s2] =	dma.local @!p0 [hbm:s0], s1  }
0x1a4: {  	s0 =	simm.s32 @!p0 $0x4  }
0x1a5: {  	_ =	swait.ge @!p0 [sflag:s0], s1  }
0x1a6: {  	s1 =	ssub.s32 @!p0 $0x0, s1;
	[sflag:s0] =	ssyncset.done @!p0 $0x0  }
0x1a7: {  	[sflag:s0] =	ssyncadd.s32 @!p0 s1  }
0x1a8: {  	[bflag:$0x3] =	sbarrier.arrive $0xFFFF  }
0x1a9: {  	_ =	shalt  }

</sc_bundles>
